<compile_context>
chip_gen: v7x
topology: tpu7x:2x2x1
jax: 0.10.2.dev20260603
libtpu: 0.0.44.dev20260713+nightly
codegen_flags: <defaults>
</compile_context>

<pallas_src>
import jax
import jax.numpy as jnp
from jax import lax
from jax.experimental import pallas as pl
from jax.experimental.pallas import tpu as pltpu
from jax.experimental.pallas import tpu_sc as plsc

N = 10000
E = 320000
D = 128
DE = 16

NC = 2
NS = 16
NW = NC * NS
EPW = E // NW
KC = 80
NCHUNK = EPW // KC
NPAD = 10240
RPT = NPAD // NS
ZROWS = 16
Z16R = 40
NV = D // 16
SQR = NS * 8
NB = 1000
GN = N // NB
EB = 4000
GE = E // EB


def _sc_body(u_hbm, dist_hbm, self_hbm, nbr_hbm,
             gu_out, sd_out, z_out, cnt_out, sq_out,
             gu_sh, sd_sh, z_sh, cnt_sh,
             selfi_a, nbri_a, dist_a, rows_a,
             selfi_b, nbri_b, dist_b,
             ones_v, zrow_v, z16_v, sq_v, sem_g, sem_l, sem_s):
    c = lax.axis_index("c")
    s = lax.axis_index("s")
    wid = c * NS + s
    base = s * RPT

    zeros16 = jnp.zeros((16,), jnp.float32)
    ones16 = jnp.ones((16,), jnp.float32)

    def init_ones(i, carry):
        ones_v[i, :] = ones16
        return carry
    lax.fori_loop(0, KC, init_ones, None)

    def init_zrow(i, carry):
        for j in range(NV):
            zrow_v[i, pl.ds(j * 16, 16)] = zeros16
        return carry
    lax.fori_loop(0, ZROWS, init_zrow, None)

    def init_z16(i, carry):
        z16_v[i, :] = zeros16
        return carry
    lax.fori_loop(0, Z16R, init_z16, None)

    def zero_gu(i, carry):
        pltpu.sync_copy(zrow_v, gu_sh.at[pl.ds(base + i * ZROWS, ZROWS)])
        return carry
    lax.fori_loop(0, RPT // ZROWS, zero_gu, None)

    def zero_16(i, carry):
        pltpu.sync_copy(z16_v, sd_sh.at[pl.ds(base + i * Z16R, Z16R)])
        pltpu.sync_copy(z16_v, z_sh.at[pl.ds(base + i * Z16R, Z16R)])
        pltpu.sync_copy(z16_v, cnt_sh.at[pl.ds(base + i * Z16R, Z16R)])
        return carry
    lax.fori_loop(0, RPT // Z16R, zero_16, None)

    plsc.subcore_barrier()

    bufs = ((selfi_a, nbri_a, dist_a),
            (selfi_b, nbri_b, dist_b))

    def fire_loads(t, b):
        si, ni, dv = bufs[b]
        pltpu.async_copy(self_hbm.at[wid, t], si, sem_l)
        pltpu.async_copy(nbr_hbm.at[wid, t], ni, sem_l)
        pltpu.async_copy(dist_hbm.at[wid, t], dv, sem_l)

    def drain_loads(b):
        si, ni, dv = bufs[b]
        pltpu.make_async_copy(self_hbm.at[wid, 0], si, sem_l).wait()
        pltpu.make_async_copy(nbr_hbm.at[wid, 0], ni, sem_l).wait()
        pltpu.make_async_copy(dist_hbm.at[wid, 0], dv, sem_l).wait()

    fire_loads(0, 0)
    drain_loads(0)
    pltpu.async_copy(u_hbm.at[nbri_a], rows_a, sem_g)

    def step(t, b, acc):
        si, ni, dv = bufs[b]
        pltpu.make_async_copy(u_hbm.at[ni], rows_a, sem_g).wait()
        hs1 = pltpu.async_copy(rows_a, gu_sh.at[si], sem_s, add=True)
        hs2 = pltpu.async_copy(dv, sd_sh.at[si], sem_s, add=True)
        hs3 = pltpu.async_copy(dv, z_sh.at[ni], sem_s, add=True)
        hs4 = pltpu.async_copy(ones_v, cnt_sh.at[si], sem_s, add=True)

        @pl.when(t + 1 < NCHUNK)
        def _():
            fire_loads(t + 1, 1 - b)

        def row(r, acc):
            return tuple(
                acc[k] + rows_a[r, pl.ds(k * 16, 16)] *
                rows_a[r, pl.ds(k * 16, 16)]
                for k in range(NV))
        acc = lax.fori_loop(0, KC, row, acc)
        hs1.wait()

        @pl.when(t + 1 < NCHUNK)
        def _():
            drain_loads(1 - b)
            nsi, nni, ndv = bufs[1 - b]
            pltpu.async_copy(u_hbm.at[nni], rows_a, sem_g)
        hs2.wait()
        hs3.wait()
        hs4.wait()
        return acc

    def outer(g, acc):
        acc = step(2 * g, 0, acc)
        return step(2 * g + 1, 1, acc)

    acc0 = tuple(jnp.zeros((16,), jnp.float32) for _ in range(NV))
    acc = lax.fori_loop(0, NCHUNK // 2, outer, acc0)
    if NCHUNK % 2:
        acc = step(NCHUNK - 1, 0, acc)
    for k in range(NV):
        sq_v[k, :] = acc[k]
    pltpu.sync_copy(sq_v, sq_out.at[c, pl.ds(s * 8, 8)])
    plsc.subcore_barrier()

    def out_gu(i, carry):
        pltpu.sync_copy(gu_sh.at[pl.ds(base + i * ZROWS, ZROWS)], zrow_v)
        pltpu.sync_copy(zrow_v,
                        gu_out.at[c, pl.ds(base + i * ZROWS, ZROWS)])
        return carry
    lax.fori_loop(0, RPT // ZROWS, out_gu, None)

    def out_16(i, carry):
        off = base + i * Z16R
        pltpu.sync_copy(sd_sh.at[pl.ds(off, Z16R)], z16_v)
        pltpu.sync_copy(z16_v, sd_out.at[c, pl.ds(off, Z16R)])
        pltpu.sync_copy(z_sh.at[pl.ds(off, Z16R)], z16_v)
        pltpu.sync_copy(z16_v, z_out.at[c, pl.ds(off, Z16R)])
        pltpu.sync_copy(cnt_sh.at[pl.ds(off, Z16R)], z16_v)
        pltpu.sync_copy(z16_v, cnt_out.at[c, pl.ds(off, Z16R)])
        return carry
    lax.fori_loop(0, RPT // Z16R, out_16, None)


_sc_segment = pl.kernel(
    _sc_body,
    out_type=[
        jax.ShapeDtypeStruct((NC, NPAD, D), jnp.float32),
        jax.ShapeDtypeStruct((NC, NPAD, DE), jnp.float32),
        jax.ShapeDtypeStruct((NC, NPAD, DE), jnp.float32),
        jax.ShapeDtypeStruct((NC, NPAD, DE), jnp.float32),
        jax.ShapeDtypeStruct((NC, SQR, DE), jnp.float32),
    ],
    mesh=plsc.VectorSubcoreMesh(core_axis_name="c", subcore_axis_name="s"),
    compiler_params=pltpu.CompilerParams(use_tc_tiling_on_sc=False),
    scratch_types=[
        pltpu.VMEM_SHARED((NPAD, D), jnp.float32),
        pltpu.VMEM_SHARED((NPAD, DE), jnp.float32),
        pltpu.VMEM_SHARED((NPAD, DE), jnp.float32),
        pltpu.VMEM_SHARED((NPAD, DE), jnp.float32),
        pltpu.VMEM((KC,), jnp.int32),
        pltpu.VMEM((KC,), jnp.int32),
        pltpu.VMEM((KC, DE), jnp.float32),
        pltpu.VMEM((KC, D), jnp.float32),
        pltpu.VMEM((KC,), jnp.int32),
        pltpu.VMEM((KC,), jnp.int32),
        pltpu.VMEM((KC, DE), jnp.float32),
        pltpu.VMEM((KC, DE), jnp.float32),
        pltpu.VMEM((ZROWS, D), jnp.float32),
        pltpu.VMEM((Z16R, DE), jnp.float32),
        pltpu.VMEM((8, DE), jnp.float32),
        pltpu.SemaphoreType.DMA,
        pltpu.SemaphoreType.DMA,
        pltpu.SemaphoreType.DMA,
    ],
)


def _u_body(atom_ref, w1a_ref, b1_ref, u_ref):
    u_ref[...] = lax.dot_general(
        atom_ref[...], w1a_ref[...], (((1,), (1,)), ((), ())),
        preferred_element_type=jnp.float32) + b1_ref[...]


def _vsq_body(d_ref, w1b_ref, o_ref):
    @pl.when(pl.program_id(0) == 0)
    def _():
        o_ref[...] = jnp.zeros_like(o_ref)
    v = lax.dot_general(d_ref[...], w1b_ref[...], (((1,), (1,)), ((), ())),
                        preferred_element_type=jnp.float32)
    o_ref[...] += jnp.sum(v * v, axis=0, keepdims=True)


def _stats_body(u_ref, atom_ref, gu_ref, z_ref, cnt_ref, sd_ref,
                su_ref, m2m_ref, acol_ref, s2_ref, sdcol_ref):
    @pl.when(pl.program_id(0) == 0)
    def _():
        su_ref[...] = jnp.zeros_like(su_ref)
        m2m_ref[...] = jnp.zeros_like(m2m_ref)
        acol_ref[...] = jnp.zeros_like(acol_ref)
        s2_ref[...] = jnp.zeros_like(s2_ref)
        sdcol_ref[...] = jnp.zeros_like(sdcol_ref)
    u = u_ref[...]
    gu = gu_ref[0] + gu_ref[1]
    su_ref[...] += jnp.sum(gu, axis=0, keepdims=True)
    z = z_ref[0] + z_ref[1]
    m2m_ref[...] += lax.dot_general(u, z, (((0,), (0,)), ((), ())),
                                    preferred_element_type=jnp.float32)
    cnt = cnt_ref[0, :, 0:1] + cnt_ref[1, :, 0:1]
    am = jnp.where(cnt > 0.0, atom_ref[...], 0.0)
    acol_ref[...] += jnp.sum(am, axis=0, keepdims=True)
    s2_ref[...] += lax.dot_general(am, am, (((0,), (0,)), ((), ())),
                                   preferred_element_type=jnp.float32)
    sdcol_ref[...] += jnp.sum(sd_ref[0] + sd_ref[1], axis=0, keepdims=True)


def _final_body(gu_ref, sd_ref, cnt_ref, atom_ref,
                su_ref, susq_ref, m2m_ref, acol_ref, s2_ref, sdcol_ref,
                vsq_ref, w1b_ref, w2_ref, b2_ref, g1_ref, be1_ref,
                g2_ref, be2_ref, o_ref):
    w1b = w1b_ref[...]
    w2 = w2_ref[...]
    b2 = b2_ref[...]
    inv_e = jnp.float32(1.0 / E)
    m1 = (su_ref[...] + lax.dot_general(
        sdcol_ref[...], w1b, (((1,), (1,)), ((), ())),
        preferred_element_type=jnp.float32)) * inv_e
    susq = susq_ref[...]
    cross = jnp.sum(w1b * m2m_ref[...], axis=1)[None, :]
    et2 = (susq + 2.0 * cross + vsq_ref[...]) * inv_e
    v1 = et2 - m1 * m1
    s1 = g1_ref[...] * lax.rsqrt(v1 + 1e-5)
    t1 = be1_ref[...] - m1 * s1

    mu_a = acol_ref[...] * jnp.float32(1.0 / N)
    p = lax.dot_general(mu_a, w2, (((1,), (1,)), ((), ())),
                        preferred_element_type=jnp.float32)
    t_mat = lax.dot_general(w2, s2_ref[...] * jnp.float32(1.0 / N),
                            (((1,), (0,)), ((), ())),
                            preferred_element_type=jnp.float32)
    q = jnp.sum(t_mat * w2, axis=1)[None, :]
    v2 = q - p * p
    s2c = g2_ref[...] * lax.rsqrt(v2 + 1e-5)
    t2c = be2_ref[...] - (p + b2) * s2c

    cnt = cnt_ref[0, :, 0:1] + cnt_ref[1, :, 0:1]
    mask = cnt > 0.0
    gu = gu_ref[0] + gu_ref[1]
    sdw = lax.dot_general(sd_ref[0] + sd_ref[1], w1b, (((1,), (1,)), ((), ())),
                          preferred_element_type=jnp.float32)
    fea = jnp.where(mask, (gu + sdw) / jnp.maximum(cnt, 1.0) * s1 + t1, 0.0)
    am = jnp.where(mask, atom_ref[...], 0.0)
    y = lax.dot_general(am, w2, (((1,), (1,)), ((), ())),
                        preferred_element_type=jnp.float32) + b2
    x = y * s2c + t2c + fea
    o_ref[...] = jnp.maximum(x, 0.0) + jnp.log1p(jnp.exp(-jnp.abs(x)))


_full = pl.BlockSpec((1, D), lambda i: (0, 0))
_full16 = pl.BlockSpec((1, DE), lambda i: (0, 0))
_blkN = pl.BlockSpec((NB, D), lambda i: (i, 0))
_blk3 = pl.BlockSpec((NC, NB, D), lambda i: (0, i, 0))
_blk3_16 = pl.BlockSpec((NC, NB, DE), lambda i: (0, i, 0))


_u_call = pl.pallas_call(
    _u_body,
    grid=(GN,),
    in_specs=[_blkN,
              pl.BlockSpec((D, D), lambda i: (0, 0)),
              _full],
    out_specs=_blkN,
    out_shape=jax.ShapeDtypeStruct((N, D), jnp.float32),
)

_vsq_call = pl.pallas_call(
    _vsq_body,
    grid=(GE,),
    in_specs=[pl.BlockSpec((EB, DE), lambda i: (i, 0)),
              pl.BlockSpec((D, DE), lambda i: (0, 0))],
    out_specs=_full,
    out_shape=jax.ShapeDtypeStruct((1, D), jnp.float32),
)

_stats_call = pl.pallas_call(
    _stats_body,
    grid=(GN,),
    in_specs=[_blkN, _blkN, _blk3, _blk3_16, _blk3_16, _blk3_16],
    out_specs=[_full,
               pl.BlockSpec((D, DE), lambda i: (0, 0)),
               _full,
               pl.BlockSpec((D, D), lambda i: (0, 0)),
               _full16],
    out_shape=[jax.ShapeDtypeStruct((1, D), jnp.float32),
               jax.ShapeDtypeStruct((D, DE), jnp.float32),
               jax.ShapeDtypeStruct((1, D), jnp.float32),
               jax.ShapeDtypeStruct((D, D), jnp.float32),
               jax.ShapeDtypeStruct((1, DE), jnp.float32)],
)

_final_call = pl.pallas_call(
    _final_body,
    grid=(GN,),
    in_specs=[_blk3, _blk3_16, _blk3_16, _blkN,
              _full, _full,
              pl.BlockSpec((D, DE), lambda i: (0, 0)),
              _full,
              pl.BlockSpec((D, D), lambda i: (0, 0)),
              _full16, _full,
              pl.BlockSpec((D, DE), lambda i: (0, 0)),
              pl.BlockSpec((D, D), lambda i: (0, 0)),
              _full, _full, _full, _full, _full],
    out_specs=_blkN,
    out_shape=jax.ShapeDtypeStruct((N, D), jnp.float32),
)


@jax.jit
def _run(atom_fea, nbr_dist_fea, self_fea_idx, nbr_fea_idx,
         W1, b1, g1, be1, W2, b2, g2, be2):
    w1a = W1[:, :D]
    w1b = W1[:, D:]
    u = _u_call(atom_fea, w1a, b1.reshape(1, D))
    vsq = _vsq_call(nbr_dist_fea, w1b)
    self_r = self_fea_idx.reshape(NW, NCHUNK, KC)
    nbr_r = nbr_fea_idx.reshape(NW, NCHUNK, KC)
    dist_r = nbr_dist_fea.reshape(NW, NCHUNK, KC, DE)
    gu2, sd2, z2, cnt2, sq2 = _sc_segment(u, dist_r, self_r, nbr_r)
    susq = sq2.reshape(NC, NS, 8, DE).sum(axis=(0, 1)).reshape(1, D)
    su, m2m, acol, s2g, sdcol = _stats_call(u, atom_fea, gu2, z2, cnt2, sd2)
    return _final_call(gu2, sd2, cnt2, atom_fea, su, susq, m2m, acol, s2g,
                       sdcol, vsq, w1b, W2, b2.reshape(1, D),
                       g1.reshape(1, D), be1.reshape(1, D),
                       g2.reshape(1, D), be2.reshape(1, D))


def kernel(atom_fea, nbr_dist_fea, nbr_adj_value, nbr_bond_type,
           self_fea_idx, nbr_fea_idx, ads_atom_idx,
           W1, b1, g1, be1, W2, b2, g2, be2):
    del nbr_adj_value, nbr_bond_type, ads_atom_idx
    return _run(atom_fea, nbr_dist_fea, self_fea_idx, nbr_fea_idx,
                W1, b1, g1, be1, W2, b2, g2, be2)

# --- scband reference (transcript-rebuilt; emitter-appended) ---
"""Pipeline reference for scband-conv-layer-6777458393320 (READ-ONLY COPY).

The authoritative reference and input builder live on the scoring server;
editing this copy changes nothing except your own understanding.
"""

import jax, jax.numpy as jnp
import numpy as np

N = 10000
E = 320000
D = 128
DE = 16


def _scatter_mean(data, idx, n):
    sums = jax.ops.segment_sum(data, idx, num_segments=n)
    cnt = jax.ops.segment_sum(jnp.ones((data.shape[0], 1), dtype=data.dtype), idx, num_segments=n)
    return sums / jnp.clip(cnt, 1.0)


def _batchnorm(x, gamma, beta, eps=1e-5):
    m = jnp.mean(x, axis=0)
    v = jnp.var(x, axis=0)
    return (x - m) / jnp.sqrt(v + eps) * gamma + beta


def setup_inputs(seed: int = 0) -> dict:
    key = jax.random.key(seed)
    ks = [jax.random.fold_in(key, i) for i in range(16)]
    atom_fea = jax.random.normal(ks[0], (N, D), dtype=jnp.float32)
    nbr_dist_fea = jax.random.normal(ks[1], (E, DE), dtype=jnp.float32)
    nbr_adj_value = jax.random.uniform(ks[2], (E,), dtype=jnp.float32)
    nbr_bond_type = jax.random.randint(ks[3], (N,), 0, 4, dtype=jnp.int64) if jax.config.jax_enable_x64 else jax.random.randint(ks[3], (N,), 0, 4, dtype=jnp.int32)
    self_fea_idx = jnp.sort(jax.random.randint(ks[4], (E,), 0, N, dtype=jnp.int32))
    nbr_fea_idx = jax.random.randint(ks[5], (E,), 0, N, dtype=jnp.int32)
    ads_atom_idx = jax.random.randint(ks[6], (N,), 0, N, dtype=jnp.int32)
    W1 = jax.random.normal(ks[7], (D, D + DE), dtype=jnp.float32) * 0.05
    b1 = jnp.zeros((D,), dtype=jnp.float32)
    W2 = jax.random.normal(ks[8], (D, D), dtype=jnp.float32) * 0.05
    b2 = jnp.zeros((D,), dtype=jnp.float32)
    g1 = jnp.ones((D,), dtype=jnp.float32)
    be1 = jnp.zeros((D,), dtype=jnp.float32)
    g2 = jnp.ones((D,), dtype=jnp.float32)
    be2 = jnp.zeros((D,), dtype=jnp.float32)
    return {
        "atom_fea": atom_fea,
        "nbr_dist_fea": nbr_dist_fea,
        "nbr_adj_value": nbr_adj_value,
        "nbr_bond_type": nbr_bond_type,
        "self_fea_idx": self_fea_idx,
        "nbr_fea_idx": nbr_fea_idx,
        "ads_atom_idx": ads_atom_idx,
        "W1": W1, "b1": b1, "g1": g1, "be1": be1,
        "W2": W2, "b2": b2, "g2": g2, "be2": be2,
    }


def reference(atom_fea, nbr_dist_fea, nbr_adj_value, nbr_bond_type, self_fea_idx, nbr_fea_idx, ads_atom_idx, W1, b1, g1, be1, W2, b2, g2, be2):
    # gather self and neighbor node features per edge
    atom_self_fea = atom_fea[self_fea_idx, :]
    atom_nbr_fea = atom_fea[nbr_fea_idx, :]
    # faithful to original: computed but unused downstream
    atom_bond_type = nbr_bond_type.reshape(-1, 1)[nbr_fea_idx, :].astype(jnp.float64) if jax.config.jax_enable_x64 else nbr_bond_type.reshape(-1, 1)[nbr_fea_idx, :].astype(jnp.float32)
    del atom_bond_type
    total_fea = jnp.concatenate([atom_nbr_fea, nbr_dist_fea], axis=1)
    total_fea = total_fea @ W1.T + b1
    total_fea = _batchnorm(total_fea, g1, be1)
    # computed but unused in original forward
    nbr_fea_mean = _scatter_mean(atom_nbr_fea, self_fea_idx, N)
    del nbr_fea_mean
    fea_summed = _scatter_mean(total_fea, self_fea_idx, N)
    node_summed = _scatter_mean(atom_self_fea, self_fea_idx, N)
    node_summed = node_summed @ W2.T + b2
    node_summed = _batchnorm(node_summed, g2, be2)
    out = jax.nn.softplus(node_summed + fea_summed)
    return out

if __name__ == "__main__":
    import jax
    _d = setup_inputs()
    print(jax.jit(kernel)(*tuple(_d.values())))

</pallas_src>

<mosaic_0001>
#map = affine_map<(d0, d1) -> (0, 0)>
#map1 = affine_map<(d0, d1) -> (0, 0, 0, 0)>
#map2 = affine_map<(d0, d1) -> (0, 0, 0)>
module attributes {stable_mosaic.version = 14 : i64} {
  func.func @_sc_body(%arg0: i32, %arg1: i32, %arg2: memref<10000x128xf32, #tpu.memory_space<hbm>>, %arg3: memref<32x125x80x16xf32, #tpu.memory_space<hbm>>, %arg4: memref<32x125x80xi32, #tpu.memory_space<hbm>>, %arg5: memref<32x125x80xi32, #tpu.memory_space<hbm>>, %arg6: memref<2x10240x128xf32, #tpu.memory_space<hbm>>, %arg7: memref<2x10240x16xf32, #tpu.memory_space<hbm>>, %arg8: memref<2x10240x16xf32, #tpu.memory_space<hbm>>, %arg9: memref<2x10240x16xf32, #tpu.memory_space<hbm>>, %arg10: memref<2x128x16xf32, #tpu.memory_space<hbm>>, %arg11: memref<10240x128xf32, #tpu.memory_space<vmem_shared>>, %arg12: memref<10240x16xf32, #tpu.memory_space<vmem_shared>>, %arg13: memref<10240x16xf32, #tpu.memory_space<vmem_shared>>, %arg14: memref<10240x16xf32, #tpu.memory_space<vmem_shared>>, %arg15: memref<80xi32, #tpu.memory_space<vmem>>, %arg16: memref<80xi32, #tpu.memory_space<vmem>>, %arg17: memref<80x16xf32, #tpu.memory_space<vmem>>, %arg18: memref<80x128xf32, #tpu.memory_space<vmem>>, %arg19: memref<80xi32, #tpu.memory_space<vmem>>, %arg20: memref<80xi32, #tpu.memory_space<vmem>>, %arg21: memref<80x16xf32, #tpu.memory_space<vmem>>, %arg22: memref<80x16xf32, #tpu.memory_space<vmem>>, %arg23: memref<16x128xf32, #tpu.memory_space<vmem>>, %arg24: memref<40x16xf32, #tpu.memory_space<vmem>>, %arg25: memref<8x16xf32, #tpu.memory_space<vmem>>, %arg26: memref<!tpu.dma_semaphore, #tpu.memory_space<semaphore_mem>>, %arg27: memref<!tpu.dma_semaphore, #tpu.memory_space<semaphore_mem>>, %arg28: memref<!tpu.dma_semaphore, #tpu.memory_space<semaphore_mem>>) attributes {dimension_semantics = [#tpu.dimension_semantics<core_parallel>, #tpu.dimension_semantics<subcore_parallel>], iteration_bounds = array<i64: 2, 16>, scalar_prefetch = 0 : i64, scratch_operands = 18 : i64, tpu.core_type = #tpu.core_type<sc_vector_subcore>, window_params = [{transform_indices = #map}, {transform_indices = #map1}, {transform_indices = #map2}, {transform_indices = #map2}, {transform_indices = #map2}, {transform_indices = #map2}, {transform_indices = #map2}, {transform_indices = #map2}, {transform_indices = #map2}]} {
    %mul3A = arith.constant 16 : i32
    %mul3A_0 = arith.muli %arg0, %mul3A : i32
    %add3A = arith.addi %mul3A_0, %arg1 : i32
    %mul3A_1 = arith.constant 640 : i32
    %mul3A_2 = arith.muli %arg1, %mul3A_1 : i32
    %broadcast_in_dim3A = arith.constant 0.000000e+00 : f32
    %broadcast_in_dim3A_3 = vector.broadcast %broadcast_in_dim3A : f32 to vector<16xf32>
    %broadcast_in_dim3A_4 = arith.constant 1.000000e+00 : f32
    %broadcast_in_dim3A_5 = vector.broadcast %broadcast_in_dim3A_4 : f32 to vector<16xf32>
    %scan3A = arith.constant 0 : i32
    %scan3A_6 = arith.constant 80 : i32
    %scan3A_7 = arith.addi %scan3A, %scan3A_6 : i32
    %scan3A_8 = arith.constant 1 : i32
    scf.for %scan3A_192 = %scan3A to %scan3A_7 step %scan3A_8  : i32 {
      %swap3A_193 = arith.index_cast %scan3A_192 : i32 to index
      %swap3A_194 = arith.constant 0 : index
      %swap3A_195 = tpu.vector_load %arg22[%swap3A_193, %swap3A_194] {strides = array<i32>} : memref<80x16xf32, #tpu.memory_space<vmem>>, vector<1x16xf32>,
      %swap3A_196 = vector.shape_cast %swap3A_195 : vector<1x16xf32> to vector<16xf32>
      %swap3A_197 = vector.shape_cast %broadcast_in_dim3A_5 : vector<16xf32> to vector<1x16xf32>
      tpu.vector_store %arg22[%swap3A_193, %swap3A_194], %swap3A_197 {strides = array<i32>} : memref<80x16xf32, #tpu.memory_space<vmem>>, vector<1x16xf32>,
    }
    %scan3A_9 = arith.constant 80 : i32
    %scan3A_10 = arith.constant 0 : i32
    %scan3A_11 = arith.constant 16 : i32
    %scan3A_12 = arith.addi %scan3A_10, %scan3A_11 : i32
    %scan3A_13 = arith.constant 1 : i32
    scf.for %scan3A_192 = %scan3A_10 to %scan3A_12 step %scan3A_13  : i32 {
      %swap3A_193 = arith.index_cast %scan3A_192 : i32 to index
      %swap3A_194 = arith.constant 0 : index
      %swap3A_195 = tpu.vector_load %arg23[%swap3A_193, %swap3A_194] {strides = array<i32>} : memref<16x128xf32, #tpu.memory_space<vmem>>, vector<1x16xf32>,
      %swap3A_196 = vector.shape_cast %swap3A_195 : vector<1x16xf32> to vector<16xf32>
      %swap3A_197 = vector.shape_cast %broadcast_in_dim3A_3 : vector<16xf32> to vector<1x16xf32>
      tpu.vector_store %arg23[%swap3A_193, %swap3A_194], %swap3A_197 {strides = array<i32>} : memref<16x128xf32, #tpu.memory_space<vmem>>, vector<1x16xf32>,
      %swap3A_198 = arith.index_cast %scan3A_192 : i32 to index
      %swap3A_199 = arith.constant 16 : index
      %swap3A_200 = tpu.vector_load %arg23[%swap3A_198, %swap3A_199] {strides = array<i32>} : memref<16x128xf32, #tpu.memory_space<vmem>>, vector<1x16xf32>,
      %swap3A_201 = vector.shape_cast %swap3A_200 : vector<1x16xf32> to vector<16xf32>
      %swap3A_202 = vector.shape_cast %broadcast_in_dim3A_3 : vector<16xf32> to vector<1x16xf32>
      tpu.vector_store %arg23[%swap3A_198, %swap3A_199], %swap3A_202 {strides = array<i32>} : memref<16x128xf32, #tpu.memory_space<vmem>>, vector<1x16xf32>,
      %swap3A_203 = arith.index_cast %scan3A_192 : i32 to index
      %swap3A_204 = arith.constant 32 : index
      %swap3A_205 = tpu.vector_load %arg23[%swap3A_203, %swap3A_204] {strides = array<i32>} : memref<16x128xf32, #tpu.memory_space<vmem>>, vector<1x16xf32>,
      %swap3A_206 = vector.shape_cast %swap3A_205 : vector<1x16xf32> to vector<16xf32>
      %swap3A_207 = vector.shape_cast %broadcast_in_dim3A_3 : vector<16xf32> to vector<1x16xf32>
      tpu.vector_store %arg23[%swap3A_203, %swap3A_204], %swap3A_207 {strides = array<i32>} : memref<16x128xf32, #tpu.memory_space<vmem>>, vector<1x16xf32>,
      %swap3A_208 = arith.index_cast %scan3A_192 : i32 to index
      %swap3A_209 = arith.constant 48 : index
      %swap3A_210 = tpu.vector_load %arg23[%swap3A_208, %swap3A_209] {strides = array<i32>} : memref<16x128xf32, #tpu.memory_space<vmem>>, vector<1x16xf32>,
      %swap3A_211 = vector.shape_cast %swap3A_210 : vector<1x16xf32> to vector<16xf32>
      %swap3A_212 = vector.shape_cast %broadcast_in_dim3A_3 : vector<16xf32> to vector<1x16xf32>
      tpu.vector_store %arg23[%swap3A_208, %swap3A_209], %swap3A_212 {strides = array<i32>} : memref<16x128xf32, #tpu.memory_space<vmem>>, vector<1x16xf32>,
      %swap3A_213 = arith.index_cast %scan3A_192 : i32 to index
      %swap3A_214 = arith.constant 64 : index
      %swap3A_215 = tpu.vector_load %arg23[%swap3A_213, %swap3A_214] {strides = array<i32>} : memref<16x128xf32, #tpu.memory_space<vmem>>, vector<1x16xf32>,
      %swap3A_216 = vector.shape_cast %swap3A_215 : vector<1x16xf32> to vector<16xf32>
      %swap3A_217 = vector.shape_cast %broadcast_in_dim3A_3 : vector<16xf32> to vector<1x16xf32>
      tpu.vector_store %arg23[%swap3A_213, %swap3A_214], %swap3A_217 {strides = array<i32>} : memref<16x128xf32, #tpu.memory_space<vmem>>, vector<1x16xf32>,
      %swap3A_218 = arith.index_cast %scan3A_192 : i32 to index
      %swap3A_219 = arith.constant 80 : index
      %swap3A_220 = tpu.vector_load %arg23[%swap3A_218, %swap3A_219] {strides = array<i32>} : memref<16x128xf32, #tpu.memory_space<vmem>>, vector<1x16xf32>,
      %swap3A_221 = vector.shape_cast %swap3A_220 : vector<1x16xf32> to vector<16xf32>
      %swap3A_222 = vector.shape_cast %broadcast_in_dim3A_3 : vector<16xf32> to vector<1x16xf32>
      tpu.vector_store %arg23[%swap3A_218, %swap3A_219], %swap3A_222 {strides = array<i32>} : memref<16x128xf32, #tpu.memory_space<vmem>>, vector<1x16xf32>,
      %swap3A_223 = arith.index_cast %scan3A_192 : i32 to index
      %swap3A_224 = arith.constant 96 : index
      %swap3A_225 = tpu.vector_load %arg23[%swap3A_223, %swap3A_224] {strides = array<i32>} : memref<16x128xf32, #tpu.memory_space<vmem>>, vector<1x16xf32>,
      %swap3A_226 = vector.shape_cast %swap3A_225 : vector<1x16xf32> to vector<16xf32>
      %swap3A_227 = vector.shape_cast %broadcast_in_dim3A_3 : vector<16xf32> to vector<1x16xf32>
      tpu.vector_store %arg23[%swap3A_223, %swap3A_224], %swap3A_227 {strides = array<i32>} : memref<16x128xf32, #tpu.memory_space<vmem>>, vector<1x16xf32>,
      %swap3A_228 = arith.index_cast %scan3A_192 : i32 to index
      %swap3A_229 = arith.constant 112 : index
      %swap3A_230 = tpu.vector_load %arg23[%swap3A_228, %swap3A_229] {strides = array<i32>} : memref<16x128xf32, #tpu.memory_space<vmem>>, vector<1x16xf32>,
      %swap3A_231 = vector.shape_cast %swap3A_230 : vector<1x16xf32> to vector<16xf32>
      %swap3A_232 = vector.shape_cast %broadcast_in_dim3A_3 : vector<16xf32> to vector<1x16xf32>
      tpu.vector_store %arg23[%swap3A_228, %swap3A_229], %swap3A_232 {strides = array<i32>} : memref<16x128xf32, #tpu.memory_space<vmem>>, vector<1x16xf32>,
    }
    %scan3A_14 = arith.constant 16 : i32
    %scan3A_15 = arith.constant 0 : i32
    %scan3A_16 = arith.constant 40 : i32
    %scan3A_17 = arith.addi %scan3A_15, %scan3A_16 : i32
    %scan3A_18 = arith.constant 1 : i32
    scf.for %scan3A_192 = %scan3A_15 to %scan3A_17 step %scan3A_18  : i32 {
      %swap3A_193 = arith.index_cast %scan3A_192 : i32 to index
      %swap3A_194 = arith.constant 0 : index
      %swap3A_195 = tpu.vector_load %arg24[%swap3A_193, %swap3A_194] {strides = array<i32>} : memref<40x16xf32, #tpu.memory_space<vmem>>, vector<1x16xf32>,
      %swap3A_196 = vector.shape_cast %swap3A_195 : vector<1x16xf32> to vector<16xf32>
      %swap3A_197 = vector.shape_cast %broadcast_in_dim3A_3 : vector<16xf32> to vector<1x16xf32>
      tpu.vector_store %arg24[%swap3A_193, %swap3A_194], %swap3A_197 {strides = array<i32>} : memref<40x16xf32, #tpu.memory_space<vmem>>, vector<1x16xf32>,
    }
    %scan3A_19 = arith.constant 40 : i32
    %scan3A_20 = arith.constant 0 : i32
    %scan3A_21 = arith.constant 40 : i32
    %scan3A_22 = arith.addi %scan3A_20, %scan3A_21 : i32
    %scan3A_23 = arith.constant 1 : i32
    scf.for %scan3A_192 = %scan3A_20 to %scan3A_22 step %scan3A_23  : i32 {
      %mul3A_193 = arith.constant 16 : i32
      %mul3A_194 = arith.muli %scan3A_192, %mul3A_193 : i32
      %add3A_195 = arith.addi %mul3A_2, %mul3A_194 : i32
      "tpu.region"() ({
        %run_scoped3A = tpu.sem_alloc : memref<!tpu.dma_semaphore, #tpu.memory_space<semaphore_mem>>
        %dma_start3A_196 = arith.constant 0 : i32
        %dma_start3A_197 = tpu.memref_slice %arg11[%add3A_195, %dma_start3A_196] : memref<10240x128xf32, #tpu.memory_space<vmem_shared>> -> memref<16x128xf32, #tpu.memory_space<vmem_shared>>
        %dma_start3A_198 = arith.constant 0 : i32
        %dma_start3A_199 = tpu.memref_slice %arg11[%add3A_195, %dma_start3A_198] : memref<10240x128xf32, #tpu.memory_space<vmem_shared>> -> memref<16x128xf32, #tpu.memory_space<vmem_shared>>
        tpu.enqueue_dma source(%arg23 : memref<16x128xf32, #tpu.memory_space<vmem>>) target(%dma_start3A_199 : memref<16x128xf32, #tpu.memory_space<vmem_shared>>) target_semaphore(%run_scoped3A : memref<!tpu.dma_semaphore, #tpu.memory_space<semaphore_mem>>)
        %dma_wait3A_200 = arith.constant 0 : i32
        %dma_wait3A_201 = tpu.memref_slice %arg11[%add3A_195, %dma_wait3A_200] : memref<10240x128xf32, #tpu.memory_space<vmem_shared>> -> memref<16x128xf32, #tpu.memory_space<vmem_shared>>
        %dma_wait3A_202 = arith.constant 0 : i32
        %dma_wait3A_203 = tpu.memref_slice %arg11[%add3A_195, %dma_wait3A_202] : memref<10240x128xf32, #tpu.memory_space<vmem_shared>> -> memref<16x128xf32, #tpu.memory_space<vmem_shared>>
        tpu.wait_dma2 semaphore(%run_scoped3A : memref<!tpu.dma_semaphore, #tpu.memory_space<semaphore_mem>>) src(%arg23 : memref<16x128xf32, #tpu.memory_space<vmem>>) dst(%dma_wait3A_203 : memref<16x128xf32, #tpu.memory_space<vmem_shared>>)
        tpu.yield
      }) : () -> ()
    }
    %scan3A_24 = arith.constant 40 : i32
    %scan3A_25 = arith.constant 0 : i32
    %scan3A_26 = arith.constant 16 : i32
    %scan3A_27 = arith.addi %scan3A_25, %scan3A_26 : i32
    %scan3A_28 = arith.constant 1 : i32
    scf.for %scan3A_192 = %scan3A_25 to %scan3A_27 step %scan3A_28  : i32 {
      %mul3A_193 = arith.constant 40 : i32
      %mul3A_194 = arith.muli %scan3A_192, %mul3A_193 : i32
      %add3A_195 = arith.addi %mul3A_2, %mul3A_194 : i32
      "tpu.region"() ({
        %run_scoped3A = tpu.sem_alloc : memref<!tpu.dma_semaphore, #tpu.memory_space<semaphore_mem>>
        %dma_start3A_202 = arith.constant 0 : i32
        %dma_start3A_203 = tpu.memref_slice %arg12[%add3A_195, %dma_start3A_202] : memref<10240x16xf32, #tpu.memory_space<vmem_shared>> -> memref<40x16xf32, #tpu.memory_space<vmem_shared>>
        %dma_start3A_204 = arith.constant 0 : i32
        %dma_start3A_205 = tpu.memref_slice %arg12[%add3A_195, %dma_start3A_204] : memref<10240x16xf32, #tpu.memory_space<vmem_shared>> -> memref<40x16xf32, #tpu.memory_space<vmem_shared>>
        tpu.enqueue_dma source(%arg24 : memref<40x16xf32, #tpu.memory_space<vmem>>) target(%dma_start3A_205 : memref<40x16xf32, #tpu.memory_space<vmem_shared>>) target_semaphore(%run_scoped3A : memref<!tpu.dma_semaphore, #tpu.memory_space<semaphore_mem>>)
        %dma_wait3A_206 = arith.constant 0 : i32
        %dma_wait3A_207 = tpu.memref_slice %arg12[%add3A_195, %dma_wait3A_206] : memref<10240x16xf32, #tpu.memory_space<vmem_shared>> -> memref<40x16xf32, #tpu.memory_space<vmem_shared>>
        %dma_wait3A_208 = arith.constant 0 : i32
        %dma_wait3A_209 = tpu.memref_slice %arg12[%add3A_195, %dma_wait3A_208] : memref<10240x16xf32, #tpu.memory_space<vmem_shared>> -> memref<40x16xf32, #tpu.memory_space<vmem_shared>>
        tpu.wait_dma2 semaphore(%run_scoped3A : memref<!tpu.dma_semaphore, #tpu.memory_space<semaphore_mem>>) src(%arg24 : memref<40x16xf32, #tpu.memory_space<vmem>>) dst(%dma_wait3A_209 : memref<40x16xf32, #tpu.memory_space<vmem_shared>>)
        tpu.yield
      }) : () -> ()
      %mul3A_196 = arith.constant 40 : i32
      %mul3A_197 = arith.muli %scan3A_192, %mul3A_196 : i32
      %add3A_198 = arith.addi %mul3A_2, %mul3A_197 : i32
      "tpu.region"() ({
        %run_scoped3A = tpu.sem_alloc : memref<!tpu.dma_semaphore, #tpu.memory_space<semaphore_mem>>
        %dma_start3A_202 = arith.constant 0 : i32
        %dma_start3A_203 = tpu.memref_slice %arg13[%add3A_198, %dma_start3A_202] : memref<10240x16xf32, #tpu.memory_space<vmem_shared>> -> memref<40x16xf32, #tpu.memory_space<vmem_shared>>
        %dma_start3A_204 = arith.constant 0 : i32
        %dma_start3A_205 = tpu.memref_slice %arg13[%add3A_198, %dma_start3A_204] : memref<10240x16xf32, #tpu.memory_space<vmem_shared>> -> memref<40x16xf32, #tpu.memory_space<vmem_shared>>
        tpu.enqueue_dma source(%arg24 : memref<40x16xf32, #tpu.memory_space<vmem>>) target(%dma_start3A_205 : memref<40x16xf32, #tpu.memory_space<vmem_shared>>) target_semaphore(%run_scoped3A : memref<!tpu.dma_semaphore, #tpu.memory_space<semaphore_mem>>)
        %dma_wait3A_206 = arith.constant 0 : i32
        %dma_wait3A_207 = tpu.memref_slice %arg13[%add3A_198, %dma_wait3A_206] : memref<10240x16xf32, #tpu.memory_space<vmem_shared>> -> memref<40x16xf32, #tpu.memory_space<vmem_shared>>
        %dma_wait3A_208 = arith.constant 0 : i32
        %dma_wait3A_209 = tpu.memref_slice %arg13[%add3A_198, %dma_wait3A_208] : memref<10240x16xf32, #tpu.memory_space<vmem_shared>> -> memref<40x16xf32, #tpu.memory_space<vmem_shared>>
        tpu.wait_dma2 semaphore(%run_scoped3A : memref<!tpu.dma_semaphore, #tpu.memory_space<semaphore_mem>>) src(%arg24 : memref<40x16xf32, #tpu.memory_space<vmem>>) dst(%dma_wait3A_209 : memref<40x16xf32, #tpu.memory_space<vmem_shared>>)
        tpu.yield
      }) : () -> ()
      %mul3A_199 = arith.constant 40 : i32
      %mul3A_200 = arith.muli %scan3A_192, %mul3A_199 : i32
      %add3A_201 = arith.addi %mul3A_2, %mul3A_200 : i32
      "tpu.region"() ({
        %run_scoped3A = tpu.sem_alloc : memref<!tpu.dma_semaphore, #tpu.memory_space<semaphore_mem>>
        %dma_start3A_202 = arith.constant 0 : i32
        %dma_start3A_203 = tpu.memref_slice %arg14[%add3A_201, %dma_start3A_202] : memref<10240x16xf32, #tpu.memory_space<vmem_shared>> -> memref<40x16xf32, #tpu.memory_space<vmem_shared>>
        %dma_start3A_204 = arith.constant 0 : i32
        %dma_start3A_205 = tpu.memref_slice %arg14[%add3A_201, %dma_start3A_204] : memref<10240x16xf32, #tpu.memory_space<vmem_shared>> -> memref<40x16xf32, #tpu.memory_space<vmem_shared>>
        tpu.enqueue_dma source(%arg24 : memref<40x16xf32, #tpu.memory_space<vmem>>) target(%dma_start3A_205 : memref<40x16xf32, #tpu.memory_space<vmem_shared>>) target_semaphore(%run_scoped3A : memref<!tpu.dma_semaphore, #tpu.memory_space<semaphore_mem>>)
        %dma_wait3A_206 = arith.constant 0 : i32
        %dma_wait3A_207 = tpu.memref_slice %arg14[%add3A_201, %dma_wait3A_206] : memref<10240x16xf32, #tpu.memory_space<vmem_shared>> -> memref<40x16xf32, #tpu.memory_space<vmem_shared>>
        %dma_wait3A_208 = arith.constant 0 : i32
        %dma_wait3A_209 = tpu.memref_slice %arg14[%add3A_201, %dma_wait3A_208] : memref<10240x16xf32, #tpu.memory_space<vmem_shared>> -> memref<40x16xf32, #tpu.memory_space<vmem_shared>>
        tpu.wait_dma2 semaphore(%run_scoped3A : memref<!tpu.dma_semaphore, #tpu.memory_space<semaphore_mem>>) src(%arg24 : memref<40x16xf32, #tpu.memory_space<vmem>>) dst(%dma_wait3A_209 : memref<40x16xf32, #tpu.memory_space<vmem_shared>>)
        tpu.yield
      }) : () -> ()
    }
    %scan3A_29 = arith.constant 16 : i32
    %barrier3A = arith.constant 0 : index
    tpu.barrier barrier_id(%barrier3A)
    %dma_start3A = arith.constant 0 : i32
    %dma_start3A_30 = arith.constant 0 : i32
    %dma_start3A_31 = tpu.memref_slice %arg4[%add3A, %dma_start3A, %dma_start3A_30] : memref<32x125x80xi32, #tpu.memory_space<hbm>> -> memref<1x1x80xi32, #tpu.memory_space<hbm>>
    %dma_start3A_32 = tpu.memref_squeeze %dma_start3A_31 : memref<1x1x80xi32, #tpu.memory_space<hbm>> -> memref<80xi32, #tpu.memory_space<hbm>>
    %dma_start3A_33 = arith.constant 0 : i32
    %dma_start3A_34 = tpu.memref_slice %arg4[%add3A, %dma_start3A, %dma_start3A_33] : memref<32x125x80xi32, #tpu.memory_space<hbm>> -> memref<1x1x80xi32, #tpu.memory_space<hbm>>
    %dma_start3A_35 = tpu.memref_squeeze %dma_start3A_34 : memref<1x1x80xi32, #tpu.memory_space<hbm>> -> memref<80xi32, #tpu.memory_space<hbm>>
    tpu.enqueue_dma source(%dma_start3A_35 : memref<80xi32, #tpu.memory_space<hbm>>) target(%arg15 : memref<80xi32, #tpu.memory_space<vmem>>) target_semaphore(%arg27 : memref<!tpu.dma_semaphore, #tpu.memory_space<semaphore_mem>>)
    %dma_start3A_36 = arith.constant 0 : i32
    %dma_start3A_37 = arith.constant 0 : i32
    %dma_start3A_38 = tpu.memref_slice %arg5[%add3A, %dma_start3A_36, %dma_start3A_37] : memref<32x125x80xi32, #tpu.memory_space<hbm>> -> memref<1x1x80xi32, #tpu.memory_space<hbm>>
    %dma_start3A_39 = tpu.memref_squeeze %dma_start3A_38 : memref<1x1x80xi32, #tpu.memory_space<hbm>> -> memref<80xi32, #tpu.memory_space<hbm>>
    %dma_start3A_40 = arith.constant 0 : i32
    %dma_start3A_41 = tpu.memref_slice %arg5[%add3A, %dma_start3A_36, %dma_start3A_40] : memref<32x125x80xi32, #tpu.memory_space<hbm>> -> memref<1x1x80xi32, #tpu.memory_space<hbm>>
    %dma_start3A_42 = tpu.memref_squeeze %dma_start3A_41 : memref<1x1x80xi32, #tpu.memory_space<hbm>> -> memref<80xi32, #tpu.memory_space<hbm>>
    tpu.enqueue_dma source(%dma_start3A_42 : memref<80xi32, #tpu.memory_space<hbm>>) target(%arg16 : memref<80xi32, #tpu.memory_space<vmem>>) target_semaphore(%arg27 : memref<!tpu.dma_semaphore, #tpu.memory_space<semaphore_mem>>)
    %dma_start3A_43 = arith.constant 0 : i32
    %dma_start3A_44 = arith.constant 0 : i32
    %dma_start3A_45 = arith.constant 0 : i32
    %dma_start3A_46 = tpu.memref_slice %arg3[%add3A, %dma_start3A_43, %dma_start3A_44, %dma_start3A_45] : memref<32x125x80x16xf32, #tpu.memory_space<hbm>> -> memref<1x1x80x16xf32, #tpu.memory_space<hbm>>
    %dma_start3A_47 = tpu.memref_squeeze %dma_start3A_46 : memref<1x1x80x16xf32, #tpu.memory_space<hbm>> -> memref<80x16xf32, #tpu.memory_space<hbm>>
    %dma_start3A_48 = arith.constant 0 : i32
    %dma_start3A_49 = arith.constant 0 : i32
    %dma_start3A_50 = tpu.memref_slice %arg3[%add3A, %dma_start3A_43, %dma_start3A_48, %dma_start3A_49] : memref<32x125x80x16xf32, #tpu.memory_space<hbm>> -> memref<1x1x80x16xf32, #tpu.memory_space<hbm>>
    %dma_start3A_51 = tpu.memref_squeeze %dma_start3A_50 : memref<1x1x80x16xf32, #tpu.memory_space<hbm>> -> memref<80x16xf32, #tpu.memory_space<hbm>>
    tpu.enqueue_dma source(%dma_start3A_51 : memref<80x16xf32, #tpu.memory_space<hbm>>) target(%arg17 : memref<80x16xf32, #tpu.memory_space<vmem>>) target_semaphore(%arg27 : memref<!tpu.dma_semaphore, #tpu.memory_space<semaphore_mem>>)
    %dma_wait3A = arith.constant 0 : i32
    %dma_wait3A_52 = arith.constant 0 : i32
    %dma_wait3A_53 = tpu.memref_slice %arg4[%add3A, %dma_wait3A, %dma_wait3A_52] : memref<32x125x80xi32, #tpu.memory_space<hbm>> -> memref<1x1x80xi32, #tpu.memory_space<hbm>>
    %dma_wait3A_54 = tpu.memref_squeeze %dma_wait3A_53 : memref<1x1x80xi32, #tpu.memory_space<hbm>> -> memref<80xi32, #tpu.memory_space<hbm>>
    %dma_wait3A_55 = arith.constant 0 : i32
    %dma_wait3A_56 = tpu.memref_slice %arg4[%add3A, %dma_wait3A, %dma_wait3A_55] : memref<32x125x80xi32, #tpu.memory_space<hbm>> -> memref<1x1x80xi32, #tpu.memory_space<hbm>>
    %dma_wait3A_57 = tpu.memref_squeeze %dma_wait3A_56 : memref<1x1x80xi32, #tpu.memory_space<hbm>> -> memref<80xi32, #tpu.memory_space<hbm>>
    tpu.wait_dma2 semaphore(%arg27 : memref<!tpu.dma_semaphore, #tpu.memory_space<semaphore_mem>>) src(%dma_wait3A_57 : memref<80xi32, #tpu.memory_space<hbm>>) dst(%arg15 : memref<80xi32, #tpu.memory_space<vmem>>)
    %dma_wait3A_58 = arith.constant 0 : i32
    %dma_wait3A_59 = arith.constant 0 : i32
    %dma_wait3A_60 = tpu.memref_slice %arg5[%add3A, %dma_wait3A_58, %dma_wait3A_59] : memref<32x125x80xi32, #tpu.memory_space<hbm>> -> memref<1x1x80xi32, #tpu.memory_space<hbm>>
    %dma_wait3A_61 = tpu.memref_squeeze %dma_wait3A_60 : memref<1x1x80xi32, #tpu.memory_space<hbm>> -> memref<80xi32, #tpu.memory_space<hbm>>
    %dma_wait3A_62 = arith.constant 0 : i32
    %dma_wait3A_63 = tpu.memref_slice %arg5[%add3A, %dma_wait3A_58, %dma_wait3A_62] : memref<32x125x80xi32, #tpu.memory_space<hbm>> -> memref<1x1x80xi32, #tpu.memory_space<hbm>>
    %dma_wait3A_64 = tpu.memref_squeeze %dma_wait3A_63 : memref<1x1x80xi32, #tpu.memory_space<hbm>> -> memref<80xi32, #tpu.memory_space<hbm>>
    tpu.wait_dma2 semaphore(%arg27 : memref<!tpu.dma_semaphore, #tpu.memory_space<semaphore_mem>>) src(%dma_wait3A_64 : memref<80xi32, #tpu.memory_space<hbm>>) dst(%arg16 : memref<80xi32, #tpu.memory_space<vmem>>)
    %dma_wait3A_65 = arith.constant 0 : i32
    %dma_wait3A_66 = arith.constant 0 : i32
    %dma_wait3A_67 = arith.constant 0 : i32
    %dma_wait3A_68 = tpu.memref_slice %arg3[%add3A, %dma_wait3A_65, %dma_wait3A_66, %dma_wait3A_67] : memref<32x125x80x16xf32, #tpu.memory_space<hbm>> -> memref<1x1x80x16xf32, #tpu.memory_space<hbm>>
    %dma_wait3A_69 = tpu.memref_squeeze %dma_wait3A_68 : memref<1x1x80x16xf32, #tpu.memory_space<hbm>> -> memref<80x16xf32, #tpu.memory_space<hbm>>
    %dma_wait3A_70 = arith.constant 0 : i32
    %dma_wait3A_71 = arith.constant 0 : i32
    %dma_wait3A_72 = tpu.memref_slice %arg3[%add3A, %dma_wait3A_65, %dma_wait3A_70, %dma_wait3A_71] : memref<32x125x80x16xf32, #tpu.memory_space<hbm>> -> memref<1x1x80x16xf32, #tpu.memory_space<hbm>>
    %dma_wait3A_73 = tpu.memref_squeeze %dma_wait3A_72 : memref<1x1x80x16xf32, #tpu.memory_space<hbm>> -> memref<80x16xf32, #tpu.memory_space<hbm>>
    tpu.wait_dma2 semaphore(%arg27 : memref<!tpu.dma_semaphore, #tpu.memory_space<semaphore_mem>>) src(%dma_wait3A_73 : memref<80x16xf32, #tpu.memory_space<hbm>>) dst(%arg17 : memref<80x16xf32, #tpu.memory_space<vmem>>)
    %dma_start3A_74 = arith.constant 0 : i32
    %dma_start3A_75 = arith.constant 0 : i32
    %dma_start3A_76 = tpu.memref_slice %arg2[%dma_start3A_74, %dma_start3A_75] : memref<10000x128xf32, #tpu.memory_space<hbm>> -> memref<10000x128xf32, #tpu.memory_space<hbm>>
    tpu.enqueue_indirect_dma source(%dma_start3A_76 : memref<10000x128xf32, #tpu.memory_space<hbm>>) target(%arg18 : memref<80x128xf32, #tpu.memory_space<vmem>>) offsets(%arg16 : memref<80xi32, #tpu.memory_space<vmem>>) semaphore(%arg26 : memref<!tpu.dma_semaphore, #tpu.memory_space<semaphore_mem>>)
    %broadcast_in_dim3A_77 = arith.constant 0.000000e+00 : f32
    %broadcast_in_dim3A_78 = vector.broadcast %broadcast_in_dim3A_77 : f32 to vector<16xf32>
    %broadcast_in_dim3A_79 = arith.constant 0.000000e+00 : f32
    %broadcast_in_dim3A_80 = vector.broadcast %broadcast_in_dim3A_79 : f32 to vector<16xf32>
    %broadcast_in_dim3A_81 = arith.constant 0.000000e+00 : f32
    %broadcast_in_dim3A_82 = vector.broadcast %broadcast_in_dim3A_81 : f32 to vector<16xf32>
    %broadcast_in_dim3A_83 = arith.constant 0.000000e+00 : f32
    %broadcast_in_dim3A_84 = vector.broadcast %broadcast_in_dim3A_83 : f32 to vector<16xf32>
    %broadcast_in_dim3A_85 = arith.constant 0.000000e+00 : f32
    %broadcast_in_dim3A_86 = vector.broadcast %broadcast_in_dim3A_85 : f32 to vector<16xf32>
    %broadcast_in_dim3A_87 = arith.constant 0.000000e+00 : f32
    %broadcast_in_dim3A_88 = vector.broadcast %broadcast_in_dim3A_87 : f32 to vector<16xf32>
    %broadcast_in_dim3A_89 = arith.constant 0.000000e+00 : f32
    %broadcast_in_dim3A_90 = vector.broadcast %broadcast_in_dim3A_89 : f32 to vector<16xf32>
    %broadcast_in_dim3A_91 = arith.constant 0.000000e+00 : f32
    %broadcast_in_dim3A_92 = vector.broadcast %broadcast_in_dim3A_91 : f32 to vector<16xf32>
    %scan3A_93 = arith.constant 0 : i32
    %scan3A_94 = arith.constant 62 : i32
    %scan3A_95 = arith.addi %scan3A_93, %scan3A_94 : i32
    %scan3A_96 = arith.constant 1 : i32
    %scan3A_97:8 = scf.for %scan3A_192 = %scan3A_93 to %scan3A_95 step %scan3A_96 iter_args(%scan3A_193 = %broadcast_in_dim3A_78, %scan3A_194 = %broadcast_in_dim3A_80, %scan3A_195 = %broadcast_in_dim3A_82, %scan3A_196 = %broadcast_in_dim3A_84, %scan3A_197 = %broadcast_in_dim3A_86, %scan3A_198 = %broadcast_in_dim3A_88, %scan3A_199 = %broadcast_in_dim3A_90, %scan3A_200 = %broadcast_in_dim3A_92) -> (vector<16xf32>, vector<16xf32>, vector<16xf32>, vector<16xf32>, vector<16xf32>, vector<16xf32>, vector<16xf32>, vector<16xf32>)  : i32 {
      %mul3A_201 = arith.constant 2 : i32
      %mul3A_202 = arith.muli %mul3A_201, %scan3A_192 : i32
      %dma_wait3A_203 = arith.constant 0 : i32
      %dma_wait3A_204 = arith.constant 0 : i32
      %dma_wait3A_205 = tpu.memref_slice %arg2[%dma_wait3A_203, %dma_wait3A_204] : memref<10000x128xf32, #tpu.memory_space<hbm>> -> memref<10000x128xf32, #tpu.memory_space<hbm>>
      tpu.wait_indirect_dma semaphore(%arg26 : memref<!tpu.dma_semaphore, #tpu.memory_space<semaphore_mem>>) src(%dma_wait3A_205 : memref<10000x128xf32, #tpu.memory_space<hbm>>) dst(%arg18 : memref<80x128xf32, #tpu.memory_space<vmem>>)
      %dma_start3A_206 = arith.constant 0 : i32
      %dma_start3A_207 = arith.constant 0 : i32
      %dma_start3A_208 = tpu.memref_slice %arg11[%dma_start3A_206, %dma_start3A_207] : memref<10240x128xf32, #tpu.memory_space<vmem_shared>> -> memref<10240x128xf32, #tpu.memory_space<vmem_shared>>
      tpu.enqueue_indirect_dma source(%arg18 : memref<80x128xf32, #tpu.memory_space<vmem>>) target(%dma_start3A_208 : memref<10240x128xf32, #tpu.memory_space<vmem_shared>>) offsets(%arg15 : memref<80xi32, #tpu.memory_space<vmem>>) semaphore(%arg28 : memref<!tpu.dma_semaphore, #tpu.memory_space<semaphore_mem>>) {add = true}
      %dma_start3A_209 = arith.constant 0 : i32
      %dma_start3A_210 = arith.constant 0 : i32
      %dma_start3A_211 = tpu.memref_slice %arg12[%dma_start3A_209, %dma_start3A_210] : memref<10240x16xf32, #tpu.memory_space<vmem_shared>> -> memref<10240x16xf32, #tpu.memory_space<vmem_shared>>
      tpu.enqueue_indirect_dma source(%arg17 : memref<80x16xf32, #tpu.memory_space<vmem>>) target(%dma_start3A_211 : memref<10240x16xf32, #tpu.memory_space<vmem_shared>>) offsets(%arg15 : memref<80xi32, #tpu.memory_space<vmem>>) semaphore(%arg28 : memref<!tpu.dma_semaphore, #tpu.memory_space<semaphore_mem>>) {add = true}
      %dma_start3A_212 = arith.constant 0 : i32
      %dma_start3A_213 = arith.constant 0 : i32
      %dma_start3A_214 = tpu.memref_slice %arg13[%dma_start3A_212, %dma_start3A_213] : memref<10240x16xf32, #tpu.memory_space<vmem_shared>> -> memref<10240x16xf32, #tpu.memory_space<vmem_shared>>
      tpu.enqueue_indirect_dma source(%arg17 : memref<80x16xf32, #tpu.memory_space<vmem>>) target(%dma_start3A_214 : memref<10240x16xf32, #tpu.memory_space<vmem_shared>>) offsets(%arg16 : memref<80xi32, #tpu.memory_space<vmem>>) semaphore(%arg28 : memref<!tpu.dma_semaphore, #tpu.memory_space<semaphore_mem>>) {add = true}
      %dma_start3A_215 = arith.constant 0 : i32
      %dma_start3A_216 = arith.constant 0 : i32
      %dma_start3A_217 = tpu.memref_slice %arg14[%dma_start3A_215, %dma_start3A_216] : memref<10240x16xf32, #tpu.memory_space<vmem_shared>> -> memref<10240x16xf32, #tpu.memory_space<vmem_shared>>
      tpu.enqueue_indirect_dma source(%arg22 : memref<80x16xf32, #tpu.memory_space<vmem>>) target(%dma_start3A_217 : memref<10240x16xf32, #tpu.memory_space<vmem_shared>>) offsets(%arg15 : memref<80xi32, #tpu.memory_space<vmem>>) semaphore(%arg28 : memref<!tpu.dma_semaphore, #tpu.memory_space<semaphore_mem>>) {add = true}
      %add3A_218 = arith.constant 1 : i32
      %add3A_219 = arith.addi %mul3A_202, %add3A_218 : i32
      %lt3A = arith.constant 125 : i32
      %lt3A_220 = arith.cmpi slt, %add3A_219, %lt3A : i32
      %convert_element_type3A = arith.extui %lt3A_220 : i1 to i32
      %cond3A = arith.constant 0 : i32
      %cond3A_221 = arith.cmpi ne, %convert_element_type3A, %cond3A : i32
      scf.if %cond3A_221 {
        %add3A_298 = arith.constant 1 : i32
        %add3A_299 = arith.addi %mul3A_202, %add3A_298 : i32
        %dma_start3A_300 = arith.constant 0 : i32
        %dma_start3A_301 = tpu.memref_slice %arg4[%add3A, %add3A_299, %dma_start3A_300] : memref<32x125x80xi32, #tpu.memory_space<hbm>> -> memref<1x1x80xi32, #tpu.memory_space<hbm>>
        %dma_start3A_302 = tpu.memref_squeeze %dma_start3A_301 : memref<1x1x80xi32, #tpu.memory_space<hbm>> -> memref<80xi32, #tpu.memory_space<hbm>>
        %dma_start3A_303 = arith.constant 0 : i32
        %dma_start3A_304 = tpu.memref_slice %arg4[%add3A, %add3A_299, %dma_start3A_303] : memref<32x125x80xi32, #tpu.memory_space<hbm>> -> memref<1x1x80xi32, #tpu.memory_space<hbm>>
        %dma_start3A_305 = tpu.memref_squeeze %dma_start3A_304 : memref<1x1x80xi32, #tpu.memory_space<hbm>> -> memref<80xi32, #tpu.memory_space<hbm>>
        tpu.enqueue_dma source(%dma_start3A_305 : memref<80xi32, #tpu.memory_space<hbm>>) target(%arg19 : memref<80xi32, #tpu.memory_space<vmem>>) target_semaphore(%arg27 : memref<!tpu.dma_semaphore, #tpu.memory_space<semaphore_mem>>)
        %dma_start3A_306 = arith.constant 0 : i32
        %dma_start3A_307 = tpu.memref_slice %arg5[%add3A, %add3A_299, %dma_start3A_306] : memref<32x125x80xi32, #tpu.memory_space<hbm>> -> memref<1x1x80xi32, #tpu.memory_space<hbm>>
        %dma_start3A_308 = tpu.memref_squeeze %dma_start3A_307 : memref<1x1x80xi32, #tpu.memory_space<hbm>> -> memref<80xi32, #tpu.memory_space<hbm>>
        %dma_start3A_309 = arith.constant 0 : i32
        %dma_start3A_310 = tpu.memref_slice %arg5[%add3A, %add3A_299, %dma_start3A_309] : memref<32x125x80xi32, #tpu.memory_space<hbm>> -> memref<1x1x80xi32, #tpu.memory_space<hbm>>
        %dma_start3A_311 = tpu.memref_squeeze %dma_start3A_310 : memref<1x1x80xi32, #tpu.memory_space<hbm>> -> memref<80xi32, #tpu.memory_space<hbm>>
        tpu.enqueue_dma source(%dma_start3A_311 : memref<80xi32, #tpu.memory_space<hbm>>) target(%arg20 : memref<80xi32, #tpu.memory_space<vmem>>) target_semaphore(%arg27 : memref<!tpu.dma_semaphore, #tpu.memory_space<semaphore_mem>>)
        %dma_start3A_312 = arith.constant 0 : i32
        %dma_start3A_313 = arith.constant 0 : i32
        %dma_start3A_314 = tpu.memref_slice %arg3[%add3A, %add3A_299, %dma_start3A_312, %dma_start3A_313] : memref<32x125x80x16xf32, #tpu.memory_space<hbm>> -> memref<1x1x80x16xf32, #tpu.memory_space<hbm>>
        %dma_start3A_315 = tpu.memref_squeeze %dma_start3A_314 : memref<1x1x80x16xf32, #tpu.memory_space<hbm>> -> memref<80x16xf32, #tpu.memory_space<hbm>>
        %dma_start3A_316 = arith.constant 0 : i32
        %dma_start3A_317 = arith.constant 0 : i32
        %dma_start3A_318 = tpu.memref_slice %arg3[%add3A, %add3A_299, %dma_start3A_316, %dma_start3A_317] : memref<32x125x80x16xf32, #tpu.memory_space<hbm>> -> memref<1x1x80x16xf32, #tpu.memory_space<hbm>>
        %dma_start3A_319 = tpu.memref_squeeze %dma_start3A_318 : memref<1x1x80x16xf32, #tpu.memory_space<hbm>> -> memref<80x16xf32, #tpu.memory_space<hbm>>
        tpu.enqueue_dma source(%dma_start3A_319 : memref<80x16xf32, #tpu.memory_space<hbm>>) target(%arg21 : memref<80x16xf32, #tpu.memory_space<vmem>>) target_semaphore(%arg27 : memref<!tpu.dma_semaphore, #tpu.memory_space<semaphore_mem>>)
      } else {
      }
      %scan3A_222 = arith.constant 0 : i32
      %scan3A_223 = arith.constant 80 : i32
      %scan3A_224 = arith.addi %scan3A_222, %scan3A_223 : i32
      %scan3A_225 = arith.constant 1 : i32
      %scan3A_226:8 = scf.for %scan3A_298 = %scan3A_222 to %scan3A_224 step %scan3A_225 iter_args(%scan3A_299 = %scan3A_193, %scan3A_300 = %scan3A_194, %scan3A_301 = %scan3A_195, %scan3A_302 = %scan3A_196, %scan3A_303 = %scan3A_197, %scan3A_304 = %scan3A_198, %scan3A_305 = %scan3A_199, %scan3A_306 = %scan3A_200) -> (vector<16xf32>, vector<16xf32>, vector<16xf32>, vector<16xf32>, vector<16xf32>, vector<16xf32>, vector<16xf32>, vector<16xf32>)  : i32 {
        %get3A = arith.index_cast %scan3A_298 : i32 to index
        %get3A_307 = arith.constant 0 : index
        %get3A_308 = tpu.vector_load %arg18[%get3A, %get3A_307] {strides = array<i32>} : memref<80x128xf32, #tpu.memory_space<vmem>>, vector<1x16xf32>,
        %get3A_309 = vector.shape_cast %get3A_308 : vector<1x16xf32> to vector<16xf32>
        %get3A_310 = arith.index_cast %scan3A_298 : i32 to index
        %get3A_311 = arith.constant 0 : index
        %get3A_312 = tpu.vector_load %arg18[%get3A_310, %get3A_311] {strides = array<i32>} : memref<80x128xf32, #tpu.memory_space<vmem>>, vector<1x16xf32>,
        %get3A_313 = vector.shape_cast %get3A_312 : vector<1x16xf32> to vector<16xf32>
        %mul3A_314 = arith.mulf %get3A_309, %get3A_313 : vector<16xf32>
        %add3A_315 = arith.addf %scan3A_299, %mul3A_314 : vector<16xf32>
        %get3A_316 = arith.index_cast %scan3A_298 : i32 to index
        %get3A_317 = arith.constant 16 : index
        %get3A_318 = tpu.vector_load %arg18[%get3A_316, %get3A_317] {strides = array<i32>} : memref<80x128xf32, #tpu.memory_space<vmem>>, vector<1x16xf32>,
        %get3A_319 = vector.shape_cast %get3A_318 : vector<1x16xf32> to vector<16xf32>
        %get3A_320 = arith.index_cast %scan3A_298 : i32 to index
        %get3A_321 = arith.constant 16 : index
        %get3A_322 = tpu.vector_load %arg18[%get3A_320, %get3A_321] {strides = array<i32>} : memref<80x128xf32, #tpu.memory_space<vmem>>, vector<1x16xf32>,
        %get3A_323 = vector.shape_cast %get3A_322 : vector<1x16xf32> to vector<16xf32>
        %mul3A_324 = arith.mulf %get3A_319, %get3A_323 : vector<16xf32>
        %add3A_325 = arith.addf %scan3A_300, %mul3A_324 : vector<16xf32>
        %get3A_326 = arith.index_cast %scan3A_298 : i32 to index
        %get3A_327 = arith.constant 32 : index
        %get3A_328 = tpu.vector_load %arg18[%get3A_326, %get3A_327] {strides = array<i32>} : memref<80x128xf32, #tpu.memory_space<vmem>>, vector<1x16xf32>,
        %get3A_329 = vector.shape_cast %get3A_328 : vector<1x16xf32> to vector<16xf32>
        %get3A_330 = arith.index_cast %scan3A_298 : i32 to index
        %get3A_331 = arith.constant 32 : index
        %get3A_332 = tpu.vector_load %arg18[%get3A_330, %get3A_331] {strides = array<i32>} : memref<80x128xf32, #tpu.memory_space<vmem>>, vector<1x16xf32>,
        %get3A_333 = vector.shape_cast %get3A_332 : vector<1x16xf32> to vector<16xf32>
        %mul3A_334 = arith.mulf %get3A_329, %get3A_333 : vector<16xf32>
        %add3A_335 = arith.addf %scan3A_301, %mul3A_334 : vector<16xf32>
        %get3A_336 = arith.index_cast %scan3A_298 : i32 to index
        %get3A_337 = arith.constant 48 : index
        %get3A_338 = tpu.vector_load %arg18[%get3A_336, %get3A_337] {strides = array<i32>} : memref<80x128xf32, #tpu.memory_space<vmem>>, vector<1x16xf32>,
        %get3A_339 = vector.shape_cast %get3A_338 : vector<1x16xf32> to vector<16xf32>
        %get3A_340 = arith.index_cast %scan3A_298 : i32 to index
        %get3A_341 = arith.constant 48 : index
        %get3A_342 = tpu.vector_load %arg18[%get3A_340, %get3A_341] {strides = array<i32>} : memref<80x128xf32, #tpu.memory_space<vmem>>, vector<1x16xf32>,
        %get3A_343 = vector.shape_cast %get3A_342 : vector<1x16xf32> to vector<16xf32>
        %mul3A_344 = arith.mulf %get3A_339, %get3A_343 : vector<16xf32>
        %add3A_345 = arith.addf %scan3A_302, %mul3A_344 : vector<16xf32>
        %get3A_346 = arith.index_cast %scan3A_298 : i32 to index
        %get3A_347 = arith.constant 64 : index
        %get3A_348 = tpu.vector_load %arg18[%get3A_346, %get3A_347] {strides = array<i32>} : memref<80x128xf32, #tpu.memory_space<vmem>>, vector<1x16xf32>,
        %get3A_349 = vector.shape_cast %get3A_348 : vector<1x16xf32> to vector<16xf32>
        %get3A_350 = arith.index_cast %scan3A_298 : i32 to index
        %get3A_351 = arith.constant 64 : index
        %get3A_352 = tpu.vector_load %arg18[%get3A_350, %get3A_351] {strides = array<i32>} : memref<80x128xf32, #tpu.memory_space<vmem>>, vector<1x16xf32>,
        %get3A_353 = vector.shape_cast %get3A_352 : vector<1x16xf32> to vector<16xf32>
        %mul3A_354 = arith.mulf %get3A_349, %get3A_353 : vector<16xf32>
        %add3A_355 = arith.addf %scan3A_303, %mul3A_354 : vector<16xf32>
        %get3A_356 = arith.index_cast %scan3A_298 : i32 to index
        %get3A_357 = arith.constant 80 : index
        %get3A_358 = tpu.vector_load %arg18[%get3A_356, %get3A_357] {strides = array<i32>} : memref<80x128xf32, #tpu.memory_space<vmem>>, vector<1x16xf32>,
        %get3A_359 = vector.shape_cast %get3A_358 : vector<1x16xf32> to vector<16xf32>
        %get3A_360 = arith.index_cast %scan3A_298 : i32 to index
        %get3A_361 = arith.constant 80 : index
        %get3A_362 = tpu.vector_load %arg18[%get3A_360, %get3A_361] {strides = array<i32>} : memref<80x128xf32, #tpu.memory_space<vmem>>, vector<1x16xf32>,
        %get3A_363 = vector.shape_cast %get3A_362 : vector<1x16xf32> to vector<16xf32>
        %mul3A_364 = arith.mulf %get3A_359, %get3A_363 : vector<16xf32>
        %add3A_365 = arith.addf %scan3A_304, %mul3A_364 : vector<16xf32>
        %get3A_366 = arith.index_cast %scan3A_298 : i32 to index
        %get3A_367 = arith.constant 96 : index
        %get3A_368 = tpu.vector_load %arg18[%get3A_366, %get3A_367] {strides = array<i32>} : memref<80x128xf32, #tpu.memory_space<vmem>>, vector<1x16xf32>,
        %get3A_369 = vector.shape_cast %get3A_368 : vector<1x16xf32> to vector<16xf32>
        %get3A_370 = arith.index_cast %scan3A_298 : i32 to index
        %get3A_371 = arith.constant 96 : index
        %get3A_372 = tpu.vector_load %arg18[%get3A_370, %get3A_371] {strides = array<i32>} : memref<80x128xf32, #tpu.memory_space<vmem>>, vector<1x16xf32>,
        %get3A_373 = vector.shape_cast %get3A_372 : vector<1x16xf32> to vector<16xf32>
        %mul3A_374 = arith.mulf %get3A_369, %get3A_373 : vector<16xf32>
        %add3A_375 = arith.addf %scan3A_305, %mul3A_374 : vector<16xf32>
        %get3A_376 = arith.index_cast %scan3A_298 : i32 to index
        %get3A_377 = arith.constant 112 : index
        %get3A_378 = tpu.vector_load %arg18[%get3A_376, %get3A_377] {strides = array<i32>} : memref<80x128xf32, #tpu.memory_space<vmem>>, vector<1x16xf32>,
        %get3A_379 = vector.shape_cast %get3A_378 : vector<1x16xf32> to vector<16xf32>
        %get3A_380 = arith.index_cast %scan3A_298 : i32 to index
        %get3A_381 = arith.constant 112 : index
        %get3A_382 = tpu.vector_load %arg18[%get3A_380, %get3A_381] {strides = array<i32>} : memref<80x128xf32, #tpu.memory_space<vmem>>, vector<1x16xf32>,
        %get3A_383 = vector.shape_cast %get3A_382 : vector<1x16xf32> to vector<16xf32>
        %mul3A_384 = arith.mulf %get3A_379, %get3A_383 : vector<16xf32>
        %add3A_385 = arith.addf %scan3A_306, %mul3A_384 : vector<16xf32>
        scf.yield %add3A_315, %add3A_325, %add3A_335, %add3A_345, %add3A_355, %add3A_365, %add3A_375, %add3A_385 : vector<16xf32>, vector<16xf32>, vector<16xf32>, vector<16xf32>, vector<16xf32>, vector<16xf32>, vector<16xf32>, vector<16xf32>
      }
      %scan3A_227 = arith.constant 80 : i32
      %dma_wait3A_228 = arith.constant 0 : i32
      %dma_wait3A_229 = arith.constant 0 : i32
      %dma_wait3A_230 = tpu.memref_slice %arg11[%dma_wait3A_228, %dma_wait3A_229] : memref<10240x128xf32, #tpu.memory_space<vmem_shared>> -> memref<10240x128xf32, #tpu.memory_space<vmem_shared>>
      tpu.wait_indirect_dma semaphore(%arg28 : memref<!tpu.dma_semaphore, #tpu.memory_space<semaphore_mem>>) src(%arg18 : memref<80x128xf32, #tpu.memory_space<vmem>>) dst(%dma_wait3A_230 : memref<10240x128xf32, #tpu.memory_space<vmem_shared>>)
      %add3A_231 = arith.constant 1 : i32
      %add3A_232 = arith.addi %mul3A_202, %add3A_231 : i32
      %lt3A_233 = arith.constant 125 : i32
      %lt3A_234 = arith.cmpi slt, %add3A_232, %lt3A_233 : i32
      %convert_element_type3A_235 = arith.extui %lt3A_234 : i1 to i32
      %cond3A_236 = arith.constant 0 : i32
      %cond3A_237 = arith.cmpi ne, %convert_element_type3A_235, %cond3A_236 : i32
      scf.if %cond3A_237 {
        %dma_wait3A_298 = arith.constant 0 : i32
        %dma_wait3A_299 = arith.constant 0 : i32
        %dma_wait3A_300 = tpu.memref_slice %arg4[%add3A, %dma_wait3A_298, %dma_wait3A_299] : memref<32x125x80xi32, #tpu.memory_space<hbm>> -> memref<1x1x80xi32, #tpu.memory_space<hbm>>
        %dma_wait3A_301 = tpu.memref_squeeze %dma_wait3A_300 : memref<1x1x80xi32, #tpu.memory_space<hbm>> -> memref<80xi32, #tpu.memory_space<hbm>>
        %dma_wait3A_302 = arith.constant 0 : i32
        %dma_wait3A_303 = tpu.memref_slice %arg4[%add3A, %dma_wait3A_298, %dma_wait3A_302] : memref<32x125x80xi32, #tpu.memory_space<hbm>> -> memref<1x1x80xi32, #tpu.memory_space<hbm>>
        %dma_wait3A_304 = tpu.memref_squeeze %dma_wait3A_303 : memref<1x1x80xi32, #tpu.memory_space<hbm>> -> memref<80xi32, #tpu.memory_space<hbm>>
        tpu.wait_dma2 semaphore(%arg27 : memref<!tpu.dma_semaphore, #tpu.memory_space<semaphore_mem>>) src(%dma_wait3A_304 : memref<80xi32, #tpu.memory_space<hbm>>) dst(%arg19 : memref<80xi32, #tpu.memory_space<vmem>>)
        %dma_wait3A_305 = arith.constant 0 : i32
        %dma_wait3A_306 = arith.constant 0 : i32
        %dma_wait3A_307 = tpu.memref_slice %arg5[%add3A, %dma_wait3A_305, %dma_wait3A_306] : memref<32x125x80xi32, #tpu.memory_space<hbm>> -> memref<1x1x80xi32, #tpu.memory_space<hbm>>
        %dma_wait3A_308 = tpu.memref_squeeze %dma_wait3A_307 : memref<1x1x80xi32, #tpu.memory_space<hbm>> -> memref<80xi32, #tpu.memory_space<hbm>>
        %dma_wait3A_309 = arith.constant 0 : i32
        %dma_wait3A_310 = tpu.memref_slice %arg5[%add3A, %dma_wait3A_305, %dma_wait3A_309] : memref<32x125x80xi32, #tpu.memory_space<hbm>> -> memref<1x1x80xi32, #tpu.memory_space<hbm>>
        %dma_wait3A_311 = tpu.memref_squeeze %dma_wait3A_310 : memref<1x1x80xi32, #tpu.memory_space<hbm>> -> memref<80xi32, #tpu.memory_space<hbm>>
        tpu.wait_dma2 semaphore(%arg27 : memref<!tpu.dma_semaphore, #tpu.memory_space<semaphore_mem>>) src(%dma_wait3A_311 : memref<80xi32, #tpu.memory_space<hbm>>) dst(%arg20 : memref<80xi32, #tpu.memory_space<vmem>>)
        %dma_wait3A_312 = arith.constant 0 : i32
        %dma_wait3A_313 = arith.constant 0 : i32
        %dma_wait3A_314 = arith.constant 0 : i32
        %dma_wait3A_315 = tpu.memref_slice %arg3[%add3A, %dma_wait3A_312, %dma_wait3A_313, %dma_wait3A_314] : memref<32x125x80x16xf32, #tpu.memory_space<hbm>> -> memref<1x1x80x16xf32, #tpu.memory_space<hbm>>
        %dma_wait3A_316 = tpu.memref_squeeze %dma_wait3A_315 : memref<1x1x80x16xf32, #tpu.memory_space<hbm>> -> memref<80x16xf32, #tpu.memory_space<hbm>>
        %dma_wait3A_317 = arith.constant 0 : i32
        %dma_wait3A_318 = arith.constant 0 : i32
        %dma_wait3A_319 = tpu.memref_slice %arg3[%add3A, %dma_wait3A_312, %dma_wait3A_317, %dma_wait3A_318] : memref<32x125x80x16xf32, #tpu.memory_space<hbm>> -> memref<1x1x80x16xf32, #tpu.memory_space<hbm>>
        %dma_wait3A_320 = tpu.memref_squeeze %dma_wait3A_319 : memref<1x1x80x16xf32, #tpu.memory_space<hbm>> -> memref<80x16xf32, #tpu.memory_space<hbm>>
        tpu.wait_dma2 semaphore(%arg27 : memref<!tpu.dma_semaphore, #tpu.memory_space<semaphore_mem>>) src(%dma_wait3A_320 : memref<80x16xf32, #tpu.memory_space<hbm>>) dst(%arg21 : memref<80x16xf32, #tpu.memory_space<vmem>>)
        %dma_start3A_321 = arith.constant 0 : i32
        %dma_start3A_322 = arith.constant 0 : i32
        %dma_start3A_323 = tpu.memref_slice %arg2[%dma_start3A_321, %dma_start3A_322] : memref<10000x128xf32, #tpu.memory_space<hbm>> -> memref<10000x128xf32, #tpu.memory_space<hbm>>
        tpu.enqueue_indirect_dma source(%dma_start3A_323 : memref<10000x128xf32, #tpu.memory_space<hbm>>) target(%arg18 : memref<80x128xf32, #tpu.memory_space<vmem>>) offsets(%arg20 : memref<80xi32, #tpu.memory_space<vmem>>) semaphore(%arg26 : memref<!tpu.dma_semaphore, #tpu.memory_space<semaphore_mem>>)
      } else {
      }
      %dma_wait3A_238 = arith.constant 0 : i32
      %dma_wait3A_239 = arith.constant 0 : i32
      %dma_wait3A_240 = tpu.memref_slice %arg12[%dma_wait3A_238, %dma_wait3A_239] : memref<10240x16xf32, #tpu.memory_space<vmem_shared>> -> memref<10240x16xf32, #tpu.memory_space<vmem_shared>>
      tpu.wait_indirect_dma semaphore(%arg28 : memref<!tpu.dma_semaphore, #tpu.memory_space<semaphore_mem>>) src(%arg17 : memref<80x16xf32, #tpu.memory_space<vmem>>) dst(%dma_wait3A_240 : memref<10240x16xf32, #tpu.memory_space<vmem_shared>>)
      %dma_wait3A_241 = arith.constant 0 : i32
      %dma_wait3A_242 = arith.constant 0 : i32
      %dma_wait3A_243 = tpu.memref_slice %arg13[%dma_wait3A_241, %dma_wait3A_242] : memref<10240x16xf32, #tpu.memory_space<vmem_shared>> -> memref<10240x16xf32, #tpu.memory_space<vmem_shared>>
      tpu.wait_indirect_dma semaphore(%arg28 : memref<!tpu.dma_semaphore, #tpu.memory_space<semaphore_mem>>) src(%arg17 : memref<80x16xf32, #tpu.memory_space<vmem>>) dst(%dma_wait3A_243 : memref<10240x16xf32, #tpu.memory_space<vmem_shared>>)
      %dma_wait3A_244 = arith.constant 0 : i32
      %dma_wait3A_245 = arith.constant 0 : i32
      %dma_wait3A_246 = tpu.memref_slice %arg14[%dma_wait3A_244, %dma_wait3A_245] : memref<10240x16xf32, #tpu.memory_space<vmem_shared>> -> memref<10240x16xf32, #tpu.memory_space<vmem_shared>>
      tpu.wait_indirect_dma semaphore(%arg28 : memref<!tpu.dma_semaphore, #tpu.memory_space<semaphore_mem>>) src(%arg22 : memref<80x16xf32, #tpu.memory_space<vmem>>) dst(%dma_wait3A_246 : memref<10240x16xf32, #tpu.memory_space<vmem_shared>>)
      %mul3A_247 = arith.constant 2 : i32
      %mul3A_248 = arith.muli %mul3A_247, %scan3A_192 : i32
      %add3A_249 = arith.constant 1 : i32
      %add3A_250 = arith.addi %mul3A_248, %add3A_249 : i32
      %dma_wait3A_251 = arith.constant 0 : i32
      %dma_wait3A_252 = arith.constant 0 : i32
      %dma_wait3A_253 = tpu.memref_slice %arg2[%dma_wait3A_251, %dma_wait3A_252] : memref<10000x128xf32, #tpu.memory_space<hbm>> -> memref<10000x128xf32, #tpu.memory_space<hbm>>
      tpu.wait_indirect_dma semaphore(%arg26 : memref<!tpu.dma_semaphore, #tpu.memory_space<semaphore_mem>>) src(%dma_wait3A_253 : memref<10000x128xf32, #tpu.memory_space<hbm>>) dst(%arg18 : memref<80x128xf32, #tpu.memory_space<vmem>>)
      %dma_start3A_254 = arith.constant 0 : i32
      %dma_start3A_255 = arith.constant 0 : i32
      %dma_start3A_256 = tpu.memref_slice %arg11[%dma_start3A_254, %dma_start3A_255] : memref<10240x128xf32, #tpu.memory_space<vmem_shared>> -> memref<10240x128xf32, #tpu.memory_space<vmem_shared>>
      tpu.enqueue_indirect_dma source(%arg18 : memref<80x128xf32, #tpu.memory_space<vmem>>) target(%dma_start3A_256 : memref<10240x128xf32, #tpu.memory_space<vmem_shared>>) offsets(%arg19 : memref<80xi32, #tpu.memory_space<vmem>>) semaphore(%arg28 : memref<!tpu.dma_semaphore, #tpu.memory_space<semaphore_mem>>) {add = true}
      %dma_start3A_257 = arith.constant 0 : i32
      %dma_start3A_258 = arith.constant 0 : i32
      %dma_start3A_259 = tpu.memref_slice %arg12[%dma_start3A_257, %dma_start3A_258] : memref<10240x16xf32, #tpu.memory_space<vmem_shared>> -> memref<10240x16xf32, #tpu.memory_space<vmem_shared>>
      tpu.enqueue_indirect_dma source(%arg21 : memref<80x16xf32, #tpu.memory_space<vmem>>) target(%dma_start3A_259 : memref<10240x16xf32, #tpu.memory_space<vmem_shared>>) offsets(%arg19 : memref<80xi32, #tpu.memory_space<vmem>>) semaphore(%arg28 : memref<!tpu.dma_semaphore, #tpu.memory_space<semaphore_mem>>) {add = true}
      %dma_start3A_260 = arith.constant 0 : i32
      %dma_start3A_261 = arith.constant 0 : i32
      %dma_start3A_262 = tpu.memref_slice %arg13[%dma_start3A_260, %dma_start3A_261] : memref<10240x16xf32, #tpu.memory_space<vmem_shared>> -> memref<10240x16xf32, #tpu.memory_space<vmem_shared>>
      tpu.enqueue_indirect_dma source(%arg21 : memref<80x16xf32, #tpu.memory_space<vmem>>) target(%dma_start3A_262 : memref<10240x16xf32, #tpu.memory_space<vmem_shared>>) offsets(%arg20 : memref<80xi32, #tpu.memory_space<vmem>>) semaphore(%arg28 : memref<!tpu.dma_semaphore, #tpu.memory_space<semaphore_mem>>) {add = true}
      %dma_start3A_263 = arith.constant 0 : i32
      %dma_start3A_264 = arith.constant 0 : i32
      %dma_start3A_265 = tpu.memref_slice %arg14[%dma_start3A_263, %dma_start3A_264] : memref<10240x16xf32, #tpu.memory_space<vmem_shared>> -> memref<10240x16xf32, #tpu.memory_space<vmem_shared>>
      tpu.enqueue_indirect_dma source(%arg22 : memref<80x16xf32, #tpu.memory_space<vmem>>) target(%dma_start3A_265 : memref<10240x16xf32, #tpu.memory_space<vmem_shared>>) offsets(%arg19 : memref<80xi32, #tpu.memory_space<vmem>>) semaphore(%arg28 : memref<!tpu.dma_semaphore, #tpu.memory_space<semaphore_mem>>) {add = true}
      %add3A_266 = arith.constant 1 : i32
      %add3A_267 = arith.addi %add3A_250, %add3A_266 : i32
      %lt3A_268 = arith.constant 125 : i32
      %lt3A_269 = arith.cmpi slt, %add3A_267, %lt3A_268 : i32
      %convert_element_type3A_270 = arith.extui %lt3A_269 : i1 to i32
      %cond3A_271 = arith.constant 0 : i32
      %cond3A_272 = arith.cmpi ne, %convert_element_type3A_270, %cond3A_271 : i32
      scf.if %cond3A_272 {
        %add3A_298 = arith.constant 1 : i32
        %add3A_299 = arith.addi %add3A_250, %add3A_298 : i32
        %dma_start3A_300 = arith.constant 0 : i32
        %dma_start3A_301 = tpu.memref_slice %arg4[%add3A, %add3A_299, %dma_start3A_300] : memref<32x125x80xi32, #tpu.memory_space<hbm>> -> memref<1x1x80xi32, #tpu.memory_space<hbm>>
        %dma_start3A_302 = tpu.memref_squeeze %dma_start3A_301 : memref<1x1x80xi32, #tpu.memory_space<hbm>> -> memref<80xi32, #tpu.memory_space<hbm>>
        %dma_start3A_303 = arith.constant 0 : i32
        %dma_start3A_304 = tpu.memref_slice %arg4[%add3A, %add3A_299, %dma_start3A_303] : memref<32x125x80xi32, #tpu.memory_space<hbm>> -> memref<1x1x80xi32, #tpu.memory_space<hbm>>
        %dma_start3A_305 = tpu.memref_squeeze %dma_start3A_304 : memref<1x1x80xi32, #tpu.memory_space<hbm>> -> memref<80xi32, #tpu.memory_space<hbm>>
        tpu.enqueue_dma source(%dma_start3A_305 : memref<80xi32, #tpu.memory_space<hbm>>) target(%arg15 : memref<80xi32, #tpu.memory_space<vmem>>) target_semaphore(%arg27 : memref<!tpu.dma_semaphore, #tpu.memory_space<semaphore_mem>>)
        %dma_start3A_306 = arith.constant 0 : i32
        %dma_start3A_307 = tpu.memref_slice %arg5[%add3A, %add3A_299, %dma_start3A_306] : memref<32x125x80xi32, #tpu.memory_space<hbm>> -> memref<1x1x80xi32, #tpu.memory_space<hbm>>
        %dma_start3A_308 = tpu.memref_squeeze %dma_start3A_307 : memref<1x1x80xi32, #tpu.memory_space<hbm>> -> memref<80xi32, #tpu.memory_space<hbm>>
        %dma_start3A_309 = arith.constant 0 : i32
        %dma_start3A_310 = tpu.memref_slice %arg5[%add3A, %add3A_299, %dma_start3A_309] : memref<32x125x80xi32, #tpu.memory_space<hbm>> -> memref<1x1x80xi32, #tpu.memory_space<hbm>>
        %dma_start3A_311 = tpu.memref_squeeze %dma_start3A_310 : memref<1x1x80xi32, #tpu.memory_space<hbm>> -> memref<80xi32, #tpu.memory_space<hbm>>
        tpu.enqueue_dma source(%dma_start3A_311 : memref<80xi32, #tpu.memory_space<hbm>>) target(%arg16 : memref<80xi32, #tpu.memory_space<vmem>>) target_semaphore(%arg27 : memref<!tpu.dma_semaphore, #tpu.memory_space<semaphore_mem>>)
        %dma_start3A_312 = arith.constant 0 : i32
        %dma_start3A_313 = arith.constant 0 : i32
        %dma_start3A_314 = tpu.memref_slice %arg3[%add3A, %add3A_299, %dma_start3A_312, %dma_start3A_313] : memref<32x125x80x16xf32, #tpu.memory_space<hbm>> -> memref<1x1x80x16xf32, #tpu.memory_space<hbm>>
        %dma_start3A_315 = tpu.memref_squeeze %dma_start3A_314 : memref<1x1x80x16xf32, #tpu.memory_space<hbm>> -> memref<80x16xf32, #tpu.memory_space<hbm>>
        %dma_start3A_316 = arith.constant 0 : i32
        %dma_start3A_317 = arith.constant 0 : i32
        %dma_start3A_318 = tpu.memref_slice %arg3[%add3A, %add3A_299, %dma_start3A_316, %dma_start3A_317] : memref<32x125x80x16xf32, #tpu.memory_space<hbm>> -> memref<1x1x80x16xf32, #tpu.memory_space<hbm>>
        %dma_start3A_319 = tpu.memref_squeeze %dma_start3A_318 : memref<1x1x80x16xf32, #tpu.memory_space<hbm>> -> memref<80x16xf32, #tpu.memory_space<hbm>>
        tpu.enqueue_dma source(%dma_start3A_319 : memref<80x16xf32, #tpu.memory_space<hbm>>) target(%arg17 : memref<80x16xf32, #tpu.memory_space<vmem>>) target_semaphore(%arg27 : memref<!tpu.dma_semaphore, #tpu.memory_space<semaphore_mem>>)
      } else {
      }
      %scan3A_273 = arith.constant 0 : i32
      %scan3A_274 = arith.constant 80 : i32
      %scan3A_275 = arith.addi %scan3A_273, %scan3A_274 : i32
      %scan3A_276 = arith.constant 1 : i32
      %scan3A_277:8 = scf.for %scan3A_298 = %scan3A_273 to %scan3A_275 step %scan3A_276 iter_args(%scan3A_299 = %scan3A_226#0, %scan3A_300 = %scan3A_226#1, %scan3A_301 = %scan3A_226#2, %scan3A_302 = %scan3A_226#3, %scan3A_303 = %scan3A_226#4, %scan3A_304 = %scan3A_226#5, %scan3A_305 = %scan3A_226#6, %scan3A_306 = %scan3A_226#7) -> (vector<16xf32>, vector<16xf32>, vector<16xf32>, vector<16xf32>, vector<16xf32>, vector<16xf32>, vector<16xf32>, vector<16xf32>)  : i32 {
        %get3A = arith.index_cast %scan3A_298 : i32 to index
        %get3A_307 = arith.constant 0 : index
        %get3A_308 = tpu.vector_load %arg18[%get3A, %get3A_307] {strides = array<i32>} : memref<80x128xf32, #tpu.memory_space<vmem>>, vector<1x16xf32>,
        %get3A_309 = vector.shape_cast %get3A_308 : vector<1x16xf32> to vector<16xf32>
        %get3A_310 = arith.index_cast %scan3A_298 : i32 to index
        %get3A_311 = arith.constant 0 : index
        %get3A_312 = tpu.vector_load %arg18[%get3A_310, %get3A_311] {strides = array<i32>} : memref<80x128xf32, #tpu.memory_space<vmem>>, vector<1x16xf32>,
        %get3A_313 = vector.shape_cast %get3A_312 : vector<1x16xf32> to vector<16xf32>
        %mul3A_314 = arith.mulf %get3A_309, %get3A_313 : vector<16xf32>
        %add3A_315 = arith.addf %scan3A_299, %mul3A_314 : vector<16xf32>
        %get3A_316 = arith.index_cast %scan3A_298 : i32 to index
        %get3A_317 = arith.constant 16 : index
        %get3A_318 = tpu.vector_load %arg18[%get3A_316, %get3A_317] {strides = array<i32>} : memref<80x128xf32, #tpu.memory_space<vmem>>, vector<1x16xf32>,
        %get3A_319 = vector.shape_cast %get3A_318 : vector<1x16xf32> to vector<16xf32>
        %get3A_320 = arith.index_cast %scan3A_298 : i32 to index
        %get3A_321 = arith.constant 16 : index
        %get3A_322 = tpu.vector_load %arg18[%get3A_320, %get3A_321] {strides = array<i32>} : memref<80x128xf32, #tpu.memory_space<vmem>>, vector<1x16xf32>,
        %get3A_323 = vector.shape_cast %get3A_322 : vector<1x16xf32> to vector<16xf32>
        %mul3A_324 = arith.mulf %get3A_319, %get3A_323 : vector<16xf32>
        %add3A_325 = arith.addf %scan3A_300, %mul3A_324 : vector<16xf32>
        %get3A_326 = arith.index_cast %scan3A_298 : i32 to index
        %get3A_327 = arith.constant 32 : index
        %get3A_328 = tpu.vector_load %arg18[%get3A_326, %get3A_327] {strides = array<i32>} : memref<80x128xf32, #tpu.memory_space<vmem>>, vector<1x16xf32>,
        %get3A_329 = vector.shape_cast %get3A_328 : vector<1x16xf32> to vector<16xf32>
        %get3A_330 = arith.index_cast %scan3A_298 : i32 to index
        %get3A_331 = arith.constant 32 : index
        %get3A_332 = tpu.vector_load %arg18[%get3A_330, %get3A_331] {strides = array<i32>} : memref<80x128xf32, #tpu.memory_space<vmem>>, vector<1x16xf32>,
        %get3A_333 = vector.shape_cast %get3A_332 : vector<1x16xf32> to vector<16xf32>
        %mul3A_334 = arith.mulf %get3A_329, %get3A_333 : vector<16xf32>
        %add3A_335 = arith.addf %scan3A_301, %mul3A_334 : vector<16xf32>
        %get3A_336 = arith.index_cast %scan3A_298 : i32 to index
        %get3A_337 = arith.constant 48 : index
        %get3A_338 = tpu.vector_load %arg18[%get3A_336, %get3A_337] {strides = array<i32>} : memref<80x128xf32, #tpu.memory_space<vmem>>, vector<1x16xf32>,
        %get3A_339 = vector.shape_cast %get3A_338 : vector<1x16xf32> to vector<16xf32>
        %get3A_340 = arith.index_cast %scan3A_298 : i32 to index
        %get3A_341 = arith.constant 48 : index
        %get3A_342 = tpu.vector_load %arg18[%get3A_340, %get3A_341] {strides = array<i32>} : memref<80x128xf32, #tpu.memory_space<vmem>>, vector<1x16xf32>,
        %get3A_343 = vector.shape_cast %get3A_342 : vector<1x16xf32> to vector<16xf32>
        %mul3A_344 = arith.mulf %get3A_339, %get3A_343 : vector<16xf32>
        %add3A_345 = arith.addf %scan3A_302, %mul3A_344 : vector<16xf32>
        %get3A_346 = arith.index_cast %scan3A_298 : i32 to index
        %get3A_347 = arith.constant 64 : index
        %get3A_348 = tpu.vector_load %arg18[%get3A_346, %get3A_347] {strides = array<i32>} : memref<80x128xf32, #tpu.memory_space<vmem>>, vector<1x16xf32>,
        %get3A_349 = vector.shape_cast %get3A_348 : vector<1x16xf32> to vector<16xf32>
        %get3A_350 = arith.index_cast %scan3A_298 : i32 to index
        %get3A_351 = arith.constant 64 : index
        %get3A_352 = tpu.vector_load %arg18[%get3A_350, %get3A_351] {strides = array<i32>} : memref<80x128xf32, #tpu.memory_space<vmem>>, vector<1x16xf32>,
        %get3A_353 = vector.shape_cast %get3A_352 : vector<1x16xf32> to vector<16xf32>
        %mul3A_354 = arith.mulf %get3A_349, %get3A_353 : vector<16xf32>
        %add3A_355 = arith.addf %scan3A_303, %mul3A_354 : vector<16xf32>
        %get3A_356 = arith.index_cast %scan3A_298 : i32 to index
        %get3A_357 = arith.constant 80 : index
        %get3A_358 = tpu.vector_load %arg18[%get3A_356, %get3A_357] {strides = array<i32>} : memref<80x128xf32, #tpu.memory_space<vmem>>, vector<1x16xf32>,
        %get3A_359 = vector.shape_cast %get3A_358 : vector<1x16xf32> to vector<16xf32>
        %get3A_360 = arith.index_cast %scan3A_298 : i32 to index
        %get3A_361 = arith.constant 80 : index
        %get3A_362 = tpu.vector_load %arg18[%get3A_360, %get3A_361] {strides = array<i32>} : memref<80x128xf32, #tpu.memory_space<vmem>>, vector<1x16xf32>,
        %get3A_363 = vector.shape_cast %get3A_362 : vector<1x16xf32> to vector<16xf32>
        %mul3A_364 = arith.mulf %get3A_359, %get3A_363 : vector<16xf32>
        %add3A_365 = arith.addf %scan3A_304, %mul3A_364 : vector<16xf32>
        %get3A_366 = arith.index_cast %scan3A_298 : i32 to index
        %get3A_367 = arith.constant 96 : index
        %get3A_368 = tpu.vector_load %arg18[%get3A_366, %get3A_367] {strides = array<i32>} : memref<80x128xf32, #tpu.memory_space<vmem>>, vector<1x16xf32>,
        %get3A_369 = vector.shape_cast %get3A_368 : vector<1x16xf32> to vector<16xf32>
        %get3A_370 = arith.index_cast %scan3A_298 : i32 to index
        %get3A_371 = arith.constant 96 : index
        %get3A_372 = tpu.vector_load %arg18[%get3A_370, %get3A_371] {strides = array<i32>} : memref<80x128xf32, #tpu.memory_space<vmem>>, vector<1x16xf32>,
        %get3A_373 = vector.shape_cast %get3A_372 : vector<1x16xf32> to vector<16xf32>
        %mul3A_374 = arith.mulf %get3A_369, %get3A_373 : vector<16xf32>
        %add3A_375 = arith.addf %scan3A_305, %mul3A_374 : vector<16xf32>
        %get3A_376 = arith.index_cast %scan3A_298 : i32 to index
        %get3A_377 = arith.constant 112 : index
        %get3A_378 = tpu.vector_load %arg18[%get3A_376, %get3A_377] {strides = array<i32>} : memref<80x128xf32, #tpu.memory_space<vmem>>, vector<1x16xf32>,
        %get3A_379 = vector.shape_cast %get3A_378 : vector<1x16xf32> to vector<16xf32>
        %get3A_380 = arith.index_cast %scan3A_298 : i32 to index
        %get3A_381 = arith.constant 112 : index
        %get3A_382 = tpu.vector_load %arg18[%get3A_380, %get3A_381] {strides = array<i32>} : memref<80x128xf32, #tpu.memory_space<vmem>>, vector<1x16xf32>,
        %get3A_383 = vector.shape_cast %get3A_382 : vector<1x16xf32> to vector<16xf32>
        %mul3A_384 = arith.mulf %get3A_379, %get3A_383 : vector<16xf32>
        %add3A_385 = arith.addf %scan3A_306, %mul3A_384 : vector<16xf32>
        scf.yield %add3A_315, %add3A_325, %add3A_335, %add3A_345, %add3A_355, %add3A_365, %add3A_375, %add3A_385 : vector<16xf32>, vector<16xf32>, vector<16xf32>, vector<16xf32>, vector<16xf32>, vector<16xf32>, vector<16xf32>, vector<16xf32>
      }
      %scan3A_278 = arith.constant 80 : i32
      %dma_wait3A_279 = arith.constant 0 : i32
      %dma_wait3A_280 = arith.constant 0 : i32
      %dma_wait3A_281 = tpu.memref_slice %arg11[%dma_wait3A_279, %dma_wait3A_280] : memref<10240x128xf32, #tpu.memory_space<vmem_shared>> -> memref<10240x128xf32, #tpu.memory_space<vmem_shared>>
      tpu.wait_indirect_dma semaphore(%arg28 : memref<!tpu.dma_semaphore, #tpu.memory_space<semaphore_mem>>) src(%arg18 : memref<80x128xf32, #tpu.memory_space<vmem>>) dst(%dma_wait3A_281 : memref<10240x128xf32, #tpu.memory_space<vmem_shared>>)
      %add3A_282 = arith.constant 1 : i32
      %add3A_283 = arith.addi %add3A_250, %add3A_282 : i32
      %lt3A_284 = arith.constant 125 : i32
      %lt3A_285 = arith.cmpi slt, %add3A_283, %lt3A_284 : i32
      %convert_element_type3A_286 = arith.extui %lt3A_285 : i1 to i32
      %cond3A_287 = arith.constant 0 : i32
      %cond3A_288 = arith.cmpi ne, %convert_element_type3A_286, %cond3A_287 : i32
      scf.if %cond3A_288 {
        %dma_wait3A_298 = arith.constant 0 : i32
        %dma_wait3A_299 = arith.constant 0 : i32
        %dma_wait3A_300 = tpu.memref_slice %arg4[%add3A, %dma_wait3A_298, %dma_wait3A_299] : memref<32x125x80xi32, #tpu.memory_space<hbm>> -> memref<1x1x80xi32, #tpu.memory_space<hbm>>
        %dma_wait3A_301 = tpu.memref_squeeze %dma_wait3A_300 : memref<1x1x80xi32, #tpu.memory_space<hbm>> -> memref<80xi32, #tpu.memory_space<hbm>>
        %dma_wait3A_302 = arith.constant 0 : i32
        %dma_wait3A_303 = tpu.memref_slice %arg4[%add3A, %dma_wait3A_298, %dma_wait3A_302] : memref<32x125x80xi32, #tpu.memory_space<hbm>> -> memref<1x1x80xi32, #tpu.memory_space<hbm>>
        %dma_wait3A_304 = tpu.memref_squeeze %dma_wait3A_303 : memref<1x1x80xi32, #tpu.memory_space<hbm>> -> memref<80xi32, #tpu.memory_space<hbm>>
        tpu.wait_dma2 semaphore(%arg27 : memref<!tpu.dma_semaphore, #tpu.memory_space<semaphore_mem>>) src(%dma_wait3A_304 : memref<80xi32, #tpu.memory_space<hbm>>) dst(%arg15 : memref<80xi32, #tpu.memory_space<vmem>>)
        %dma_wait3A_305 = arith.constant 0 : i32
        %dma_wait3A_306 = arith.constant 0 : i32
        %dma_wait3A_307 = tpu.memref_slice %arg5[%add3A, %dma_wait3A_305, %dma_wait3A_306] : memref<32x125x80xi32, #tpu.memory_space<hbm>> -> memref<1x1x80xi32, #tpu.memory_space<hbm>>
        %dma_wait3A_308 = tpu.memref_squeeze %dma_wait3A_307 : memref<1x1x80xi32, #tpu.memory_space<hbm>> -> memref<80xi32, #tpu.memory_space<hbm>>
        %dma_wait3A_309 = arith.constant 0 : i32
        %dma_wait3A_310 = tpu.memref_slice %arg5[%add3A, %dma_wait3A_305, %dma_wait3A_309] : memref<32x125x80xi32, #tpu.memory_space<hbm>> -> memref<1x1x80xi32, #tpu.memory_space<hbm>>
        %dma_wait3A_311 = tpu.memref_squeeze %dma_wait3A_310 : memref<1x1x80xi32, #tpu.memory_space<hbm>> -> memref<80xi32, #tpu.memory_space<hbm>>
        tpu.wait_dma2 semaphore(%arg27 : memref<!tpu.dma_semaphore, #tpu.memory_space<semaphore_mem>>) src(%dma_wait3A_311 : memref<80xi32, #tpu.memory_space<hbm>>) dst(%arg16 : memref<80xi32, #tpu.memory_space<vmem>>)
        %dma_wait3A_312 = arith.constant 0 : i32
        %dma_wait3A_313 = arith.constant 0 : i32
        %dma_wait3A_314 = arith.constant 0 : i32
        %dma_wait3A_315 = tpu.memref_slice %arg3[%add3A, %dma_wait3A_312, %dma_wait3A_313, %dma_wait3A_314] : memref<32x125x80x16xf32, #tpu.memory_space<hbm>> -> memref<1x1x80x16xf32, #tpu.memory_space<hbm>>
        %dma_wait3A_316 = tpu.memref_squeeze %dma_wait3A_315 : memref<1x1x80x16xf32, #tpu.memory_space<hbm>> -> memref<80x16xf32, #tpu.memory_space<hbm>>
        %dma_wait3A_317 = arith.constant 0 : i32
        %dma_wait3A_318 = arith.constant 0 : i32
        %dma_wait3A_319 = tpu.memref_slice %arg3[%add3A, %dma_wait3A_312, %dma_wait3A_317, %dma_wait3A_318] : memref<32x125x80x16xf32, #tpu.memory_space<hbm>> -> memref<1x1x80x16xf32, #tpu.memory_space<hbm>>
        %dma_wait3A_320 = tpu.memref_squeeze %dma_wait3A_319 : memref<1x1x80x16xf32, #tpu.memory_space<hbm>> -> memref<80x16xf32, #tpu.memory_space<hbm>>
        tpu.wait_dma2 semaphore(%arg27 : memref<!tpu.dma_semaphore, #tpu.memory_space<semaphore_mem>>) src(%dma_wait3A_320 : memref<80x16xf32, #tpu.memory_space<hbm>>) dst(%arg17 : memref<80x16xf32, #tpu.memory_space<vmem>>)
        %dma_start3A_321 = arith.constant 0 : i32
        %dma_start3A_322 = arith.constant 0 : i32
        %dma_start3A_323 = tpu.memref_slice %arg2[%dma_start3A_321, %dma_start3A_322] : memref<10000x128xf32, #tpu.memory_space<hbm>> -> memref<10000x128xf32, #tpu.memory_space<hbm>>
        tpu.enqueue_indirect_dma source(%dma_start3A_323 : memref<10000x128xf32, #tpu.memory_space<hbm>>) target(%arg18 : memref<80x128xf32, #tpu.memory_space<vmem>>) offsets(%arg16 : memref<80xi32, #tpu.memory_space<vmem>>) semaphore(%arg26 : memref<!tpu.dma_semaphore, #tpu.memory_space<semaphore_mem>>)
      } else {
      }
      %dma_wait3A_289 = arith.constant 0 : i32
      %dma_wait3A_290 = arith.constant 0 : i32
      %dma_wait3A_291 = tpu.memref_slice %arg12[%dma_wait3A_289, %dma_wait3A_290] : memref<10240x16xf32, #tpu.memory_space<vmem_shared>> -> memref<10240x16xf32, #tpu.memory_space<vmem_shared>>
      tpu.wait_indirect_dma semaphore(%arg28 : memref<!tpu.dma_semaphore, #tpu.memory_space<semaphore_mem>>) src(%arg21 : memref<80x16xf32, #tpu.memory_space<vmem>>) dst(%dma_wait3A_291 : memref<10240x16xf32, #tpu.memory_space<vmem_shared>>)
      %dma_wait3A_292 = arith.constant 0 : i32
      %dma_wait3A_293 = arith.constant 0 : i32
      %dma_wait3A_294 = tpu.memref_slice %arg13[%dma_wait3A_292, %dma_wait3A_293] : memref<10240x16xf32, #tpu.memory_space<vmem_shared>> -> memref<10240x16xf32, #tpu.memory_space<vmem_shared>>
      tpu.wait_indirect_dma semaphore(%arg28 : memref<!tpu.dma_semaphore, #tpu.memory_space<semaphore_mem>>) src(%arg21 : memref<80x16xf32, #tpu.memory_space<vmem>>) dst(%dma_wait3A_294 : memref<10240x16xf32, #tpu.memory_space<vmem_shared>>)
      %dma_wait3A_295 = arith.constant 0 : i32
      %dma_wait3A_296 = arith.constant 0 : i32
      %dma_wait3A_297 = tpu.memref_slice %arg14[%dma_wait3A_295, %dma_wait3A_296] : memref<10240x16xf32, #tpu.memory_space<vmem_shared>> -> memref<10240x16xf32, #tpu.memory_space<vmem_shared>>
      tpu.wait_indirect_dma semaphore(%arg28 : memref<!tpu.dma_semaphore, #tpu.memory_space<semaphore_mem>>) src(%arg22 : memref<80x16xf32, #tpu.memory_space<vmem>>) dst(%dma_wait3A_297 : memref<10240x16xf32, #tpu.memory_space<vmem_shared>>)
      scf.yield %scan3A_277#0, %scan3A_277#1, %scan3A_277#2, %scan3A_277#3, %scan3A_277#4, %scan3A_277#5, %scan3A_277#6, %scan3A_277#7 : vector<16xf32>, vector<16xf32>, vector<16xf32>, vector<16xf32>, vector<16xf32>, vector<16xf32>, vector<16xf32>, vector<16xf32>
    }
    %scan3A_98 = arith.constant 62 : i32
    %dma_wait3A_99 = arith.constant 0 : i32
    %dma_wait3A_100 = arith.constant 0 : i32
    %dma_wait3A_101 = tpu.memref_slice %arg2[%dma_wait3A_99, %dma_wait3A_100] : memref<10000x128xf32, #tpu.memory_space<hbm>> -> memref<10000x128xf32, #tpu.memory_space<hbm>>
    tpu.wait_indirect_dma semaphore(%arg26 : memref<!tpu.dma_semaphore, #tpu.memory_space<semaphore_mem>>) src(%dma_wait3A_101 : memref<10000x128xf32, #tpu.memory_space<hbm>>) dst(%arg18 : memref<80x128xf32, #tpu.memory_space<vmem>>)
    %dma_start3A_102 = arith.constant 0 : i32
    %dma_start3A_103 = arith.constant 0 : i32
    %dma_start3A_104 = tpu.memref_slice %arg11[%dma_start3A_102, %dma_start3A_103] : memref<10240x128xf32, #tpu.memory_space<vmem_shared>> -> memref<10240x128xf32, #tpu.memory_space<vmem_shared>>
    tpu.enqueue_indirect_dma source(%arg18 : memref<80x128xf32, #tpu.memory_space<vmem>>) target(%dma_start3A_104 : memref<10240x128xf32, #tpu.memory_space<vmem_shared>>) offsets(%arg15 : memref<80xi32, #tpu.memory_space<vmem>>) semaphore(%arg28 : memref<!tpu.dma_semaphore, #tpu.memory_space<semaphore_mem>>) {add = true}
    %dma_start3A_105 = arith.constant 0 : i32
    %dma_start3A_106 = arith.constant 0 : i32
    %dma_start3A_107 = tpu.memref_slice %arg12[%dma_start3A_105, %dma_start3A_106] : memref<10240x16xf32, #tpu.memory_space<vmem_shared>> -> memref<10240x16xf32, #tpu.memory_space<vmem_shared>>
    tpu.enqueue_indirect_dma source(%arg17 : memref<80x16xf32, #tpu.memory_space<vmem>>) target(%dma_start3A_107 : memref<10240x16xf32, #tpu.memory_space<vmem_shared>>) offsets(%arg15 : memref<80xi32, #tpu.memory_space<vmem>>) semaphore(%arg28 : memref<!tpu.dma_semaphore, #tpu.memory_space<semaphore_mem>>) {add = true}
    %dma_start3A_108 = arith.constant 0 : i32
    %dma_start3A_109 = arith.constant 0 : i32
    %dma_start3A_110 = tpu.memref_slice %arg13[%dma_start3A_108, %dma_start3A_109] : memref<10240x16xf32, #tpu.memory_space<vmem_shared>> -> memref<10240x16xf32, #tpu.memory_space<vmem_shared>>
    tpu.enqueue_indirect_dma source(%arg17 : memref<80x16xf32, #tpu.memory_space<vmem>>) target(%dma_start3A_110 : memref<10240x16xf32, #tpu.memory_space<vmem_shared>>) offsets(%arg16 : memref<80xi32, #tpu.memory_space<vmem>>) semaphore(%arg28 : memref<!tpu.dma_semaphore, #tpu.memory_space<semaphore_mem>>) {add = true}
    %dma_start3A_111 = arith.constant 0 : i32
    %dma_start3A_112 = arith.constant 0 : i32
    %dma_start3A_113 = tpu.memref_slice %arg14[%dma_start3A_111, %dma_start3A_112] : memref<10240x16xf32, #tpu.memory_space<vmem_shared>> -> memref<10240x16xf32, #tpu.memory_space<vmem_shared>>
    tpu.enqueue_indirect_dma source(%arg22 : memref<80x16xf32, #tpu.memory_space<vmem>>) target(%dma_start3A_113 : memref<10240x16xf32, #tpu.memory_space<vmem_shared>>) offsets(%arg15 : memref<80xi32, #tpu.memory_space<vmem>>) semaphore(%arg28 : memref<!tpu.dma_semaphore, #tpu.memory_space<semaphore_mem>>) {add = true}
    %scan3A_114 = arith.constant 0 : i32
    %scan3A_115 = arith.constant 80 : i32
    %scan3A_116 = arith.addi %scan3A_114, %scan3A_115 : i32
    %scan3A_117 = arith.constant 1 : i32
    %scan3A_118:8 = scf.for %scan3A_192 = %scan3A_114 to %scan3A_116 step %scan3A_117 iter_args(%scan3A_193 = %scan3A_97#0, %scan3A_194 = %scan3A_97#1, %scan3A_195 = %scan3A_97#2, %scan3A_196 = %scan3A_97#3, %scan3A_197 = %scan3A_97#4, %scan3A_198 = %scan3A_97#5, %scan3A_199 = %scan3A_97#6, %scan3A_200 = %scan3A_97#7) -> (vector<16xf32>, vector<16xf32>, vector<16xf32>, vector<16xf32>, vector<16xf32>, vector<16xf32>, vector<16xf32>, vector<16xf32>)  : i32 {
      %get3A = arith.index_cast %scan3A_192 : i32 to index
      %get3A_201 = arith.constant 0 : index
      %get3A_202 = tpu.vector_load %arg18[%get3A, %get3A_201] {strides = array<i32>} : memref<80x128xf32, #tpu.memory_space<vmem>>, vector<1x16xf32>,
      %get3A_203 = vector.shape_cast %get3A_202 : vector<1x16xf32> to vector<16xf32>
      %get3A_204 = arith.index_cast %scan3A_192 : i32 to index
      %get3A_205 = arith.constant 0 : index
      %get3A_206 = tpu.vector_load %arg18[%get3A_204, %get3A_205] {strides = array<i32>} : memref<80x128xf32, #tpu.memory_space<vmem>>, vector<1x16xf32>,
      %get3A_207 = vector.shape_cast %get3A_206 : vector<1x16xf32> to vector<16xf32>
      %mul3A_208 = arith.mulf %get3A_203, %get3A_207 : vector<16xf32>
      %add3A_209 = arith.addf %scan3A_193, %mul3A_208 : vector<16xf32>
      %get3A_210 = arith.index_cast %scan3A_192 : i32 to index
      %get3A_211 = arith.constant 16 : index
      %get3A_212 = tpu.vector_load %arg18[%get3A_210, %get3A_211] {strides = array<i32>} : memref<80x128xf32, #tpu.memory_space<vmem>>, vector<1x16xf32>,
      %get3A_213 = vector.shape_cast %get3A_212 : vector<1x16xf32> to vector<16xf32>
      %get3A_214 = arith.index_cast %scan3A_192 : i32 to index
      %get3A_215 = arith.constant 16 : index
      %get3A_216 = tpu.vector_load %arg18[%get3A_214, %get3A_215] {strides = array<i32>} : memref<80x128xf32, #tpu.memory_space<vmem>>, vector<1x16xf32>,
      %get3A_217 = vector.shape_cast %get3A_216 : vector<1x16xf32> to vector<16xf32>
      %mul3A_218 = arith.mulf %get3A_213, %get3A_217 : vector<16xf32>
      %add3A_219 = arith.addf %scan3A_194, %mul3A_218 : vector<16xf32>
      %get3A_220 = arith.index_cast %scan3A_192 : i32 to index
      %get3A_221 = arith.constant 32 : index
      %get3A_222 = tpu.vector_load %arg18[%get3A_220, %get3A_221] {strides = array<i32>} : memref<80x128xf32, #tpu.memory_space<vmem>>, vector<1x16xf32>,
      %get3A_223 = vector.shape_cast %get3A_222 : vector<1x16xf32> to vector<16xf32>
      %get3A_224 = arith.index_cast %scan3A_192 : i32 to index
      %get3A_225 = arith.constant 32 : index
      %get3A_226 = tpu.vector_load %arg18[%get3A_224, %get3A_225] {strides = array<i32>} : memref<80x128xf32, #tpu.memory_space<vmem>>, vector<1x16xf32>,
      %get3A_227 = vector.shape_cast %get3A_226 : vector<1x16xf32> to vector<16xf32>
      %mul3A_228 = arith.mulf %get3A_223, %get3A_227 : vector<16xf32>
      %add3A_229 = arith.addf %scan3A_195, %mul3A_228 : vector<16xf32>
      %get3A_230 = arith.index_cast %scan3A_192 : i32 to index
      %get3A_231 = arith.constant 48 : index
      %get3A_232 = tpu.vector_load %arg18[%get3A_230, %get3A_231] {strides = array<i32>} : memref<80x128xf32, #tpu.memory_space<vmem>>, vector<1x16xf32>,
      %get3A_233 = vector.shape_cast %get3A_232 : vector<1x16xf32> to vector<16xf32>
      %get3A_234 = arith.index_cast %scan3A_192 : i32 to index
      %get3A_235 = arith.constant 48 : index
      %get3A_236 = tpu.vector_load %arg18[%get3A_234, %get3A_235] {strides = array<i32>} : memref<80x128xf32, #tpu.memory_space<vmem>>, vector<1x16xf32>,
      %get3A_237 = vector.shape_cast %get3A_236 : vector<1x16xf32> to vector<16xf32>
      %mul3A_238 = arith.mulf %get3A_233, %get3A_237 : vector<16xf32>
      %add3A_239 = arith.addf %scan3A_196, %mul3A_238 : vector<16xf32>
      %get3A_240 = arith.index_cast %scan3A_192 : i32 to index
      %get3A_241 = arith.constant 64 : index
      %get3A_242 = tpu.vector_load %arg18[%get3A_240, %get3A_241] {strides = array<i32>} : memref<80x128xf32, #tpu.memory_space<vmem>>, vector<1x16xf32>,
      %get3A_243 = vector.shape_cast %get3A_242 : vector<1x16xf32> to vector<16xf32>
      %get3A_244 = arith.index_cast %scan3A_192 : i32 to index
      %get3A_245 = arith.constant 64 : index
      %get3A_246 = tpu.vector_load %arg18[%get3A_244, %get3A_245] {strides = array<i32>} : memref<80x128xf32, #tpu.memory_space<vmem>>, vector<1x16xf32>,
      %get3A_247 = vector.shape_cast %get3A_246 : vector<1x16xf32> to vector<16xf32>
      %mul3A_248 = arith.mulf %get3A_243, %get3A_247 : vector<16xf32>
      %add3A_249 = arith.addf %scan3A_197, %mul3A_248 : vector<16xf32>
      %get3A_250 = arith.index_cast %scan3A_192 : i32 to index
      %get3A_251 = arith.constant 80 : index
      %get3A_252 = tpu.vector_load %arg18[%get3A_250, %get3A_251] {strides = array<i32>} : memref<80x128xf32, #tpu.memory_space<vmem>>, vector<1x16xf32>,
      %get3A_253 = vector.shape_cast %get3A_252 : vector<1x16xf32> to vector<16xf32>
      %get3A_254 = arith.index_cast %scan3A_192 : i32 to index
      %get3A_255 = arith.constant 80 : index
      %get3A_256 = tpu.vector_load %arg18[%get3A_254, %get3A_255] {strides = array<i32>} : memref<80x128xf32, #tpu.memory_space<vmem>>, vector<1x16xf32>,
      %get3A_257 = vector.shape_cast %get3A_256 : vector<1x16xf32> to vector<16xf32>
      %mul3A_258 = arith.mulf %get3A_253, %get3A_257 : vector<16xf32>
      %add3A_259 = arith.addf %scan3A_198, %mul3A_258 : vector<16xf32>
      %get3A_260 = arith.index_cast %scan3A_192 : i32 to index
      %get3A_261 = arith.constant 96 : index
      %get3A_262 = tpu.vector_load %arg18[%get3A_260, %get3A_261] {strides = array<i32>} : memref<80x128xf32, #tpu.memory_space<vmem>>, vector<1x16xf32>,
      %get3A_263 = vector.shape_cast %get3A_262 : vector<1x16xf32> to vector<16xf32>
      %get3A_264 = arith.index_cast %scan3A_192 : i32 to index
      %get3A_265 = arith.constant 96 : index
      %get3A_266 = tpu.vector_load %arg18[%get3A_264, %get3A_265] {strides = array<i32>} : memref<80x128xf32, #tpu.memory_space<vmem>>, vector<1x16xf32>,
      %get3A_267 = vector.shape_cast %get3A_266 : vector<1x16xf32> to vector<16xf32>
      %mul3A_268 = arith.mulf %get3A_263, %get3A_267 : vector<16xf32>
      %add3A_269 = arith.addf %scan3A_199, %mul3A_268 : vector<16xf32>
      %get3A_270 = arith.index_cast %scan3A_192 : i32 to index
      %get3A_271 = arith.constant 112 : index
      %get3A_272 = tpu.vector_load %arg18[%get3A_270, %get3A_271] {strides = array<i32>} : memref<80x128xf32, #tpu.memory_space<vmem>>, vector<1x16xf32>,
      %get3A_273 = vector.shape_cast %get3A_272 : vector<1x16xf32> to vector<16xf32>
      %get3A_274 = arith.index_cast %scan3A_192 : i32 to index
      %get3A_275 = arith.constant 112 : index
      %get3A_276 = tpu.vector_load %arg18[%get3A_274, %get3A_275] {strides = array<i32>} : memref<80x128xf32, #tpu.memory_space<vmem>>, vector<1x16xf32>,
      %get3A_277 = vector.shape_cast %get3A_276 : vector<1x16xf32> to vector<16xf32>
      %mul3A_278 = arith.mulf %get3A_273, %get3A_277 : vector<16xf32>
      %add3A_279 = arith.addf %scan3A_200, %mul3A_278 : vector<16xf32>
      scf.yield %add3A_209, %add3A_219, %add3A_229, %add3A_239, %add3A_249, %add3A_259, %add3A_269, %add3A_279 : vector<16xf32>, vector<16xf32>, vector<16xf32>, vector<16xf32>, vector<16xf32>, vector<16xf32>, vector<16xf32>, vector<16xf32>
    }
    %scan3A_119 = arith.constant 80 : i32
    %dma_wait3A_120 = arith.constant 0 : i32
    %dma_wait3A_121 = arith.constant 0 : i32
    %dma_wait3A_122 = tpu.memref_slice %arg11[%dma_wait3A_120, %dma_wait3A_121] : memref<10240x128xf32, #tpu.memory_space<vmem_shared>> -> memref<10240x128xf32, #tpu.memory_space<vmem_shared>>
    tpu.wait_indirect_dma semaphore(%arg28 : memref<!tpu.dma_semaphore, #tpu.memory_space<semaphore_mem>>) src(%arg18 : memref<80x128xf32, #tpu.memory_space<vmem>>) dst(%dma_wait3A_122 : memref<10240x128xf32, #tpu.memory_space<vmem_shared>>)
    %dma_wait3A_123 = arith.constant 0 : i32
    %dma_wait3A_124 = arith.constant 0 : i32
    %dma_wait3A_125 = tpu.memref_slice %arg12[%dma_wait3A_123, %dma_wait3A_124] : memref<10240x16xf32, #tpu.memory_space<vmem_shared>> -> memref<10240x16xf32, #tpu.memory_space<vmem_shared>>
    tpu.wait_indirect_dma semaphore(%arg28 : memref<!tpu.dma_semaphore, #tpu.memory_space<semaphore_mem>>) src(%arg17 : memref<80x16xf32, #tpu.memory_space<vmem>>) dst(%dma_wait3A_125 : memref<10240x16xf32, #tpu.memory_space<vmem_shared>>)
    %dma_wait3A_126 = arith.constant 0 : i32
    %dma_wait3A_127 = arith.constant 0 : i32
    %dma_wait3A_128 = tpu.memref_slice %arg13[%dma_wait3A_126, %dma_wait3A_127] : memref<10240x16xf32, #tpu.memory_space<vmem_shared>> -> memref<10240x16xf32, #tpu.memory_space<vmem_shared>>
    tpu.wait_indirect_dma semaphore(%arg28 : memref<!tpu.dma_semaphore, #tpu.memory_space<semaphore_mem>>) src(%arg17 : memref<80x16xf32, #tpu.memory_space<vmem>>) dst(%dma_wait3A_128 : memref<10240x16xf32, #tpu.memory_space<vmem_shared>>)
    %dma_wait3A_129 = arith.constant 0 : i32
    %dma_wait3A_130 = arith.constant 0 : i32
    %dma_wait3A_131 = tpu.memref_slice %arg14[%dma_wait3A_129, %dma_wait3A_130] : memref<10240x16xf32, #tpu.memory_space<vmem_shared>> -> memref<10240x16xf32, #tpu.memory_space<vmem_shared>>
    tpu.wait_indirect_dma semaphore(%arg28 : memref<!tpu.dma_semaphore, #tpu.memory_space<semaphore_mem>>) src(%arg22 : memref<80x16xf32, #tpu.memory_space<vmem>>) dst(%dma_wait3A_131 : memref<10240x16xf32, #tpu.memory_space<vmem_shared>>)
    %swap3A = arith.constant 0 : i32
    %swap3A_132 = arith.index_cast %swap3A : i32 to index
    %swap3A_133 = arith.constant 0 : index
    %swap3A_134 = tpu.vector_load %arg25[%swap3A_132, %swap3A_133] {strides = array<i32>} : memref<8x16xf32, #tpu.memory_space<vmem>>, vector<1x16xf32>,
    %swap3A_135 = vector.shape_cast %swap3A_134 : vector<1x16xf32> to vector<16xf32>
    %swap3A_136 = vector.shape_cast %scan3A_118#0 : vector<16xf32> to vector<1x16xf32>
    tpu.vector_store %arg25[%swap3A_132, %swap3A_133], %swap3A_136 {strides = array<i32>} : memref<8x16xf32, #tpu.memory_space<vmem>>, vector<1x16xf32>,
    %swap3A_137 = arith.constant 1 : i32
    %swap3A_138 = arith.index_cast %swap3A_137 : i32 to index
    %swap3A_139 = arith.constant 0 : index
    %swap3A_140 = tpu.vector_load %arg25[%swap3A_138, %swap3A_139] {strides = array<i32>} : memref<8x16xf32, #tpu.memory_space<vmem>>, vector<1x16xf32>,
    %swap3A_141 = vector.shape_cast %swap3A_140 : vector<1x16xf32> to vector<16xf32>
    %swap3A_142 = vector.shape_cast %scan3A_118#1 : vector<16xf32> to vector<1x16xf32>
    tpu.vector_store %arg25[%swap3A_138, %swap3A_139], %swap3A_142 {strides = array<i32>} : memref<8x16xf32, #tpu.memory_space<vmem>>, vector<1x16xf32>,
    %swap3A_143 = arith.constant 2 : i32
    %swap3A_144 = arith.index_cast %swap3A_143 : i32 to index
    %swap3A_145 = arith.constant 0 : index
    %swap3A_146 = tpu.vector_load %arg25[%swap3A_144, %swap3A_145] {strides = array<i32>} : memref<8x16xf32, #tpu.memory_space<vmem>>, vector<1x16xf32>,
    %swap3A_147 = vector.shape_cast %swap3A_146 : vector<1x16xf32> to vector<16xf32>
    %swap3A_148 = vector.shape_cast %scan3A_118#2 : vector<16xf32> to vector<1x16xf32>
    tpu.vector_store %arg25[%swap3A_144, %swap3A_145], %swap3A_148 {strides = array<i32>} : memref<8x16xf32, #tpu.memory_space<vmem>>, vector<1x16xf32>,
    %swap3A_149 = arith.constant 3 : i32
    %swap3A_150 = arith.index_cast %swap3A_149 : i32 to index
    %swap3A_151 = arith.constant 0 : index
    %swap3A_152 = tpu.vector_load %arg25[%swap3A_150, %swap3A_151] {strides = array<i32>} : memref<8x16xf32, #tpu.memory_space<vmem>>, vector<1x16xf32>,
    %swap3A_153 = vector.shape_cast %swap3A_152 : vector<1x16xf32> to vector<16xf32>
    %swap3A_154 = vector.shape_cast %scan3A_118#3 : vector<16xf32> to vector<1x16xf32>
    tpu.vector_store %arg25[%swap3A_150, %swap3A_151], %swap3A_154 {strides = array<i32>} : memref<8x16xf32, #tpu.memory_space<vmem>>, vector<1x16xf32>,
    %swap3A_155 = arith.constant 4 : i32
    %swap3A_156 = arith.index_cast %swap3A_155 : i32 to index
    %swap3A_157 = arith.constant 0 : index
    %swap3A_158 = tpu.vector_load %arg25[%swap3A_156, %swap3A_157] {strides = array<i32>} : memref<8x16xf32, #tpu.memory_space<vmem>>, vector<1x16xf32>,
    %swap3A_159 = vector.shape_cast %swap3A_158 : vector<1x16xf32> to vector<16xf32>
    %swap3A_160 = vector.shape_cast %scan3A_118#4 : vector<16xf32> to vector<1x16xf32>
    tpu.vector_store %arg25[%swap3A_156, %swap3A_157], %swap3A_160 {strides = array<i32>} : memref<8x16xf32, #tpu.memory_space<vmem>>, vector<1x16xf32>,
    %swap3A_161 = arith.constant 5 : i32
    %swap3A_162 = arith.index_cast %swap3A_161 : i32 to index
    %swap3A_163 = arith.constant 0 : index
    %swap3A_164 = tpu.vector_load %arg25[%swap3A_162, %swap3A_163] {strides = array<i32>} : memref<8x16xf32, #tpu.memory_space<vmem>>, vector<1x16xf32>,
    %swap3A_165 = vector.shape_cast %swap3A_164 : vector<1x16xf32> to vector<16xf32>
    %swap3A_166 = vector.shape_cast %scan3A_118#5 : vector<16xf32> to vector<1x16xf32>
    tpu.vector_store %arg25[%swap3A_162, %swap3A_163], %swap3A_166 {strides = array<i32>} : memref<8x16xf32, #tpu.memory_space<vmem>>, vector<1x16xf32>,
    %swap3A_167 = arith.constant 6 : i32
    %swap3A_168 = arith.index_cast %swap3A_167 : i32 to index
    %swap3A_169 = arith.constant 0 : index
    %swap3A_170 = tpu.vector_load %arg25[%swap3A_168, %swap3A_169] {strides = array<i32>} : memref<8x16xf32, #tpu.memory_space<vmem>>, vector<1x16xf32>,
    %swap3A_171 = vector.shape_cast %swap3A_170 : vector<1x16xf32> to vector<16xf32>
    %swap3A_172 = vector.shape_cast %scan3A_118#6 : vector<16xf32> to vector<1x16xf32>
    tpu.vector_store %arg25[%swap3A_168, %swap3A_169], %swap3A_172 {strides = array<i32>} : memref<8x16xf32, #tpu.memory_space<vmem>>, vector<1x16xf32>,
    %swap3A_173 = arith.constant 7 : i32
    %swap3A_174 = arith.index_cast %swap3A_173 : i32 to index
    %swap3A_175 = arith.constant 0 : index
    %swap3A_176 = tpu.vector_load %arg25[%swap3A_174, %swap3A_175] {strides = array<i32>} : memref<8x16xf32, #tpu.memory_space<vmem>>, vector<1x16xf32>,
    %swap3A_177 = vector.shape_cast %swap3A_176 : vector<1x16xf32> to vector<16xf32>
    %swap3A_178 = vector.shape_cast %scan3A_118#7 : vector<16xf32> to vector<1x16xf32>
    tpu.vector_store %arg25[%swap3A_174, %swap3A_175], %swap3A_178 {strides = array<i32>} : memref<8x16xf32, #tpu.memory_space<vmem>>, vector<1x16xf32>,
    %mul3A_179 = arith.constant 8 : i32
    %mul3A_180 = arith.muli %arg1, %mul3A_179 : i32
    "tpu.region"() ({
      %run_scoped3A = tpu.sem_alloc : memref<!tpu.dma_semaphore, #tpu.memory_space<semaphore_mem>>
      %dma_start3A_192 = arith.constant 0 : i32
      %dma_start3A_193 = tpu.memref_slice %arg10[%arg0, %mul3A_180, %dma_start3A_192] : memref<2x128x16xf32, #tpu.memory_space<hbm>> -> memref<1x8x16xf32, #tpu.memory_space<hbm>>
      %dma_start3A_194 = tpu.memref_squeeze %dma_start3A_193 : memref<1x8x16xf32, #tpu.memory_space<hbm>> -> memref<8x16xf32, #tpu.memory_space<hbm>>
      %dma_start3A_195 = arith.constant 0 : i32
      %dma_start3A_196 = tpu.memref_slice %arg10[%arg0, %mul3A_180, %dma_start3A_195] : memref<2x128x16xf32, #tpu.memory_space<hbm>> -> memref<1x8x16xf32, #tpu.memory_space<hbm>>
      %dma_start3A_197 = tpu.memref_squeeze %dma_start3A_196 : memref<1x8x16xf32, #tpu.memory_space<hbm>> -> memref<8x16xf32, #tpu.memory_space<hbm>>
      tpu.enqueue_dma source(%arg25 : memref<8x16xf32, #tpu.memory_space<vmem>>) target(%dma_start3A_197 : memref<8x16xf32, #tpu.memory_space<hbm>>) target_semaphore(%run_scoped3A : memref<!tpu.dma_semaphore, #tpu.memory_space<semaphore_mem>>)
      %dma_wait3A_198 = arith.constant 0 : i32
      %dma_wait3A_199 = tpu.memref_slice %arg10[%arg0, %mul3A_180, %dma_wait3A_198] : memref<2x128x16xf32, #tpu.memory_space<hbm>> -> memref<1x8x16xf32, #tpu.memory_space<hbm>>
      %dma_wait3A_200 = tpu.memref_squeeze %dma_wait3A_199 : memref<1x8x16xf32, #tpu.memory_space<hbm>> -> memref<8x16xf32, #tpu.memory_space<hbm>>
      %dma_wait3A_201 = arith.constant 0 : i32
      %dma_wait3A_202 = tpu.memref_slice %arg10[%arg0, %mul3A_180, %dma_wait3A_201] : memref<2x128x16xf32, #tpu.memory_space<hbm>> -> memref<1x8x16xf32, #tpu.memory_space<hbm>>
      %dma_wait3A_203 = tpu.memref_squeeze %dma_wait3A_202 : memref<1x8x16xf32, #tpu.memory_space<hbm>> -> memref<8x16xf32, #tpu.memory_space<hbm>>
      tpu.wait_dma2 semaphore(%run_scoped3A : memref<!tpu.dma_semaphore, #tpu.memory_space<semaphore_mem>>) src(%arg25 : memref<8x16xf32, #tpu.memory_space<vmem>>) dst(%dma_wait3A_203 : memref<8x16xf32, #tpu.memory_space<hbm>>)
      tpu.yield
    }) : () -> ()
    %barrier3A_181 = arith.constant 0 : index
    tpu.barrier barrier_id(%barrier3A_181)
    %scan3A_182 = arith.constant 0 : i32
    %scan3A_183 = arith.constant 40 : i32
    %scan3A_184 = arith.addi %scan3A_182, %scan3A_183 : i32
    %scan3A_185 = arith.constant 1 : i32
    scf.for %scan3A_192 = %scan3A_182 to %scan3A_184 step %scan3A_185  : i32 {
      %mul3A_193 = arith.constant 16 : i32
      %mul3A_194 = arith.muli %scan3A_192, %mul3A_193 : i32
      %add3A_195 = arith.addi %mul3A_2, %mul3A_194 : i32
      "tpu.region"() ({
        %run_scoped3A = tpu.sem_alloc : memref<!tpu.dma_semaphore, #tpu.memory_space<semaphore_mem>>
        %dma_start3A_199 = arith.constant 0 : i32
        %dma_start3A_200 = tpu.memref_slice %arg11[%add3A_195, %dma_start3A_199] : memref<10240x128xf32, #tpu.memory_space<vmem_shared>> -> memref<16x128xf32, #tpu.memory_space<vmem_shared>>
        %dma_start3A_201 = arith.constant 0 : i32
        %dma_start3A_202 = tpu.memref_slice %arg11[%add3A_195, %dma_start3A_201] : memref<10240x128xf32, #tpu.memory_space<vmem_shared>> -> memref<16x128xf32, #tpu.memory_space<vmem_shared>>
        tpu.enqueue_dma source(%dma_start3A_202 : memref<16x128xf32, #tpu.memory_space<vmem_shared>>) target(%arg23 : memref<16x128xf32, #tpu.memory_space<vmem>>) target_semaphore(%run_scoped3A : memref<!tpu.dma_semaphore, #tpu.memory_space<semaphore_mem>>)
        %dma_wait3A_203 = arith.constant 0 : i32
        %dma_wait3A_204 = tpu.memref_slice %arg11[%add3A_195, %dma_wait3A_203] : memref<10240x128xf32, #tpu.memory_space<vmem_shared>> -> memref<16x128xf32, #tpu.memory_space<vmem_shared>>
        %dma_wait3A_205 = arith.constant 0 : i32
        %dma_wait3A_206 = tpu.memref_slice %arg11[%add3A_195, %dma_wait3A_205] : memref<10240x128xf32, #tpu.memory_space<vmem_shared>> -> memref<16x128xf32, #tpu.memory_space<vmem_shared>>
        tpu.wait_dma2 semaphore(%run_scoped3A : memref<!tpu.dma_semaphore, #tpu.memory_space<semaphore_mem>>) src(%dma_wait3A_206 : memref<16x128xf32, #tpu.memory_space<vmem_shared>>) dst(%arg23 : memref<16x128xf32, #tpu.memory_space<vmem>>)
        tpu.yield
      }) : () -> ()
      %mul3A_196 = arith.constant 16 : i32
      %mul3A_197 = arith.muli %scan3A_192, %mul3A_196 : i32
      %add3A_198 = arith.addi %mul3A_2, %mul3A_197 : i32
      "tpu.region"() ({
        %run_scoped3A = tpu.sem_alloc : memref<!tpu.dma_semaphore, #tpu.memory_space<semaphore_mem>>
        %dma_start3A_199 = arith.constant 0 : i32
        %dma_start3A_200 = tpu.memref_slice %arg6[%arg0, %add3A_198, %dma_start3A_199] : memref<2x10240x128xf32, #tpu.memory_space<hbm>> -> memref<1x16x128xf32, #tpu.memory_space<hbm>>
        %dma_start3A_201 = tpu.memref_squeeze %dma_start3A_200 : memref<1x16x128xf32, #tpu.memory_space<hbm>> -> memref<16x128xf32, #tpu.memory_space<hbm>>
        %dma_start3A_202 = arith.constant 0 : i32
        %dma_start3A_203 = tpu.memref_slice %arg6[%arg0, %add3A_198, %dma_start3A_202] : memref<2x10240x128xf32, #tpu.memory_space<hbm>> -> memref<1x16x128xf32, #tpu.memory_space<hbm>>
        %dma_start3A_204 = tpu.memref_squeeze %dma_start3A_203 : memref<1x16x128xf32, #tpu.memory_space<hbm>> -> memref<16x128xf32, #tpu.memory_space<hbm>>
        tpu.enqueue_dma source(%arg23 : memref<16x128xf32, #tpu.memory_space<vmem>>) target(%dma_start3A_204 : memref<16x128xf32, #tpu.memory_space<hbm>>) target_semaphore(%run_scoped3A : memref<!tpu.dma_semaphore, #tpu.memory_space<semaphore_mem>>)
        %dma_wait3A_205 = arith.constant 0 : i32
        %dma_wait3A_206 = tpu.memref_slice %arg6[%arg0, %add3A_198, %dma_wait3A_205] : memref<2x10240x128xf32, #tpu.memory_space<hbm>> -> memref<1x16x128xf32, #tpu.memory_space<hbm>>
        %dma_wait3A_207 = tpu.memref_squeeze %dma_wait3A_206 : memref<1x16x128xf32, #tpu.memory_space<hbm>> -> memref<16x128xf32, #tpu.memory_space<hbm>>
        %dma_wait3A_208 = arith.constant 0 : i32
        %dma_wait3A_209 = tpu.memref_slice %arg6[%arg0, %add3A_198, %dma_wait3A_208] : memref<2x10240x128xf32, #tpu.memory_space<hbm>> -> memref<1x16x128xf32, #tpu.memory_space<hbm>>
        %dma_wait3A_210 = tpu.memref_squeeze %dma_wait3A_209 : memref<1x16x128xf32, #tpu.memory_space<hbm>> -> memref<16x128xf32, #tpu.memory_space<hbm>>
        tpu.wait_dma2 semaphore(%run_scoped3A : memref<!tpu.dma_semaphore, #tpu.memory_space<semaphore_mem>>) src(%arg23 : memref<16x128xf32, #tpu.memory_space<vmem>>) dst(%dma_wait3A_210 : memref<16x128xf32, #tpu.memory_space<hbm>>)
        tpu.yield
      }) : () -> ()
    }
    %scan3A_186 = arith.constant 40 : i32
    %scan3A_187 = arith.constant 0 : i32
    %scan3A_188 = arith.constant 16 : i32
    %scan3A_189 = arith.addi %scan3A_187, %scan3A_188 : i32
    %scan3A_190 = arith.constant 1 : i32
    scf.for %scan3A_192 = %scan3A_187 to %scan3A_189 step %scan3A_190  : i32 {
      %mul3A_193 = arith.constant 40 : i32
      %mul3A_194 = arith.muli %scan3A_192, %mul3A_193 : i32
      %add3A_195 = arith.addi %mul3A_2, %mul3A_194 : i32
      "tpu.region"() ({
        %run_scoped3A = tpu.sem_alloc : memref<!tpu.dma_semaphore, #tpu.memory_space<semaphore_mem>>
        %dma_start3A_196 = arith.constant 0 : i32
        %dma_start3A_197 = tpu.memref_slice %arg12[%add3A_195, %dma_start3A_196] : memref<10240x16xf32, #tpu.memory_space<vmem_shared>> -> memref<40x16xf32, #tpu.memory_space<vmem_shared>>
        %dma_start3A_198 = arith.constant 0 : i32
        %dma_start3A_199 = tpu.memref_slice %arg12[%add3A_195, %dma_start3A_198] : memref<10240x16xf32, #tpu.memory_space<vmem_shared>> -> memref<40x16xf32, #tpu.memory_space<vmem_shared>>
        tpu.enqueue_dma source(%dma_start3A_199 : memref<40x16xf32, #tpu.memory_space<vmem_shared>>) target(%arg24 : memref<40x16xf32, #tpu.memory_space<vmem>>) target_semaphore(%run_scoped3A : memref<!tpu.dma_semaphore, #tpu.memory_space<semaphore_mem>>)
        %dma_wait3A_200 = arith.constant 0 : i32
        %dma_wait3A_201 = tpu.memref_slice %arg12[%add3A_195, %dma_wait3A_200] : memref<10240x16xf32, #tpu.memory_space<vmem_shared>> -> memref<40x16xf32, #tpu.memory_space<vmem_shared>>
        %dma_wait3A_202 = arith.constant 0 : i32
        %dma_wait3A_203 = tpu.memref_slice %arg12[%add3A_195, %dma_wait3A_202] : memref<10240x16xf32, #tpu.memory_space<vmem_shared>> -> memref<40x16xf32, #tpu.memory_space<vmem_shared>>
        tpu.wait_dma2 semaphore(%run_scoped3A : memref<!tpu.dma_semaphore, #tpu.memory_space<semaphore_mem>>) src(%dma_wait3A_203 : memref<40x16xf32, #tpu.memory_space<vmem_shared>>) dst(%arg24 : memref<40x16xf32, #tpu.memory_space<vmem>>)
        tpu.yield
      }) : () -> ()
      "tpu.region"() ({
        %run_scoped3A = tpu.sem_alloc : memref<!tpu.dma_semaphore, #tpu.memory_space<semaphore_mem>>
        %dma_start3A_196 = arith.constant 0 : i32
        %dma_start3A_197 = tpu.memref_slice %arg7[%arg0, %add3A_195, %dma_start3A_196] : memref<2x10240x16xf32, #tpu.memory_space<hbm>> -> memref<1x40x16xf32, #tpu.memory_space<hbm>>
        %dma_start3A_198 = tpu.memref_squeeze %dma_start3A_197 : memref<1x40x16xf32, #tpu.memory_space<hbm>> -> memref<40x16xf32, #tpu.memory_space<hbm>>
        %dma_start3A_199 = arith.constant 0 : i32
        %dma_start3A_200 = tpu.memref_slice %arg7[%arg0, %add3A_195, %dma_start3A_199] : memref<2x10240x16xf32, #tpu.memory_space<hbm>> -> memref<1x40x16xf32, #tpu.memory_space<hbm>>
        %dma_start3A_201 = tpu.memref_squeeze %dma_start3A_200 : memref<1x40x16xf32, #tpu.memory_space<hbm>> -> memref<40x16xf32, #tpu.memory_space<hbm>>
        tpu.enqueue_dma source(%arg24 : memref<40x16xf32, #tpu.memory_space<vmem>>) target(%dma_start3A_201 : memref<40x16xf32, #tpu.memory_space<hbm>>) target_semaphore(%run_scoped3A : memref<!tpu.dma_semaphore, #tpu.memory_space<semaphore_mem>>)
        %dma_wait3A_202 = arith.constant 0 : i32
        %dma_wait3A_203 = tpu.memref_slice %arg7[%arg0, %add3A_195, %dma_wait3A_202] : memref<2x10240x16xf32, #tpu.memory_space<hbm>> -> memref<1x40x16xf32, #tpu.memory_space<hbm>>
        %dma_wait3A_204 = tpu.memref_squeeze %dma_wait3A_203 : memref<1x40x16xf32, #tpu.memory_space<hbm>> -> memref<40x16xf32, #tpu.memory_space<hbm>>
        %dma_wait3A_205 = arith.constant 0 : i32
        %dma_wait3A_206 = tpu.memref_slice %arg7[%arg0, %add3A_195, %dma_wait3A_205] : memref<2x10240x16xf32, #tpu.memory_space<hbm>> -> memref<1x40x16xf32, #tpu.memory_space<hbm>>
        %dma_wait3A_207 = tpu.memref_squeeze %dma_wait3A_206 : memref<1x40x16xf32, #tpu.memory_space<hbm>> -> memref<40x16xf32, #tpu.memory_space<hbm>>
        tpu.wait_dma2 semaphore(%run_scoped3A : memref<!tpu.dma_semaphore, #tpu.memory_space<semaphore_mem>>) src(%arg24 : memref<40x16xf32, #tpu.memory_space<vmem>>) dst(%dma_wait3A_207 : memref<40x16xf32, #tpu.memory_space<hbm>>)
        tpu.yield
      }) : () -> ()
      "tpu.region"() ({
        %run_scoped3A = tpu.sem_alloc : memref<!tpu.dma_semaphore, #tpu.memory_space<semaphore_mem>>
        %dma_start3A_196 = arith.constant 0 : i32
        %dma_start3A_197 = tpu.memref_slice %arg13[%add3A_195, %dma_start3A_196] : memref<10240x16xf32, #tpu.memory_space<vmem_shared>> -> memref<40x16xf32, #tpu.memory_space<vmem_shared>>
        %dma_start3A_198 = arith.constant 0 : i32
        %dma_start3A_199 = tpu.memref_slice %arg13[%add3A_195, %dma_start3A_198] : memref<10240x16xf32, #tpu.memory_space<vmem_shared>> -> memref<40x16xf32, #tpu.memory_space<vmem_shared>>
        tpu.enqueue_dma source(%dma_start3A_199 : memref<40x16xf32, #tpu.memory_space<vmem_shared>>) target(%arg24 : memref<40x16xf32, #tpu.memory_space<vmem>>) target_semaphore(%run_scoped3A : memref<!tpu.dma_semaphore, #tpu.memory_space<semaphore_mem>>)
        %dma_wait3A_200 = arith.constant 0 : i32
        %dma_wait3A_201 = tpu.memref_slice %arg13[%add3A_195, %dma_wait3A_200] : memref<10240x16xf32, #tpu.memory_space<vmem_shared>> -> memref<40x16xf32, #tpu.memory_space<vmem_shared>>
        %dma_wait3A_202 = arith.constant 0 : i32
        %dma_wait3A_203 = tpu.memref_slice %arg13[%add3A_195, %dma_wait3A_202] : memref<10240x16xf32, #tpu.memory_space<vmem_shared>> -> memref<40x16xf32, #tpu.memory_space<vmem_shared>>
        tpu.wait_dma2 semaphore(%run_scoped3A : memref<!tpu.dma_semaphore, #tpu.memory_space<semaphore_mem>>) src(%dma_wait3A_203 : memref<40x16xf32, #tpu.memory_space<vmem_shared>>) dst(%arg24 : memref<40x16xf32, #tpu.memory_space<vmem>>)
        tpu.yield
      }) : () -> ()
      "tpu.region"() ({
        %run_scoped3A = tpu.sem_alloc : memref<!tpu.dma_semaphore, #tpu.memory_space<semaphore_mem>>
        %dma_start3A_196 = arith.constant 0 : i32
        %dma_start3A_197 = tpu.memref_slice %arg8[%arg0, %add3A_195, %dma_start3A_196] : memref<2x10240x16xf32, #tpu.memory_space<hbm>> -> memref<1x40x16xf32, #tpu.memory_space<hbm>>
        %dma_start3A_198 = tpu.memref_squeeze %dma_start3A_197 : memref<1x40x16xf32, #tpu.memory_space<hbm>> -> memref<40x16xf32, #tpu.memory_space<hbm>>
        %dma_start3A_199 = arith.constant 0 : i32
        %dma_start3A_200 = tpu.memref_slice %arg8[%arg0, %add3A_195, %dma_start3A_199] : memref<2x10240x16xf32, #tpu.memory_space<hbm>> -> memref<1x40x16xf32, #tpu.memory_space<hbm>>
        %dma_start3A_201 = tpu.memref_squeeze %dma_start3A_200 : memref<1x40x16xf32, #tpu.memory_space<hbm>> -> memref<40x16xf32, #tpu.memory_space<hbm>>
        tpu.enqueue_dma source(%arg24 : memref<40x16xf32, #tpu.memory_space<vmem>>) target(%dma_start3A_201 : memref<40x16xf32, #tpu.memory_space<hbm>>) target_semaphore(%run_scoped3A : memref<!tpu.dma_semaphore, #tpu.memory_space<semaphore_mem>>)
        %dma_wait3A_202 = arith.constant 0 : i32
        %dma_wait3A_203 = tpu.memref_slice %arg8[%arg0, %add3A_195, %dma_wait3A_202] : memref<2x10240x16xf32, #tpu.memory_space<hbm>> -> memref<1x40x16xf32, #tpu.memory_space<hbm>>
        %dma_wait3A_204 = tpu.memref_squeeze %dma_wait3A_203 : memref<1x40x16xf32, #tpu.memory_space<hbm>> -> memref<40x16xf32, #tpu.memory_space<hbm>>
        %dma_wait3A_205 = arith.constant 0 : i32
        %dma_wait3A_206 = tpu.memref_slice %arg8[%arg0, %add3A_195, %dma_wait3A_205] : memref<2x10240x16xf32, #tpu.memory_space<hbm>> -> memref<1x40x16xf32, #tpu.memory_space<hbm>>
        %dma_wait3A_207 = tpu.memref_squeeze %dma_wait3A_206 : memref<1x40x16xf32, #tpu.memory_space<hbm>> -> memref<40x16xf32, #tpu.memory_space<hbm>>
        tpu.wait_dma2 semaphore(%run_scoped3A : memref<!tpu.dma_semaphore, #tpu.memory_space<semaphore_mem>>) src(%arg24 : memref<40x16xf32, #tpu.memory_space<vmem>>) dst(%dma_wait3A_207 : memref<40x16xf32, #tpu.memory_space<hbm>>)
        tpu.yield
      }) : () -> ()
      "tpu.region"() ({
        %run_scoped3A = tpu.sem_alloc : memref<!tpu.dma_semaphore, #tpu.memory_space<semaphore_mem>>
        %dma_start3A_196 = arith.constant 0 : i32
        %dma_start3A_197 = tpu.memref_slice %arg14[%add3A_195, %dma_start3A_196] : memref<10240x16xf32, #tpu.memory_space<vmem_shared>> -> memref<40x16xf32, #tpu.memory_space<vmem_shared>>
        %dma_start3A_198 = arith.constant 0 : i32
        %dma_start3A_199 = tpu.memref_slice %arg14[%add3A_195, %dma_start3A_198] : memref<10240x16xf32, #tpu.memory_space<vmem_shared>> -> memref<40x16xf32, #tpu.memory_space<vmem_shared>>
        tpu.enqueue_dma source(%dma_start3A_199 : memref<40x16xf32, #tpu.memory_space<vmem_shared>>) target(%arg24 : memref<40x16xf32, #tpu.memory_space<vmem>>) target_semaphore(%run_scoped3A : memref<!tpu.dma_semaphore, #tpu.memory_space<semaphore_mem>>)
        %dma_wait3A_200 = arith.constant 0 : i32
        %dma_wait3A_201 = tpu.memref_slice %arg14[%add3A_195, %dma_wait3A_200] : memref<10240x16xf32, #tpu.memory_space<vmem_shared>> -> memref<40x16xf32, #tpu.memory_space<vmem_shared>>
        %dma_wait3A_202 = arith.constant 0 : i32
        %dma_wait3A_203 = tpu.memref_slice %arg14[%add3A_195, %dma_wait3A_202] : memref<10240x16xf32, #tpu.memory_space<vmem_shared>> -> memref<40x16xf32, #tpu.memory_space<vmem_shared>>
        tpu.wait_dma2 semaphore(%run_scoped3A : memref<!tpu.dma_semaphore, #tpu.memory_space<semaphore_mem>>) src(%dma_wait3A_203 : memref<40x16xf32, #tpu.memory_space<vmem_shared>>) dst(%arg24 : memref<40x16xf32, #tpu.memory_space<vmem>>)
        tpu.yield
      }) : () -> ()
      "tpu.region"() ({
        %run_scoped3A = tpu.sem_alloc : memref<!tpu.dma_semaphore, #tpu.memory_space<semaphore_mem>>
        %dma_start3A_196 = arith.constant 0 : i32
        %dma_start3A_197 = tpu.memref_slice %arg9[%arg0, %add3A_195, %dma_start3A_196] : memref<2x10240x16xf32, #tpu.memory_space<hbm>> -> memref<1x40x16xf32, #tpu.memory_space<hbm>>
        %dma_start3A_198 = tpu.memref_squeeze %dma_start3A_197 : memref<1x40x16xf32, #tpu.memory_space<hbm>> -> memref<40x16xf32, #tpu.memory_space<hbm>>
        %dma_start3A_199 = arith.constant 0 : i32
        %dma_start3A_200 = tpu.memref_slice %arg9[%arg0, %add3A_195, %dma_start3A_199] : memref<2x10240x16xf32, #tpu.memory_space<hbm>> -> memref<1x40x16xf32, #tpu.memory_space<hbm>>
        %dma_start3A_201 = tpu.memref_squeeze %dma_start3A_200 : memref<1x40x16xf32, #tpu.memory_space<hbm>> -> memref<40x16xf32, #tpu.memory_space<hbm>>
        tpu.enqueue_dma source(%arg24 : memref<40x16xf32, #tpu.memory_space<vmem>>) target(%dma_start3A_201 : memref<40x16xf32, #tpu.memory_space<hbm>>) target_semaphore(%run_scoped3A : memref<!tpu.dma_semaphore, #tpu.memory_space<semaphore_mem>>)
        %dma_wait3A_202 = arith.constant 0 : i32
        %dma_wait3A_203 = tpu.memref_slice %arg9[%arg0, %add3A_195, %dma_wait3A_202] : memref<2x10240x16xf32, #tpu.memory_space<hbm>> -> memref<1x40x16xf32, #tpu.memory_space<hbm>>
        %dma_wait3A_204 = tpu.memref_squeeze %dma_wait3A_203 : memref<1x40x16xf32, #tpu.memory_space<hbm>> -> memref<40x16xf32, #tpu.memory_space<hbm>>
        %dma_wait3A_205 = arith.constant 0 : i32
        %dma_wait3A_206 = tpu.memref_slice %arg9[%arg0, %add3A_195, %dma_wait3A_205] : memref<2x10240x16xf32, #tpu.memory_space<hbm>> -> memref<1x40x16xf32, #tpu.memory_space<hbm>>
        %dma_wait3A_207 = tpu.memref_squeeze %dma_wait3A_206 : memref<1x40x16xf32, #tpu.memory_space<hbm>> -> memref<40x16xf32, #tpu.memory_space<hbm>>
        tpu.wait_dma2 semaphore(%run_scoped3A : memref<!tpu.dma_semaphore, #tpu.memory_space<semaphore_mem>>) src(%arg24 : memref<40x16xf32, #tpu.memory_space<vmem>>) dst(%dma_wait3A_207 : memref<40x16xf32, #tpu.memory_space<hbm>>)
        tpu.yield
      }) : () -> ()
    }
    %scan3A_191 = arith.constant 16 : i32
    return
  }
}

module attributes {stable_mosaic.version = 14 : i64} {
  func.func @_u_body(%arg0: i32, %arg1: memref<1000x128xf32, #tpu.memory_space<vmem>>, %arg2: memref<128x128xf32, #tpu.memory_space<vmem>>, %arg3: memref<1x128xf32, #tpu.memory_space<vmem>>, %arg4: memref<1000x128xf32, #tpu.memory_space<vmem>>) attributes {dimension_semantics = [#tpu.dimension_semantics<arbitrary>], iteration_bounds = array<i64: 10>, scalar_prefetch = 0 : i64, scratch_operands = 0 : i64, tpu.core_type = #tpu.core_type<tc>, window_params = [{transform_indices = @transform_0, window_bounds = array<i64: 1000, 128>}, {pipeline_mode = #tpu.pipeline_mode<synchronous>, transform_indices = @transform_1, window_bounds = array<i64: 128, 128>}, {pipeline_mode = #tpu.pipeline_mode<synchronous>, transform_indices = @transform_2, window_bounds = array<i64: 1, 128>}, {transform_indices = @transform_3, window_bounds = array<i64: 1000, 128>}]} {
    %get3A = arith.constant 0 : index
    %get3A_0 = arith.constant 0 : index
    %get3A_1 = vector.load %arg1[%get3A, %get3A_0] : memref<1000x128xf32, #tpu.memory_space<vmem>>, vector<1000x128xf32>
    %get3A_2 = arith.constant 0 : index
    %get3A_3 = arith.constant 0 : index
    %get3A_4 = vector.load %arg2[%get3A_2, %get3A_3] : memref<128x128xf32, #tpu.memory_space<vmem>>, vector<128x128xf32>
    %dot_general3A = arith.constant dense<0.000000e+00> : vector<1000x128xf32>
    %dot_general3A_5 = tpu.matmul %get3A_1, %get3A_4, %dot_general3A {dimension_numbers = #tpu.dot_dimension_numbers<[1], [1], [0], [0], [0, 0, 1, 0], [], []>, transpose_lhs_hint = false} : vector<1000x128xf32>, vector<128x128xf32>, vector<1000x128xf32> -> vector<1000x128xf32>
    %get3A_6 = arith.constant 0 : index
    %get3A_7 = arith.constant 0 : index
    %get3A_8 = vector.load %arg3[%get3A_6, %get3A_7] : memref<1x128xf32, #tpu.memory_space<vmem>>, vector<1x128xf32>
    %add3A = vector.broadcast %get3A_8 : vector<1x128xf32> to vector<1000x128xf32>
    %add3A_9 = arith.addf %dot_general3A_5, %add3A : vector<1000x128xf32>
    %swap3A = arith.constant 0 : index
    %swap3A_10 = arith.constant 0 : index
    %swap3A_11 = vector.load %arg4[%swap3A, %swap3A_10] : memref<1000x128xf32, #tpu.memory_space<vmem>>, vector<1000x128xf32>
    tpu.vector_store %arg4[%swap3A, %swap3A_10], %add3A_9 {strides = array<i32>} : memref<1000x128xf32, #tpu.memory_space<vmem>>, vector<1000x128xf32>,
    return
  }
  func.func @transform_0(%arg0: i32) -> (i32, i32) {
    %c0_i32 = arith.constant 0 : i32
    %c0_i32_0 = arith.constant 0 : i32
    return %arg0, %c0_i32 : i32, i32
  }
  func.func @transform_1(%arg0: i32) -> (i32, i32) {
    %c0_i32 = arith.constant 0 : i32
    %c0_i32_0 = arith.constant 0 : i32
    %c0_i32_1 = arith.constant 0 : i32
    return %c0_i32, %c0_i32_0 : i32, i32
  }
  func.func @transform_2(%arg0: i32) -> (i32, i32) {
    %c0_i32 = arith.constant 0 : i32
    %c0_i32_0 = arith.constant 0 : i32
    %c0_i32_1 = arith.constant 0 : i32
    return %c0_i32, %c0_i32_0 : i32, i32
  }
  func.func @transform_3(%arg0: i32) -> (i32, i32) {
    %c0_i32 = arith.constant 0 : i32
    %c0_i32_0 = arith.constant 0 : i32
    return %arg0, %c0_i32 : i32, i32
  }
}

module attributes {stable_mosaic.version = 14 : i64} {
  func.func @_vsq_body(%arg0: i32, %arg1: memref<4000x16xf32, #tpu.memory_space<vmem>>, %arg2: memref<128x16xf32, #tpu.memory_space<vmem>>, %arg3: memref<1x128xf32, #tpu.memory_space<vmem>>) attributes {dimension_semantics = [#tpu.dimension_semantics<arbitrary>], iteration_bounds = array<i64: 80>, scalar_prefetch = 0 : i64, scratch_operands = 0 : i64, tpu.core_type = #tpu.core_type<tc>, window_params = [{transform_indices = @transform_0, window_bounds = array<i64: 4000, 16>}, {pipeline_mode = #tpu.pipeline_mode<synchronous>, transform_indices = @transform_1, window_bounds = array<i64: 128, 16>}, {pipeline_mode = #tpu.pipeline_mode<synchronous>, transform_indices = @transform_2, window_bounds = array<i64: 1, 128>}]} {
    %eq3A = arith.constant 0 : i32
    %eq3A_0 = arith.cmpi eq, %arg0, %eq3A : i32
    %convert_element_type3A = arith.extui %eq3A_0 : i1 to i32
    %cond3A = arith.constant 0 : i32
    %cond3A_1 = arith.cmpi ne, %convert_element_type3A, %cond3A : i32
    scf.if %cond3A_1 {
      %broadcast_in_dim3A_14 = arith.constant 0.000000e+00 : f32
      %broadcast_in_dim3A_15 = vector.broadcast %broadcast_in_dim3A_14 : f32 to vector<1x128xf32>
      %swap3A_16 = arith.constant 0 : index
      %swap3A_17 = arith.constant 0 : index
      %swap3A_18 = vector.load %arg3[%swap3A_16, %swap3A_17] : memref<1x128xf32, #tpu.memory_space<vmem>>, vector<1x128xf32>
      tpu.vector_store %arg3[%swap3A_16, %swap3A_17], %broadcast_in_dim3A_15 {strides = array<i32>} : memref<1x128xf32, #tpu.memory_space<vmem>>, vector<1x128xf32>,
    } else {
    }
    %get3A = arith.constant 0 : index
    %get3A_2 = arith.constant 0 : index
    %get3A_3 = vector.load %arg1[%get3A, %get3A_2] : memref<4000x16xf32, #tpu.memory_space<vmem>>, vector<4000x16xf32>
    %get3A_4 = arith.constant 0 : index
    %get3A_5 = arith.constant 0 : index
    %get3A_6 = vector.load %arg2[%get3A_4, %get3A_5] : memref<128x16xf32, #tpu.memory_space<vmem>>, vector<128x16xf32>
    %dot_general3A = arith.constant dense<0.000000e+00> : vector<4000x128xf32>
    %dot_general3A_7 = tpu.matmul %get3A_3, %get3A_6, %dot_general3A {dimension_numbers = #tpu.dot_dimension_numbers<[1], [1], [0], [0], [0, 0, 1, 0], [], []>, transpose_lhs_hint = false} : vector<4000x16xf32>, vector<128x16xf32>, vector<4000x128xf32> -> vector<4000x128xf32>
    %get3A_8 = arith.constant 0 : index
    %get3A_9 = arith.constant 0 : index
    %get3A_10 = vector.load %arg3[%get3A_8, %get3A_9] : memref<1x128xf32, #tpu.memory_space<vmem>>, vector<1x128xf32>
    %mul3A = arith.mulf %dot_general3A_7, %dot_general3A_7 : vector<4000x128xf32>
    %reduce_sum3A = arith.constant dense<0.000000e+00> : vector<128xf32>
    %reduce_sum3A_11 = vector.multi_reduction <add>, %mul3A, %reduce_sum3A [0] : vector<4000x128xf32> to vector<128xf32>
    %broadcast_in_dim3A = vector.shape_cast %reduce_sum3A_11 : vector<128xf32> to vector<1x128xf32>
    %add3A = arith.addf %get3A_10, %broadcast_in_dim3A : vector<1x128xf32>
    %swap3A = arith.constant 0 : index
    %swap3A_12 = arith.constant 0 : index
    %swap3A_13 = vector.load %arg3[%swap3A, %swap3A_12] : memref<1x128xf32, #tpu.memory_space<vmem>>, vector<1x128xf32>
    tpu.vector_store %arg3[%swap3A, %swap3A_12], %add3A {strides = array<i32>} : memref<1x128xf32, #tpu.memory_space<vmem>>, vector<1x128xf32>,
    return
  }
  func.func @transform_0(%arg0: i32) -> (i32, i32) {
    %c0_i32 = arith.constant 0 : i32
    %c0_i32_0 = arith.constant 0 : i32
    return %arg0, %c0_i32 : i32, i32
  }
  func.func @transform_1(%arg0: i32) -> (i32, i32) {
    %c0_i32 = arith.constant 0 : i32
    %c0_i32_0 = arith.constant 0 : i32
    %c0_i32_1 = arith.constant 0 : i32
    return %c0_i32, %c0_i32_0 : i32, i32
  }
  func.func @transform_2(%arg0: i32) -> (i32, i32) {
    %c0_i32 = arith.constant 0 : i32
    %c0_i32_0 = arith.constant 0 : i32
    %c0_i32_1 = arith.constant 0 : i32
    return %c0_i32, %c0_i32_0 : i32, i32
  }
}

module attributes {stable_mosaic.version = 14 : i64} {
  func.func @_stats_body(%arg0: i32, %arg1: memref<1000x128xf32, #tpu.memory_space<vmem>>, %arg2: memref<1000x128xf32, #tpu.memory_space<vmem>>, %arg3: memref<2x1000x128xf32, #tpu.memory_space<vmem>>, %arg4: memref<2x1000x16xf32, #tpu.memory_space<vmem>>, %arg5: memref<2x1000x16xf32, #tpu.memory_space<vmem>>, %arg6: memref<2x1000x16xf32, #tpu.memory_space<vmem>>, %arg7: memref<1x128xf32, #tpu.memory_space<vmem>>, %arg8: memref<128x16xf32, #tpu.memory_space<vmem>>, %arg9: memref<1x128xf32, #tpu.memory_space<vmem>>, %arg10: memref<128x128xf32, #tpu.memory_space<vmem>>, %arg11: memref<1x16xf32, #tpu.memory_space<vmem>>) attributes {dimension_semantics = [#tpu.dimension_semantics<arbitrary>], iteration_bounds = array<i64: 10>, scalar_prefetch = 0 : i64, scratch_operands = 0 : i64, tpu.core_type = #tpu.core_type<tc>, window_params = [{transform_indices = @transform_0, window_bounds = array<i64: 1000, 128>}, {transform_indices = @transform_1, window_bounds = array<i64: 1000, 128>}, {transform_indices = @transform_2, window_bounds = array<i64: 2, 1000, 128>}, {transform_indices = @transform_3, window_bounds = array<i64: 2, 1000, 16>}, {transform_indices = @transform_4, window_bounds = array<i64: 2, 1000, 16>}, {transform_indices = @transform_5, window_bounds = array<i64: 2, 1000, 16>}, {pipeline_mode = #tpu.pipeline_mode<synchronous>, transform_indices = @transform_6, window_bounds = array<i64: 1, 128>}, {pipeline_mode = #tpu.pipeline_mode<synchronous>, transform_indices = @transform_7, window_bounds = array<i64: 128, 16>}, {pipeline_mode = #tpu.pipeline_mode<synchronous>, transform_indices = @transform_8, window_bounds = array<i64: 1, 128>}, {pipeline_mode = #tpu.pipeline_mode<synchronous>, transform_indices = @transform_9, window_bounds = array<i64: 128, 128>}, {pipeline_mode = #tpu.pipeline_mode<synchronous>, transform_indices = @transform_10, window_bounds = array<i64: 1, 16>}]} {
    %eq3A = arith.constant 0 : i32
    %eq3A_0 = arith.cmpi eq, %arg0, %eq3A : i32
    %convert_element_type3A = arith.extui %eq3A_0 : i1 to i32
    %cond3A = arith.constant 0 : i32
    %cond3A_1 = arith.cmpi ne, %convert_element_type3A, %cond3A : i32
    scf.if %cond3A_1 {
      %broadcast_in_dim3A_99 = arith.constant 0.000000e+00 : f32
      %broadcast_in_dim3A_100 = vector.broadcast %broadcast_in_dim3A_99 : f32 to vector<1x128xf32>
      %swap3A_101 = arith.constant 0 : index
      %swap3A_102 = arith.constant 0 : index
      %swap3A_103 = vector.load %arg7[%swap3A_101, %swap3A_102] : memref<1x128xf32, #tpu.memory_space<vmem>>, vector<1x128xf32>
      tpu.vector_store %arg7[%swap3A_101, %swap3A_102], %broadcast_in_dim3A_100 {strides = array<i32>} : memref<1x128xf32, #tpu.memory_space<vmem>>, vector<1x128xf32>,
      %broadcast_in_dim3A_104 = arith.constant 0.000000e+00 : f32
      %broadcast_in_dim3A_105 = vector.broadcast %broadcast_in_dim3A_104 : f32 to vector<128x16xf32>
      %swap3A_106 = arith.constant 0 : index
      %swap3A_107 = arith.constant 0 : index
      %swap3A_108 = vector.load %arg8[%swap3A_106, %swap3A_107] : memref<128x16xf32, #tpu.memory_space<vmem>>, vector<128x16xf32>
      tpu.vector_store %arg8[%swap3A_106, %swap3A_107], %broadcast_in_dim3A_105 {strides = array<i32>} : memref<128x16xf32, #tpu.memory_space<vmem>>, vector<128x16xf32>,
      %broadcast_in_dim3A_109 = arith.constant 0.000000e+00 : f32
      %broadcast_in_dim3A_110 = vector.broadcast %broadcast_in_dim3A_109 : f32 to vector<1x128xf32>
      %swap3A_111 = arith.constant 0 : index
      %swap3A_112 = arith.constant 0 : index
      %swap3A_113 = vector.load %arg9[%swap3A_111, %swap3A_112] : memref<1x128xf32, #tpu.memory_space<vmem>>, vector<1x128xf32>
      tpu.vector_store %arg9[%swap3A_111, %swap3A_112], %broadcast_in_dim3A_110 {strides = array<i32>} : memref<1x128xf32, #tpu.memory_space<vmem>>, vector<1x128xf32>,
      %broadcast_in_dim3A_114 = arith.constant 0.000000e+00 : f32
      %broadcast_in_dim3A_115 = vector.broadcast %broadcast_in_dim3A_114 : f32 to vector<128x128xf32>
      %swap3A_116 = arith.constant 0 : index
      %swap3A_117 = arith.constant 0 : index
      %swap3A_118 = vector.load %arg10[%swap3A_116, %swap3A_117] : memref<128x128xf32, #tpu.memory_space<vmem>>, vector<128x128xf32>
      tpu.vector_store %arg10[%swap3A_116, %swap3A_117], %broadcast_in_dim3A_115 {strides = array<i32>} : memref<128x128xf32, #tpu.memory_space<vmem>>, vector<128x128xf32>,
      %broadcast_in_dim3A_119 = arith.constant 0.000000e+00 : f32
      %broadcast_in_dim3A_120 = vector.broadcast %broadcast_in_dim3A_119 : f32 to vector<1x16xf32>
      %swap3A_121 = arith.constant 0 : index
      %swap3A_122 = arith.constant 0 : index
      %swap3A_123 = vector.load %arg11[%swap3A_121, %swap3A_122] : memref<1x16xf32, #tpu.memory_space<vmem>>, vector<1x16xf32>
      tpu.vector_store %arg11[%swap3A_121, %swap3A_122], %broadcast_in_dim3A_120 {strides = array<i32>} : memref<1x16xf32, #tpu.memory_space<vmem>>, vector<1x16xf32>,
    } else {
    }
    %get3A = arith.constant 0 : index
    %get3A_2 = arith.constant 0 : index
    %get3A_3 = vector.load %arg1[%get3A, %get3A_2] : memref<1000x128xf32, #tpu.memory_space<vmem>>, vector<1000x128xf32>
    %get3A_4 = arith.constant 0 : index
    %get3A_5 = arith.constant 0 : index
    %get3A_6 = arith.constant 0 : index
    %get3A_7 = vector.load %arg3[%get3A_4, %get3A_5, %get3A_6] : memref<2x1000x128xf32, #tpu.memory_space<vmem>>, vector<1x1000x128xf32>
    %get3A_8 = vector.shape_cast %get3A_7 : vector<1x1000x128xf32> to vector<1000x128xf32>
    %get3A_9 = arith.constant 1 : index
    %get3A_10 = arith.constant 0 : index
    %get3A_11 = arith.constant 0 : index
    %get3A_12 = vector.load %arg3[%get3A_9, %get3A_10, %get3A_11] : memref<2x1000x128xf32, #tpu.memory_space<vmem>>, vector<1x1000x128xf32>
    %get3A_13 = vector.shape_cast %get3A_12 : vector<1x1000x128xf32> to vector<1000x128xf32>
    %add3A = arith.addf %get3A_8, %get3A_13 : vector<1000x128xf32>
    %get3A_14 = arith.constant 0 : index
    %get3A_15 = arith.constant 0 : index
    %get3A_16 = vector.load %arg7[%get3A_14, %get3A_15] : memref<1x128xf32, #tpu.memory_space<vmem>>, vector<1x128xf32>
    %reduce_sum3A = arith.constant dense<0.000000e+00> : vector<128xf32>
    %reduce_sum3A_17 = vector.multi_reduction <add>, %add3A, %reduce_sum3A [0] : vector<1000x128xf32> to vector<128xf32>
    %broadcast_in_dim3A = vector.shape_cast %reduce_sum3A_17 : vector<128xf32> to vector<1x128xf32>
    %add3A_18 = arith.addf %get3A_16, %broadcast_in_dim3A : vector<1x128xf32>
    %swap3A = arith.constant 0 : index
    %swap3A_19 = arith.constant 0 : index
    %swap3A_20 = vector.load %arg7[%swap3A, %swap3A_19] : memref<1x128xf32, #tpu.memory_space<vmem>>, vector<1x128xf32>
    tpu.vector_store %arg7[%swap3A, %swap3A_19], %add3A_18 {strides = array<i32>} : memref<1x128xf32, #tpu.memory_space<vmem>>, vector<1x128xf32>,
    %get3A_21 = arith.constant 0 : index
    %get3A_22 = arith.constant 0 : index
    %get3A_23 = arith.constant 0 : index
    %get3A_24 = vector.load %arg4[%get3A_21, %get3A_22, %get3A_23] : memref<2x1000x16xf32, #tpu.memory_space<vmem>>, vector<1x1000x16xf32>
    %get3A_25 = vector.shape_cast %get3A_24 : vector<1x1000x16xf32> to vector<1000x16xf32>
    %get3A_26 = arith.constant 1 : index
    %get3A_27 = arith.constant 0 : index
    %get3A_28 = arith.constant 0 : index
    %get3A_29 = vector.load %arg4[%get3A_26, %get3A_27, %get3A_28] : memref<2x1000x16xf32, #tpu.memory_space<vmem>>, vector<1x1000x16xf32>
    %get3A_30 = vector.shape_cast %get3A_29 : vector<1x1000x16xf32> to vector<1000x16xf32>
    %add3A_31 = arith.addf %get3A_25, %get3A_30 : vector<1000x16xf32>
    %get3A_32 = arith.constant 0 : index
    %get3A_33 = arith.constant 0 : index
    %get3A_34 = vector.load %arg8[%get3A_32, %get3A_33] : memref<128x16xf32, #tpu.memory_space<vmem>>, vector<128x16xf32>
    %dot_general3A = arith.constant dense<0.000000e+00> : vector<128x16xf32>
    %dot_general3A_35 = tpu.matmul %get3A_3, %add3A_31, %dot_general3A {dimension_numbers = #tpu.dot_dimension_numbers<[0], [0], [1], [1], [0, 1, 1, 1], [], []>, transpose_lhs_hint = false} : vector<1000x128xf32>, vector<1000x16xf32>, vector<128x16xf32> -> vector<128x16xf32>
    %add3A_36 = arith.addf %get3A_34, %dot_general3A_35 : vector<128x16xf32>
    %swap3A_37 = arith.constant 0 : index
    %swap3A_38 = arith.constant 0 : index
    %swap3A_39 = vector.load %arg8[%swap3A_37, %swap3A_38] : memref<128x16xf32, #tpu.memory_space<vmem>>, vector<128x16xf32>
    tpu.vector_store %arg8[%swap3A_37, %swap3A_38], %add3A_36 {strides = array<i32>} : memref<128x16xf32, #tpu.memory_space<vmem>>, vector<128x16xf32>,
    %get3A_40 = arith.constant 0 : index
    %get3A_41 = arith.constant 0 : index
    %get3A_42 = arith.constant 0 : index
    %get3A_43 = vector.load %arg5[%get3A_40, %get3A_41, %get3A_42] : memref<2x1000x16xf32, #tpu.memory_space<vmem>>, vector<1x1000x1xf32>
    %get3A_44 = vector.shape_cast %get3A_43 : vector<1x1000x1xf32> to vector<1000x1xf32>
    %get3A_45 = arith.constant 1 : index
    %get3A_46 = arith.constant 0 : index
    %get3A_47 = arith.constant 0 : index
    %get3A_48 = vector.load %arg5[%get3A_45, %get3A_46, %get3A_47] : memref<2x1000x16xf32, #tpu.memory_space<vmem>>, vector<1x1000x1xf32>
    %get3A_49 = vector.shape_cast %get3A_48 : vector<1x1000x1xf32> to vector<1000x1xf32>
    %add3A_50 = arith.addf %get3A_44, %get3A_49 : vector<1000x1xf32>
    %gt3A = arith.constant 0.000000e+00 : f32
    %gt3A_51 = vector.broadcast %gt3A : f32 to vector<1000x1xf32>
    %gt3A_52 = arith.cmpf ogt, %add3A_50, %gt3A_51 : vector<1000x1xf32>
    %get3A_53 = arith.constant 0 : index
    %get3A_54 = arith.constant 0 : index
    %get3A_55 = vector.load %arg2[%get3A_53, %get3A_54] : memref<1000x128xf32, #tpu.memory_space<vmem>>, vector<1000x128xf32>
    %jit3A = arith.constant 0.000000e+00 : f32
    %broadcast_in_dim3A_56 = vector.shape_cast %gt3A_52 : vector<1000x1xi1> to vector<1000x1xi1>
    %broadcast_in_dim3A_57 = vector.broadcast %broadcast_in_dim3A_56 : vector<1000x1xi1> to vector<1000x128xi1>
    %broadcast_in_dim3A_58 = vector.broadcast %jit3A : f32 to vector<1000x128xf32>
    %select_n3A = arith.select %broadcast_in_dim3A_57, %get3A_55, %broadcast_in_dim3A_58 : vector<1000x128xi1>, vector<1000x128xf32>
    %get3A_59 = arith.constant 0 : index
    %get3A_60 = arith.constant 0 : index
    %get3A_61 = vector.load %arg9[%get3A_59, %get3A_60] : memref<1x128xf32, #tpu.memory_space<vmem>>, vector<1x128xf32>
    %reduce_sum3A_62 = arith.constant dense<0.000000e+00> : vector<128xf32>
    %reduce_sum3A_63 = vector.multi_reduction <add>, %select_n3A, %reduce_sum3A_62 [0] : vector<1000x128xf32> to vector<128xf32>
    %broadcast_in_dim3A_64 = vector.shape_cast %reduce_sum3A_63 : vector<128xf32> to vector<1x128xf32>
    %add3A_65 = arith.addf %get3A_61, %broadcast_in_dim3A_64 : vector<1x128xf32>
    %swap3A_66 = arith.constant 0 : index
    %swap3A_67 = arith.constant 0 : index
    %swap3A_68 = vector.load %arg9[%swap3A_66, %swap3A_67] : memref<1x128xf32, #tpu.memory_space<vmem>>, vector<1x128xf32>
    tpu.vector_store %arg9[%swap3A_66, %swap3A_67], %add3A_65 {strides = array<i32>} : memref<1x128xf32, #tpu.memory_space<vmem>>, vector<1x128xf32>,
    %get3A_69 = arith.constant 0 : index
    %get3A_70 = arith.constant 0 : index
    %get3A_71 = vector.load %arg10[%get3A_69, %get3A_70] : memref<128x128xf32, #tpu.memory_space<vmem>>, vector<128x128xf32>
    %dot_general3A_72 = arith.constant dense<0.000000e+00> : vector<128x128xf32>
    %dot_general3A_73 = tpu.matmul %select_n3A, %select_n3A, %dot_general3A_72 {dimension_numbers = #tpu.dot_dimension_numbers<[0], [0], [1], [1], [0, 1, 1, 1], [], []>, transpose_lhs_hint = false} : vector<1000x128xf32>, vector<1000x128xf32>, vector<128x128xf32> -> vector<128x128xf32>
    %add3A_74 = arith.addf %get3A_71, %dot_general3A_73 : vector<128x128xf32>
    %swap3A_75 = arith.constant 0 : index
    %swap3A_76 = arith.constant 0 : index
    %swap3A_77 = vector.load %arg10[%swap3A_75, %swap3A_76] : memref<128x128xf32, #tpu.memory_space<vmem>>, vector<128x128xf32>
    tpu.vector_store %arg10[%swap3A_75, %swap3A_76], %add3A_74 {strides = array<i32>} : memref<128x128xf32, #tpu.memory_space<vmem>>, vector<128x128xf32>,
    %get3A_78 = arith.constant 0 : index
    %get3A_79 = arith.constant 0 : index
    %get3A_80 = vector.load %arg11[%get3A_78, %get3A_79] : memref<1x16xf32, #tpu.memory_space<vmem>>, vector<1x16xf32>
    %get3A_81 = arith.constant 0 : index
    %get3A_82 = arith.constant 0 : index
    %get3A_83 = arith.constant 0 : index
    %get3A_84 = vector.load %arg6[%get3A_81, %get3A_82, %get3A_83] : memref<2x1000x16xf32, #tpu.memory_space<vmem>>, vector<1x1000x16xf32>
    %get3A_85 = vector.shape_cast %get3A_84 : vector<1x1000x16xf32> to vector<1000x16xf32>
    %get3A_86 = arith.constant 1 : index
    %get3A_87 = arith.constant 0 : index
    %get3A_88 = arith.constant 0 : index
    %get3A_89 = vector.load %arg6[%get3A_86, %get3A_87, %get3A_88] : memref<2x1000x16xf32, #tpu.memory_space<vmem>>, vector<1x1000x16xf32>
    %get3A_90 = vector.shape_cast %get3A_89 : vector<1x1000x16xf32> to vector<1000x16xf32>
    %add3A_91 = arith.addf %get3A_85, %get3A_90 : vector<1000x16xf32>
    %reduce_sum3A_92 = arith.constant dense<0.000000e+00> : vector<16xf32>
    %reduce_sum3A_93 = vector.multi_reduction <add>, %add3A_91, %reduce_sum3A_92 [0] : vector<1000x16xf32> to vector<16xf32>
    %broadcast_in_dim3A_94 = vector.shape_cast %reduce_sum3A_93 : vector<16xf32> to vector<1x16xf32>
    %add3A_95 = arith.addf %get3A_80, %broadcast_in_dim3A_94 : vector<1x16xf32>
    %swap3A_96 = arith.constant 0 : index
    %swap3A_97 = arith.constant 0 : index
    %swap3A_98 = vector.load %arg11[%swap3A_96, %swap3A_97] : memref<1x16xf32, #tpu.memory_space<vmem>>, vector<1x16xf32>
    tpu.vector_store %arg11[%swap3A_96, %swap3A_97], %add3A_95 {strides = array<i32>} : memref<1x16xf32, #tpu.memory_space<vmem>>, vector<1x16xf32>,
    return
  }
  func.func @transform_0(%arg0: i32) -> (i32, i32) {
    %c0_i32 = arith.constant 0 : i32
    %c0_i32_0 = arith.constant 0 : i32
    return %arg0, %c0_i32 : i32, i32
  }
  func.func @transform_1(%arg0: i32) -> (i32, i32) {
    %c0_i32 = arith.constant 0 : i32
    %c0_i32_0 = arith.constant 0 : i32
    return %arg0, %c0_i32 : i32, i32
  }
  func.func @transform_2(%arg0: i32) -> (i32, i32, i32) {
    %c0_i32 = arith.constant 0 : i32
    %c0_i32_0 = arith.constant 0 : i32
    %c0_i32_1 = arith.constant 0 : i32
    return %c0_i32, %arg0, %c0_i32_0 : i32, i32, i32
  }
  func.func @transform_3(%arg0: i32) -> (i32, i32, i32) {
    %c0_i32 = arith.constant 0 : i32
    %c0_i32_0 = arith.constant 0 : i32
    %c0_i32_1 = arith.constant 0 : i32
    return %c0_i32, %arg0, %c0_i32_0 : i32, i32, i32
  }
  func.func @transform_4(%arg0: i32) -> (i32, i32, i32) {
    %c0_i32 = arith.constant 0 : i32
    %c0_i32_0 = arith.constant 0 : i32
    %c0_i32_1 = arith.constant 0 : i32
    return %c0_i32, %arg0, %c0_i32_0 : i32, i32, i32
  }
  func.func @transform_5(%arg0: i32) -> (i32, i32, i32) {
    %c0_i32 = arith.constant 0 : i32
    %c0_i32_0 = arith.constant 0 : i32
    %c0_i32_1 = arith.constant 0 : i32
    return %c0_i32, %arg0, %c0_i32_0 : i32, i32, i32
  }
  func.func @transform_6(%arg0: i32) -> (i32, i32) {
    %c0_i32 = arith.constant 0 : i32
    %c0_i32_0 = arith.constant 0 : i32
    %c0_i32_1 = arith.constant 0 : i32
    return %c0_i32, %c0_i32_0 : i32, i32
  }
  func.func @transform_7(%arg0: i32) -> (i32, i32) {
    %c0_i32 = arith.constant 0 : i32
    %c0_i32_0 = arith.constant 0 : i32
    %c0_i32_1 = arith.constant 0 : i32
    return %c0_i32, %c0_i32_0 : i32, i32
  }
  func.func @transform_8(%arg0: i32) -> (i32, i32) {
    %c0_i32 = arith.constant 0 : i32
    %c0_i32_0 = arith.constant 0 : i32
    %c0_i32_1 = arith.constant 0 : i32
    return %c0_i32, %c0_i32_0 : i32, i32
  }
  func.func @transform_9(%arg0: i32) -> (i32, i32) {
    %c0_i32 = arith.constant 0 : i32
    %c0_i32_0 = arith.constant 0 : i32
    %c0_i32_1 = arith.constant 0 : i32
    return %c0_i32, %c0_i32_0 : i32, i32
  }
  func.func @transform_10(%arg0: i32) -> (i32, i32) {
    %c0_i32 = arith.constant 0 : i32
    %c0_i32_0 = arith.constant 0 : i32
    %c0_i32_1 = arith.constant 0 : i32
    return %c0_i32, %c0_i32_0 : i32, i32
  }
}

module attributes {stable_mosaic.version = 14 : i64} {
  func.func @_final_body(%arg0: i32, %arg1: memref<2x1000x128xf32, #tpu.memory_space<vmem>>, %arg2: memref<2x1000x16xf32, #tpu.memory_space<vmem>>, %arg3: memref<2x1000x16xf32, #tpu.memory_space<vmem>>, %arg4: memref<1000x128xf32, #tpu.memory_space<vmem>>, %arg5: memref<1x128xf32, #tpu.memory_space<vmem>>, %arg6: memref<1x128xf32, #tpu.memory_space<vmem>>, %arg7: memref<128x16xf32, #tpu.memory_space<vmem>>, %arg8: memref<1x128xf32, #tpu.memory_space<vmem>>, %arg9: memref<128x128xf32, #tpu.memory_space<vmem>>, %arg10: memref<1x16xf32, #tpu.memory_space<vmem>>, %arg11: memref<1x128xf32, #tpu.memory_space<vmem>>, %arg12: memref<128x16xf32, #tpu.memory_space<vmem>>, %arg13: memref<128x128xf32, #tpu.memory_space<vmem>>, %arg14: memref<1x128xf32, #tpu.memory_space<vmem>>, %arg15: memref<1x128xf32, #tpu.memory_space<vmem>>, %arg16: memref<1x128xf32, #tpu.memory_space<vmem>>, %arg17: memref<1x128xf32, #tpu.memory_space<vmem>>, %arg18: memref<1x128xf32, #tpu.memory_space<vmem>>, %arg19: memref<1000x128xf32, #tpu.memory_space<vmem>>) attributes {dimension_semantics = [#tpu.dimension_semantics<arbitrary>], iteration_bounds = array<i64: 10>, scalar_prefetch = 0 : i64, scratch_operands = 0 : i64, tpu.core_type = #tpu.core_type<tc>, window_params = [{transform_indices = @transform_0, window_bounds = array<i64: 2, 1000, 128>}, {transform_indices = @transform_1, window_bounds = array<i64: 2, 1000, 16>}, {transform_indices = @transform_2, window_bounds = array<i64: 2, 1000, 16>}, {transform_indices = @transform_3, window_bounds = array<i64: 1000, 128>}, {pipeline_mode = #tpu.pipeline_mode<synchronous>, transform_indices = @transform_4, window_bounds = array<i64: 1, 128>}, {pipeline_mode = #tpu.pipeline_mode<synchronous>, transform_indices = @transform_5, window_bounds = array<i64: 1, 128>}, {pipeline_mode = #tpu.pipeline_mode<synchronous>, transform_indices = @transform_6, window_bounds = array<i64: 128, 16>}, {pipeline_mode = #tpu.pipeline_mode<synchronous>, transform_indices = @transform_7, window_bounds = array<i64: 1, 128>}, {pipeline_mode = #tpu.pipeline_mode<synchronous>, transform_indices = @transform_8, window_bounds = array<i64: 128, 128>}, {pipeline_mode = #tpu.pipeline_mode<synchronous>, transform_indices = @transform_9, window_bounds = array<i64: 1, 16>}, {pipeline_mode = #tpu.pipeline_mode<synchronous>, transform_indices = @transform_10, window_bounds = array<i64: 1, 128>}, {pipeline_mode = #tpu.pipeline_mode<synchronous>, transform_indices = @transform_11, window_bounds = array<i64: 128, 16>}, {pipeline_mode = #tpu.pipeline_mode<synchronous>, transform_indices = @transform_12, window_bounds = array<i64: 128, 128>}, {pipeline_mode = #tpu.pipeline_mode<synchronous>, transform_indices = @transform_13, window_bounds = array<i64: 1, 128>}, {pipeline_mode = #tpu.pipeline_mode<synchronous>, transform_indices = @transform_14, window_bounds = array<i64: 1, 128>}, {pipeline_mode = #tpu.pipeline_mode<synchronous>, transform_indices = @transform_15, window_bounds = array<i64: 1, 128>}, {pipeline_mode = #tpu.pipeline_mode<synchronous>, transform_indices = @transform_16, window_bounds = array<i64: 1, 128>}, {pipeline_mode = #tpu.pipeline_mode<synchronous>, transform_indices = @transform_17, window_bounds = array<i64: 1, 128>}, {transform_indices = @transform_18, window_bounds = array<i64: 1000, 128>}]} {
    %get3A = arith.constant 0 : index
    %get3A_0 = arith.constant 0 : index
    %get3A_1 = vector.load %arg12[%get3A, %get3A_0] : memref<128x16xf32, #tpu.memory_space<vmem>>, vector<128x16xf32>
    %get3A_2 = arith.constant 0 : index
    %get3A_3 = arith.constant 0 : index
    %get3A_4 = vector.load %arg13[%get3A_2, %get3A_3] : memref<128x128xf32, #tpu.memory_space<vmem>>, vector<128x128xf32>
    %get3A_5 = arith.constant 0 : index
    %get3A_6 = arith.constant 0 : index
    %get3A_7 = vector.load %arg14[%get3A_5, %get3A_6] : memref<1x128xf32, #tpu.memory_space<vmem>>, vector<1x128xf32>
    %get3A_8 = arith.constant 0 : index
    %get3A_9 = arith.constant 0 : index
    %get3A_10 = vector.load %arg5[%get3A_8, %get3A_9] : memref<1x128xf32, #tpu.memory_space<vmem>>, vector<1x128xf32>
    %get3A_11 = arith.constant 0 : index
    %get3A_12 = arith.constant 0 : index
    %get3A_13 = vector.load %arg10[%get3A_11, %get3A_12] : memref<1x16xf32, #tpu.memory_space<vmem>>, vector<1x16xf32>
    %dot_general3A = arith.constant dense<0.000000e+00> : vector<1x128xf32>
    %dot_general3A_14 = tpu.matmul %get3A_13, %get3A_1, %dot_general3A {dimension_numbers = #tpu.dot_dimension_numbers<[1], [1], [0], [0], [0, 0, 1, 0], [], []>, transpose_lhs_hint = false} : vector<1x16xf32>, vector<128x16xf32>, vector<1x128xf32> -> vector<1x128xf32>
    %add3A = arith.addf %get3A_10, %dot_general3A_14 : vector<1x128xf32>
    %mul3A = arith.constant 3.125000e-06 : f32
    %mul3A_15 = vector.broadcast %mul3A : f32 to vector<1x128xf32>
    %mul3A_16 = arith.mulf %add3A, %mul3A_15 : vector<1x128xf32>
    %get3A_17 = arith.constant 0 : index
    %get3A_18 = arith.constant 0 : index
    %get3A_19 = vector.load %arg6[%get3A_17, %get3A_18] : memref<1x128xf32, #tpu.memory_space<vmem>>, vector<1x128xf32>
    %get3A_20 = arith.constant 0 : index
    %get3A_21 = arith.constant 0 : index
    %get3A_22 = vector.load %arg7[%get3A_20, %get3A_21] : memref<128x16xf32, #tpu.memory_space<vmem>>, vector<128x16xf32>
    %mul3A_23 = arith.mulf %get3A_1, %get3A_22 : vector<128x16xf32>
    %reduce_sum3A = arith.constant dense<0.000000e+00> : vector<128xf32>
    %reduce_sum3A_24 = vector.multi_reduction <add>, %mul3A_23, %reduce_sum3A [1] : vector<128x16xf32> to vector<128xf32>
    %broadcast_in_dim3A = vector.shape_cast %reduce_sum3A_24 : vector<128xf32> to vector<1x128xf32>
    %mul3A_25 = arith.constant 2.000000e+00 : f32
    %mul3A_26 = vector.broadcast %mul3A_25 : f32 to vector<1x128xf32>
    %mul3A_27 = arith.mulf %mul3A_26, %broadcast_in_dim3A : vector<1x128xf32>
    %add3A_28 = arith.addf %get3A_19, %mul3A_27 : vector<1x128xf32>
    %get3A_29 = arith.constant 0 : index
    %get3A_30 = arith.constant 0 : index
    %get3A_31 = vector.load %arg11[%get3A_29, %get3A_30] : memref<1x128xf32, #tpu.memory_space<vmem>>, vector<1x128xf32>
    %add3A_32 = arith.addf %add3A_28, %get3A_31 : vector<1x128xf32>
    %mul3A_33 = arith.constant 3.125000e-06 : f32
    %mul3A_34 = vector.broadcast %mul3A_33 : f32 to vector<1x128xf32>
    %mul3A_35 = arith.mulf %add3A_32, %mul3A_34 : vector<1x128xf32>
    %mul3A_36 = arith.mulf %mul3A_16, %mul3A_16 : vector<1x128xf32>
    %sub3A = arith.subf %mul3A_35, %mul3A_36 : vector<1x128xf32>
    %get3A_37 = arith.constant 0 : index
    %get3A_38 = arith.constant 0 : index
    %get3A_39 = vector.load %arg15[%get3A_37, %get3A_38] : memref<1x128xf32, #tpu.memory_space<vmem>>, vector<1x128xf32>
    %add3A_40 = arith.constant 9.99999974E-6 : f32
    %add3A_41 = vector.broadcast %add3A_40 : f32 to vector<1x128xf32>
    %add3A_42 = arith.addf %sub3A, %add3A_41 : vector<1x128xf32>
    %rsqrt3A = math.rsqrt %add3A_42 : vector<1x128xf32>
    %mul3A_43 = arith.mulf %get3A_39, %rsqrt3A : vector<1x128xf32>
    %get3A_44 = arith.constant 0 : index
    %get3A_45 = arith.constant 0 : index
    %get3A_46 = vector.load %arg16[%get3A_44, %get3A_45] : memref<1x128xf32, #tpu.memory_space<vmem>>, vector<1x128xf32>
    %mul3A_47 = arith.mulf %mul3A_16, %mul3A_43 : vector<1x128xf32>
    %sub3A_48 = arith.subf %get3A_46, %mul3A_47 : vector<1x128xf32>
    %get3A_49 = arith.constant 0 : index
    %get3A_50 = arith.constant 0 : index
    %get3A_51 = vector.load %arg8[%get3A_49, %get3A_50] : memref<1x128xf32, #tpu.memory_space<vmem>>, vector<1x128xf32>
    %mul3A_52 = arith.constant 9.99999974E-5 : f32
    %mul3A_53 = vector.broadcast %mul3A_52 : f32 to vector<1x128xf32>
    %mul3A_54 = arith.mulf %get3A_51, %mul3A_53 : vector<1x128xf32>
    %dot_general3A_55 = arith.constant dense<0.000000e+00> : vector<1x128xf32>
    %dot_general3A_56 = tpu.matmul %mul3A_54, %get3A_4, %dot_general3A_55 {dimension_numbers = #tpu.dot_dimension_numbers<[1], [1], [0], [0], [0, 0, 1, 0], [], []>, transpose_lhs_hint = false} : vector<1x128xf32>, vector<128x128xf32>, vector<1x128xf32> -> vector<1x128xf32>
    %get3A_57 = arith.constant 0 : index
    %get3A_58 = arith.constant 0 : index
    %get3A_59 = vector.load %arg9[%get3A_57, %get3A_58] : memref<128x128xf32, #tpu.memory_space<vmem>>, vector<128x128xf32>
    %mul3A_60 = arith.constant 9.99999974E-5 : f32
    %mul3A_61 = vector.broadcast %mul3A_60 : f32 to vector<128x128xf32>
    %mul3A_62 = arith.mulf %get3A_59, %mul3A_61 : vector<128x128xf32>
    %dot_general3A_63 = arith.constant dense<0.000000e+00> : vector<128x128xf32>
    %dot_general3A_64 = tpu.matmul %get3A_4, %mul3A_62, %dot_general3A_63 {dimension_numbers = #tpu.dot_dimension_numbers<[1], [0], [0], [1], [0, 0, 1, 1], [], []>, transpose_lhs_hint = false} : vector<128x128xf32>, vector<128x128xf32>, vector<128x128xf32> -> vector<128x128xf32>
    %mul3A_65 = arith.mulf %dot_general3A_64, %get3A_4 : vector<128x128xf32>
    %reduce_sum3A_66 = arith.constant dense<0.000000e+00> : vector<128xf32>
    %reduce_sum3A_67 = vector.multi_reduction <add>, %mul3A_65, %reduce_sum3A_66 [1] : vector<128x128xf32> to vector<128xf32>
    %broadcast_in_dim3A_68 = vector.shape_cast %reduce_sum3A_67 : vector<128xf32> to vector<1x128xf32>
    %mul3A_69 = arith.mulf %dot_general3A_56, %dot_general3A_56 : vector<1x128xf32>
    %sub3A_70 = arith.subf %broadcast_in_dim3A_68, %mul3A_69 : vector<1x128xf32>
    %get3A_71 = arith.constant 0 : index
    %get3A_72 = arith.constant 0 : index
    %get3A_73 = vector.load %arg17[%get3A_71, %get3A_72] : memref<1x128xf32, #tpu.memory_space<vmem>>, vector<1x128xf32>
    %add3A_74 = arith.constant 9.99999974E-6 : f32
    %add3A_75 = vector.broadcast %add3A_74 : f32 to vector<1x128xf32>
    %add3A_76 = arith.addf %sub3A_70, %add3A_75 : vector<1x128xf32>
    %rsqrt3A_77 = math.rsqrt %add3A_76 : vector<1x128xf32>
    %mul3A_78 = arith.mulf %get3A_73, %rsqrt3A_77 : vector<1x128xf32>
    %get3A_79 = arith.constant 0 : index
    %get3A_80 = arith.constant 0 : index
    %get3A_81 = vector.load %arg18[%get3A_79, %get3A_80] : memref<1x128xf32, #tpu.memory_space<vmem>>, vector<1x128xf32>
    %add3A_82 = arith.addf %dot_general3A_56, %get3A_7 : vector<1x128xf32>
    %mul3A_83 = arith.mulf %add3A_82, %mul3A_78 : vector<1x128xf32>
    %sub3A_84 = arith.subf %get3A_81, %mul3A_83 : vector<1x128xf32>
    %get3A_85 = arith.constant 0 : index
    %get3A_86 = arith.constant 0 : index
    %get3A_87 = arith.constant 0 : index
    %get3A_88 = vector.load %arg3[%get3A_85, %get3A_86, %get3A_87] : memref<2x1000x16xf32, #tpu.memory_space<vmem>>, vector<1x1000x1xf32>
    %get3A_89 = vector.shape_cast %get3A_88 : vector<1x1000x1xf32> to vector<1000x1xf32>
    %get3A_90 = arith.constant 1 : index
    %get3A_91 = arith.constant 0 : index
    %get3A_92 = arith.constant 0 : index
    %get3A_93 = vector.load %arg3[%get3A_90, %get3A_91, %get3A_92] : memref<2x1000x16xf32, #tpu.memory_space<vmem>>, vector<1x1000x1xf32>
    %get3A_94 = vector.shape_cast %get3A_93 : vector<1x1000x1xf32> to vector<1000x1xf32>
    %add3A_95 = arith.addf %get3A_89, %get3A_94 : vector<1000x1xf32>
    %gt3A = arith.constant 0.000000e+00 : f32
    %gt3A_96 = vector.broadcast %gt3A : f32 to vector<1000x1xf32>
    %gt3A_97 = arith.cmpf ogt, %add3A_95, %gt3A_96 : vector<1000x1xf32>
    %get3A_98 = arith.constant 0 : index
    %get3A_99 = arith.constant 0 : index
    %get3A_100 = arith.constant 0 : index
    %get3A_101 = vector.load %arg1[%get3A_98, %get3A_99, %get3A_100] : memref<2x1000x128xf32, #tpu.memory_space<vmem>>, vector<1x1000x128xf32>
    %get3A_102 = vector.shape_cast %get3A_101 : vector<1x1000x128xf32> to vector<1000x128xf32>
    %get3A_103 = arith.constant 1 : index
    %get3A_104 = arith.constant 0 : index
    %get3A_105 = arith.constant 0 : index
    %get3A_106 = vector.load %arg1[%get3A_103, %get3A_104, %get3A_105] : memref<2x1000x128xf32, #tpu.memory_space<vmem>>, vector<1x1000x128xf32>
    %get3A_107 = vector.shape_cast %get3A_106 : vector<1x1000x128xf32> to vector<1000x128xf32>
    %add3A_108 = arith.addf %get3A_102, %get3A_107 : vector<1000x128xf32>
    %get3A_109 = arith.constant 0 : index
    %get3A_110 = arith.constant 0 : index
    %get3A_111 = arith.constant 0 : index
    %get3A_112 = vector.load %arg2[%get3A_109, %get3A_110, %get3A_111] : memref<2x1000x16xf32, #tpu.memory_space<vmem>>, vector<1x1000x16xf32>
    %get3A_113 = vector.shape_cast %get3A_112 : vector<1x1000x16xf32> to vector<1000x16xf32>
    %get3A_114 = arith.constant 1 : index
    %get3A_115 = arith.constant 0 : index
    %get3A_116 = arith.constant 0 : index
    %get3A_117 = vector.load %arg2[%get3A_114, %get3A_115, %get3A_116] : memref<2x1000x16xf32, #tpu.memory_space<vmem>>, vector<1x1000x16xf32>
    %get3A_118 = vector.shape_cast %get3A_117 : vector<1x1000x16xf32> to vector<1000x16xf32>
    %add3A_119 = arith.addf %get3A_113, %get3A_118 : vector<1000x16xf32>
    %dot_general3A_120 = arith.constant dense<0.000000e+00> : vector<1000x128xf32>
    %dot_general3A_121 = tpu.matmul %add3A_119, %get3A_1, %dot_general3A_120 {dimension_numbers = #tpu.dot_dimension_numbers<[1], [1], [0], [0], [0, 0, 1, 0], [], []>, transpose_lhs_hint = false} : vector<1000x16xf32>, vector<128x16xf32>, vector<1000x128xf32> -> vector<1000x128xf32>
    %add3A_122 = arith.addf %add3A_108, %dot_general3A_121 : vector<1000x128xf32>
    %max3A = arith.constant 1.000000e+00 : f32
    %max3A_123 = vector.broadcast %max3A : f32 to vector<1000x1xf32>
    %max3A_124 = arith.maximumf %add3A_95, %max3A_123 : vector<1000x1xf32>
    %div3A = vector.broadcast %max3A_124 : vector<1000x1xf32> to vector<1000x128xf32>
    %div3A_125 = arith.divf %add3A_122, %div3A : vector<1000x128xf32>
    %mul3A_126 = vector.broadcast %mul3A_43 : vector<1x128xf32> to vector<1000x128xf32>
    %mul3A_127 = arith.mulf %div3A_125, %mul3A_126 : vector<1000x128xf32>
    %add3A_128 = vector.broadcast %sub3A_48 : vector<1x128xf32> to vector<1000x128xf32>
    %add3A_129 = arith.addf %mul3A_127, %add3A_128 : vector<1000x128xf32>
    %jit3A = arith.constant 0.000000e+00 : f32
    %broadcast_in_dim3A_130 = vector.shape_cast %gt3A_97 : vector<1000x1xi1> to vector<1000x1xi1>
    %broadcast_in_dim3A_131 = vector.broadcast %broadcast_in_dim3A_130 : vector<1000x1xi1> to vector<1000x128xi1>
    %broadcast_in_dim3A_132 = vector.broadcast %jit3A : f32 to vector<1000x128xf32>
    %select_n3A = arith.select %broadcast_in_dim3A_131, %add3A_129, %broadcast_in_dim3A_132 : vector<1000x128xi1>, vector<1000x128xf32>
    %get3A_133 = arith.constant 0 : index
    %get3A_134 = arith.constant 0 : index
    %get3A_135 = vector.load %arg4[%get3A_133, %get3A_134] : memref<1000x128xf32, #tpu.memory_space<vmem>>, vector<1000x128xf32>
    %jit3A_136 = arith.constant 0.000000e+00 : f32
    %broadcast_in_dim3A_137 = vector.shape_cast %gt3A_97 : vector<1000x1xi1> to vector<1000x1xi1>
    %broadcast_in_dim3A_138 = vector.broadcast %broadcast_in_dim3A_137 : vector<1000x1xi1> to vector<1000x128xi1>
    %broadcast_in_dim3A_139 = vector.broadcast %jit3A_136 : f32 to vector<1000x128xf32>
    %select_n3A_140 = arith.select %broadcast_in_dim3A_138, %get3A_135, %broadcast_in_dim3A_139 : vector<1000x128xi1>, vector<1000x128xf32>
    %dot_general3A_141 = arith.constant dense<0.000000e+00> : vector<1000x128xf32>
    %dot_general3A_142 = tpu.matmul %select_n3A_140, %get3A_4, %dot_general3A_141 {dimension_numbers = #tpu.dot_dimension_numbers<[1], [1], [0], [0], [0, 0, 1, 0], [], []>, transpose_lhs_hint = false} : vector<1000x128xf32>, vector<128x128xf32>, vector<1000x128xf32> -> vector<1000x128xf32>
    %add3A_143 = vector.broadcast %get3A_7 : vector<1x128xf32> to vector<1000x128xf32>
    %add3A_144 = arith.addf %dot_general3A_142, %add3A_143 : vector<1000x128xf32>
    %mul3A_145 = vector.broadcast %mul3A_78 : vector<1x128xf32> to vector<1000x128xf32>
    %mul3A_146 = arith.mulf %add3A_144, %mul3A_145 : vector<1000x128xf32>
    %add3A_147 = vector.broadcast %sub3A_84 : vector<1x128xf32> to vector<1000x128xf32>
    %add3A_148 = arith.addf %mul3A_146, %add3A_147 : vector<1000x128xf32>
    %add3A_149 = arith.addf %add3A_148, %select_n3A : vector<1000x128xf32>
    %max3A_150 = arith.constant 0.000000e+00 : f32
    %max3A_151 = vector.broadcast %max3A_150 : f32 to vector<1000x128xf32>
    %max3A_152 = arith.maximumf %add3A_149, %max3A_151 : vector<1000x128xf32>
    %abs3A = math.absf %add3A_149 : vector<1000x128xf32>
    %neg3A = arith.constant 0.000000e+00 : f32
    %neg3A_153 = vector.broadcast %neg3A : f32 to vector<1000x128xf32>
    %neg3A_154 = arith.subf %neg3A_153, %abs3A : vector<1000x128xf32>
    %exp3A = math.exp %neg3A_154 : vector<1000x128xf32>
    %log1p3A = math.log1p %exp3A : vector<1000x128xf32>
    %add3A_155 = arith.addf %max3A_152, %log1p3A : vector<1000x128xf32>
    %swap3A = arith.constant 0 : index
    %swap3A_156 = arith.constant 0 : index
    %swap3A_157 = vector.load %arg19[%swap3A, %swap3A_156] : memref<1000x128xf32, #tpu.memory_space<vmem>>, vector<1000x128xf32>
    tpu.vector_store %arg19[%swap3A, %swap3A_156], %add3A_155 {strides = array<i32>} : memref<1000x128xf32, #tpu.memory_space<vmem>>, vector<1000x128xf32>,
    return
  }
  func.func @transform_0(%arg0: i32) -> (i32, i32, i32) {
    %c0_i32 = arith.constant 0 : i32
    %c0_i32_0 = arith.constant 0 : i32
    %c0_i32_1 = arith.constant 0 : i32
    return %c0_i32, %arg0, %c0_i32_0 : i32, i32, i32
  }
  func.func @transform_1(%arg0: i32) -> (i32, i32, i32) {
    %c0_i32 = arith.constant 0 : i32
    %c0_i32_0 = arith.constant 0 : i32
    %c0_i32_1 = arith.constant 0 : i32
    return %c0_i32, %arg0, %c0_i32_0 : i32, i32, i32
  }
  func.func @transform_2(%arg0: i32) -> (i32, i32, i32) {
    %c0_i32 = arith.constant 0 : i32
    %c0_i32_0 = arith.constant 0 : i32
    %c0_i32_1 = arith.constant 0 : i32
    return %c0_i32, %arg0, %c0_i32_0 : i32, i32, i32
  }
  func.func @transform_3(%arg0: i32) -> (i32, i32) {
    %c0_i32 = arith.constant 0 : i32
    %c0_i32_0 = arith.constant 0 : i32
    return %arg0, %c0_i32 : i32, i32
  }
  func.func @transform_4(%arg0: i32) -> (i32, i32) {
    %c0_i32 = arith.constant 0 : i32
    %c0_i32_0 = arith.constant 0 : i32
    %c0_i32_1 = arith.constant 0 : i32
    return %c0_i32, %c0_i32_0 : i32, i32
  }
  func.func @transform_5(%arg0: i32) -> (i32, i32) {
    %c0_i32 = arith.constant 0 : i32
    %c0_i32_0 = arith.constant 0 : i32
    %c0_i32_1 = arith.constant 0 : i32
    return %c0_i32, %c0_i32_0 : i32, i32
  }
  func.func @transform_6(%arg0: i32) -> (i32, i32) {
    %c0_i32 = arith.constant 0 : i32
    %c0_i32_0 = arith.constant 0 : i32
    %c0_i32_1 = arith.constant 0 : i32
    return %c0_i32, %c0_i32_0 : i32, i32
  }
  func.func @transform_7(%arg0: i32) -> (i32, i32) {
    %c0_i32 = arith.constant 0 : i32
    %c0_i32_0 = arith.constant 0 : i32
    %c0_i32_1 = arith.constant 0 : i32
    return %c0_i32, %c0_i32_0 : i32, i32
  }
  func.func @transform_8(%arg0: i32) -> (i32, i32) {
    %c0_i32 = arith.constant 0 : i32
    %c0_i32_0 = arith.constant 0 : i32
    %c0_i32_1 = arith.constant 0 : i32
    return %c0_i32, %c0_i32_0 : i32, i32
  }
  func.func @transform_9(%arg0: i32) -> (i32, i32) {
    %c0_i32 = arith.constant 0 : i32
    %c0_i32_0 = arith.constant 0 : i32
    %c0_i32_1 = arith.constant 0 : i32
    return %c0_i32, %c0_i32_0 : i32, i32
  }
  func.func @transform_10(%arg0: i32) -> (i32, i32) {
    %c0_i32 = arith.constant 0 : i32
    %c0_i32_0 = arith.constant 0 : i32
    %c0_i32_1 = arith.constant 0 : i32
    return %c0_i32, %c0_i32_0 : i32, i32
  }
  func.func @transform_11(%arg0: i32) -> (i32, i32) {
    %c0_i32 = arith.constant 0 : i32
    %c0_i32_0 = arith.constant 0 : i32
    %c0_i32_1 = arith.constant 0 : i32
    return %c0_i32, %c0_i32_0 : i32, i32
  }
  func.func @transform_12(%arg0: i32) -> (i32, i32) {
    %c0_i32 = arith.constant 0 : i32
    %c0_i32_0 = arith.constant 0 : i32
    %c0_i32_1 = arith.constant 0 : i32
    return %c0_i32, %c0_i32_0 : i32, i32
  }
  func.func @transform_13(%arg0: i32) -> (i32, i32) {
    %c0_i32 = arith.constant 0 : i32
    %c0_i32_0 = arith.constant 0 : i32
    %c0_i32_1 = arith.constant 0 : i32
    return %c0_i32, %c0_i32_0 : i32, i32
  }
  func.func @transform_14(%arg0: i32) -> (i32, i32) {
    %c0_i32 = arith.constant 0 : i32
    %c0_i32_0 = arith.constant 0 : i32
    %c0_i32_1 = arith.constant 0 : i32
    return %c0_i32, %c0_i32_0 : i32, i32
  }
  func.func @transform_15(%arg0: i32) -> (i32, i32) {
    %c0_i32 = arith.constant 0 : i32
    %c0_i32_0 = arith.constant 0 : i32
    %c0_i32_1 = arith.constant 0 : i32
    return %c0_i32, %c0_i32_0 : i32, i32
  }
  func.func @transform_16(%arg0: i32) -> (i32, i32) {
    %c0_i32 = arith.constant 0 : i32
    %c0_i32_0 = arith.constant 0 : i32
    %c0_i32_1 = arith.constant 0 : i32
    return %c0_i32, %c0_i32_0 : i32, i32
  }
  func.func @transform_17(%arg0: i32) -> (i32, i32) {
    %c0_i32 = arith.constant 0 : i32
    %c0_i32_0 = arith.constant 0 : i32
    %c0_i32_1 = arith.constant 0 : i32
    return %c0_i32, %c0_i32_0 : i32, i32
  }
  func.func @transform_18(%arg0: i32) -> (i32, i32) {
    %c0_i32 = arith.constant 0 : i32
    %c0_i32_0 = arith.constant 0 : i32
    return %arg0, %c0_i32 : i32, i32
  }
}

</mosaic_0001>

<sc_bundles>
// kernel: _run.7.cloned.1.call-start
scs
__scs_entry_jumppad:
0x0: {  	(pc) =	sbr.rel $0x88, $3  }
0x1: {  	(tag) =	ssettag $0x0;
	lr =	simm.s32 $0x1  }
0x2: {  	[smem:$0x3F95] =	sst lr;
	_ =	strace $0xD0000000  }
0x3: {  	_ = 	snop  }
0x4: {  	_ = 	snop  }
0x5: {  	_ = 	snop  }
0x6: {  	_ = 	snop  }
0x7: {  	_ = 	snop  }
__scs_overlays_trampoline_lowered:
0x8: {  	[smem:$0x3FA4] =	sst s0  }
0x9: {  	[smem:$0x3FA5] =	sst s1  }
0xa: {  	[smem:$0x3FA6] =	sst s2  }
0xb: {  	[smem:$0x3FA7] =	sst s3  }
0xc: {  	[smem:$0x3FA8] =	sst s4  }
0xd: {  	[smem:$0x3FA9] =	sst s5  }
0xe: {  	[smem:$0x3FAA] =	sst s6  }
0xf: {  	[smem:$0x3FAB] =	sst s7  }
0x10: {  	[smem:$0x3FAC] =	sst s8  }
0x11: {  	[smem:$0x3FAD] =	sst s9;
	s0 =	simm.s32 @!p0 $0x0  }
0x12: {  	s1 =	sld [smem:$0x3F93];
	s0 =	simm.s32 @p0 $0x1  }
0x13: {  	[smem:$0x3FAE] =	sst s0;
	s0 =	simm.s32 @!p1 $0x0  }
0x14: {  	s2 =	sld [smem:$0x3F92];
	s0 =	simm.s32 @p1 $0x1  }
0x15: {  	[smem:$0x3FAF] =	sst s0;
	s0 =	simm.s32 @!p2 $0x0  }
0x16: {  	s3 =	sld [smem:$0x3FDB];
	s0 =	simm.s32 @p2 $0x1  }
0x17: {  	s4 =	simm.s32 $0x1BF5;
	[smem:$0x3FB1] =	sst s0  }
0x18: {  	s0 =	sld [smem:$0x3F94];
	_ =	swait.ge [sflag:s4], $0x0  }
0x19: {  	s7 =	sld [smem:$0x3F95]  }
0x1a: {  	s8 =	sadd.s32 $0xFFFFE003, lr  }
0x1b: {  	s9 =	sadd.s32 $0xFFFFFEF7, lr;
	s5 =	simm.s32 $0xFFFFFFFF;
	p2 =	slt.u32 s8, $0xFFFFF086  }
0x1c: {  	p1 =	slt.u32 s9, $0xF7A;
	s5 =	simm.s32 @!p2 $0x0  }
0x1d: {  	s5 =	simm.s32 @p1 $0x1;
	p0 =	seq.s32 s7, s2  }
0x1e: {  	s7 =	smul.u32 @!p0 $0xF7A, s2;
	p2 =	seq.s32 @!p0 s5, $0x0  }
0x1f: {  	s9 =	smul.u32 $0xF7A, s1;
	s8 =	simm.s32 @!p0 $0x1BF5;
	p2 =	por !p2, p0  }
0x20: {  	[sflag:s8] =	ssyncset.s32 @!p0 $0xFFFFF086;
	s6 =	sadd.s32 @!p0 s3, s7;
	s7 =	simm.s32 @!p0 $0x108  }
0x21: {  	s3 =	sadd.s32 s3, s9;
	s6 =	sadd.s32 @!p0 $0x88, s6;
	s7 =	simm.s32 @p2 $0x1082  }
0x22: {  	[simem:s7], [sflag:s8] =	dma.local @!p0 [hbm:s6], $0xF7A  }
0x23: {  	s9 =	sor.u32 $0xD0000000, s2;
	s6 =	simm.s32 $0x108;
	_ =	swait.ge @!p0 [sflag:s8], $0x0  }
0x24: {  	s3 =	sadd.s32 $0x88, s3;
	s6 =	simm.s32 @!p1 $0x1082;
	[sflag:s4] =	ssyncset.s32 $0xFFFFF086  }
0x25: {  	[simem:s6], [sflag:s4] =	dma.local [hbm:s3], $0xF7A  }
0x26: {  	[smem:$0x3F95] =	sst s1;
	(tag) =	ssettag s2;
	_ =	strace s9  }
0x27: {  	s1 =	sld [smem:$0x3FA5]  }
0x28: {  	s2 =	sld [smem:$0x3FA6]  }
0x29: {  	s4 =	sld [smem:$0x3FA8]  }
0x2a: {  	p0 =	seq.s32 s5, $0x0;
	s5 =	sld [smem:$0x3FA9]  }
0x2b: {  	s6 =	sld [smem:$0x3FAA]  }
0x2c: {  	s7 =	sld [smem:$0x3FAB]  }
0x2d: {  	s3 =	simm.s32 $0x108;
	s8 =	sld [smem:$0x3FAC]  }
0x2e: {  	s3 =	simm.s32 @!p0 $0x1082;
	s9 =	sld [smem:$0x3FAD]  }
0x2f: {  	lr =	sadd.s32 s0, s3;
	s0 =	sld [smem:$0x3FA4]  }
0x30: {  	s3 =	sld [smem:$0x3FA7]  }
0x31: {  	[smem:$0x3FB0] =	sst s10  }
0x32: {  	s10 =	sld [smem:$0x3FAE];
	_ =	sdelay $0x3  }
0x33: {  	p0 =	seq.s32 s10, $0x1;
	s10 =	sld [smem:$0x3FB0];
	_ =	sdelay $0x3  }
0x34: {  	[smem:$0x3FB0] =	sst s10  }
0x35: {  	s10 =	sld [smem:$0x3FAF];
	_ =	sdelay $0x3  }
0x36: {  	p1 =	seq.s32 s10, $0x1;
	s10 =	sld [smem:$0x3FB0];
	_ =	sdelay $0x3  }
0x37: {  	[smem:$0x3FB0] =	sst s10  }
0x38: {  	s10 =	sld [smem:$0x3FB1]  }
0x39: {  	_ = 	snop;
	(pc) =	sbr.ind lr, $3  }
0x3a: {  	_ = 	snop  }
0x3b: {  	_ = 	snop  }
0x3c: {  	p2 =	seq.s32 s10, $0x1;
	s10 =	sld [smem:$0x3FB0]  }
0x3d: {  	_ =	shalt  }
0x3e: {  	_ =	shalt  }
0x3f: {  	_ =	shalt  }
0x40: {  	_ =	shalt  }
0x41: {  	_ =	shalt  }
0x42: {  	_ =	shalt  }
0x43: {  	_ =	shalt  }
0x44: {  	_ =	shalt  }
0x45: {  	_ =	shalt  }
0x46: {  	_ =	shalt  }
0x47: {  	_ =	shalt  }
0x48: {  	_ =	shalt  }
0x49: {  	_ =	shalt  }
0x4a: {  	_ =	shalt  }
0x4b: {  	_ =	shalt  }
0x4c: {  	_ =	shalt  }
0x4d: {  	_ =	shalt  }
0x4e: {  	_ =	shalt  }
0x4f: {  	_ =	shalt  }
0x50: {  	_ =	shalt  }
0x51: {  	_ =	shalt  }
0x52: {  	_ =	shalt  }
0x53: {  	_ =	shalt  }
0x54: {  	_ =	shalt  }
0x55: {  	_ =	shalt  }
0x56: {  	_ =	shalt  }
0x57: {  	_ =	shalt  }
0x58: {  	_ =	shalt  }
0x59: {  	_ =	shalt  }
0x5a: {  	_ =	shalt  }
0x5b: {  	_ =	shalt  }
0x5c: {  	_ =	shalt  }
0x5d: {  	_ =	shalt  }
0x5e: {  	_ =	shalt  }
0x5f: {  	_ =	shalt  }
0x60: {  	_ =	shalt  }
0x61: {  	_ =	shalt  }
0x62: {  	_ =	shalt  }
0x63: {  	_ =	shalt  }
0x64: {  	_ =	shalt  }
0x65: {  	_ =	shalt  }
0x66: {  	_ =	shalt  }
0x67: {  	_ =	shalt  }
0x68: {  	_ =	shalt  }
0x69: {  	_ =	shalt  }
0x6a: {  	_ =	shalt  }
0x6b: {  	_ =	shalt  }
0x6c: {  	_ =	shalt  }
0x6d: {  	_ =	shalt  }
0x6e: {  	_ =	shalt  }
0x6f: {  	_ =	shalt  }
0x70: {  	_ =	shalt  }
0x71: {  	_ =	shalt  }
0x72: {  	_ =	shalt  }
0x73: {  	_ =	shalt  }
0x74: {  	_ =	shalt  }
0x75: {  	_ =	shalt  }
0x76: {  	_ =	shalt  }
0x77: {  	_ =	shalt  }
0x78: {  	_ =	shalt  }
0x79: {  	_ =	shalt  }
0x7a: {  	_ =	shalt  }
0x7b: {  	_ =	shalt  }
0x7c: {  	_ =	shalt  }
0x7d: {  	_ =	shalt  }
0x7e: {  	_ =	shalt  }
0x7f: {  	_ =	shalt  }
0x80: {  	_ =	shalt  }
0x81: {  	_ =	shalt  }
0x82: {  	_ =	shalt  }
0x83: {  	_ =	shalt  }
0x84: {  	_ =	shalt  }
0x85: {  	_ =	shalt  }
0x86: {  	_ =	shalt  }
0x87: {  	_ =	shalt  }
.Lfunc_end0:
.L_simem_size_0:
called_computation_lowered:
.L_overlay_start_0:
0x88: {  	s2 =	sld [smem:$0x3FD9]  }
0x89: {  	s3 =	sld [smem:$0x3FFE];
	_ =	sdelay $0x1  }
0x8a: {  	s1 =	srdreg.scid  }
0x8b: {  	s0 =	sand.u32 $0x1, s1  }
0x8c: {  	s17 =	sshll.u32 s0, $0xA;
	s2 =	sadd.s32 s3, s2  }
0x8d: {  	s2 =	sadd.s32 s2, s17  }
0x8e: {  	[smem:$0x3FBC] =	sst s2  }
0x8f: {  	_ = 	snop  }
0x90: {  	s2 =	sld [smem:$0x3FC7]  }
0x91: {  	s18 =	sld [smem:$0x3FC6]  }
0x92: {  	s4 =	sld [smem:$0x3FD0];
	(tm) =	ssettm $0x1  }
0x93: {  	s5 =	sld [smem:$0x3FFB];
	_ =	sdelay $0x3  }
0x94: {  	_ =	strace s5  }
0x95: {  	s5 =	sld [smem:$0x3FFC];
	_ =	sdelay $0x3  }
0x96: {  	_ =	strace s5  }
0x97: {  	s5 =	sld [smem:$0x3FFD];
	_ =	sdelay $0x3  }
0x98: {  	_ =	strace s5  }
0x99: {  	_ =	strace $0x8FFFFFFF  }
0x9a: {  	s19 =	sld [smem:$0x3FDB];
	_ =	sdelay $0x1  }
0x9b: {  	s6 =	simm.s32 $_scs_section_size  }
0x9c: {  	s7 =	simm.s32 $_size__tile_overlayer_lowered;
	s8 =	simm.s32 $_tile_overlayer_lowered  }
0x9d: {  	s22 =	simm.s32 $0x1BFF;
	s21 =	sshll.u32 s8, $0x1;
	s5 =	sadd.s32 s6, s19  }
0x9e: {  	s9 =	simm.s32 $0x0;
	s20 =	sshll.u32 s7, $0x1;
	s7 =	sadd.s32 s21, s5  }
0x9f: {  	[timem:s9], [sflag:s22] =	dma.local [hbm:s7], s20  }
0xa0: {  	_ =	swait.ge [sflag:s22], s20  }
0xa1: {  	s6 =	ssub.s32 $0x0, s20;
	[sflag:s22] =	ssyncset.done $0x0  }
0xa2: {  	[sflag:s22] =	ssyncadd.s32 s6;
	_ =	sdelay $0x1  }
0xa3: {  	s23 =	simm.s32 $0x1B8B  }
0xa4: {  	_ =	swait.ge [sflag:s23], $0x1  }
0xa5: {  	[sflag:s23] =	ssyncset.done $0x0  }
0xa6: {  	s25 =	simm.s32 $0x1B8E;
	s24 =	sld [smem:$0x3FFE];
	[sflag:s23] =	ssyncadd.s32 $0xFFFFFFFF  }
0xa7: {  	s26 =	simm.s32 $execute0_lowered;
	[smem:$0x3FD2] =	sst s25  }
0xa8: {  	s7 =	sshll.u32 s26, $0x1;
	_ =	strace $0x80000046;
	[dreg:$0x1] =	wrdreg $0xFFFFFFFF  }
0xa9: {  	s28 =	simm.s32 $_size_execute0_lowered;
	s5 =	sadd.s32 s5, s7;
	[dreg:$0x0] =	wrdreg $0x0  }
0xaa: {  	s7 =	sshll.u32 s28, $0x1;
	[dreg:$0x2] =	wrdreg s5  }
0xab: {  	[dreg:$0x3] =	wrdreg s7  }
0xac: {  	[dreg:$0x4] =	wrdreg $0xC0  }
0xad: {  	_ =	task [dreg:s9], $0x5FFFF  }
0xae: {  	[dreg:$0x1] =	wrdreg $0xFFFFFFFF  }
0xaf: {  	[dreg:$0x0] =	wrdreg $0x60  }
0xb0: {  	[dreg:$0x2] =	wrdreg s4  }
0xb1: {  	[dreg:$0x3] =	wrdreg s24  }
0xb2: {  	[dreg:$0x4] =	wrdreg s2  }
0xb3: {  	[dreg:$0x5] =	wrdreg s18  }
0xb4: {  	[dreg:$0x6] =	wrdreg $0x0  }
0xb5: {  	[dreg:$0x7] =	wrdreg $0x140000  }
0xb6: {  	[dreg:$0x8] =	wrdreg $0x168000  }
0xb7: {  	[dreg:$0x9] =	wrdreg $0x190000  }
0xb8: {  	[dreg:$0xa] =	wrdreg $0x9  }
0xb9: {  	_ =	task.clear_ibuf [dreg:s9], $0xBFFFF;
	_ =	strace $0x90000046  }
0xba: {  	s29 =	simm.s32 $0x9;
	_ =	strace $0x80000048  }
0xbb: {  	_ =	swait.ge [sflag:s29], $0x1  }
0xbc: {  	[sflag:s29] =	ssyncadd.s32 $0xFFFFFFFF  }
0xbd: {  	_ =	strace $0x90000048  }
0xbe: {  	_ =	sfence  }
0xbf: {  	s30 =	sld [smem:$0x0];
	_ =	sdelay $0x2  }
0xc0: {  	s31 =	sshll.u32 s1, $0xD;
	s1 =	sshrl.u32 s1, $0x2  }
0xc1: {  	s3 =	sand.u32 $0x4000, s31;
	s1 =	sadd.s32 s1, s30  }
0xc2: {  	s0 =	sor.u32 s3, s0;
	s1 =	sshll.u32 s1, $0x11  }
0xc3: {  	s0 =	sor.u32 s1, s0  }
0xc4: {  	s0 =	sadd.s32 $0x8F2B, s0  }
0xc5: {  	[sflag:s0] =	ssyncadd.remote.s32 $0x1  }
0xc6: {  	_ =	sfence.sel $0xFFFF  }
0xc7: {  	[dreg:$0x0] =	wrdreg $0xFFFFFFFF;
	(pc) =	sbr.abs _section_cstart, $3  }
0xc8: {  	[dreg:$0x1] =	wrdreg $0xFFFFFFFF  }
0xc9: {  	_ =	task.clear_ibuf [dreg:s9], $0x2FFFF;
	_ =	strace $0x9FFFFFFF  }
0xca: {  	(tm) =	ssettm $0x7FFFFFFF  }
0xcb: {  	_ =	shalt  }
tec
execute0_lowered:
.L_overlay_start_1:
0x0: {  	(tag) =	ssettag $0x1  }
0x1: {  	s8 =	rddreg [dreg:$0x0]  }
0x2: {  	s0 =	rddreg [dreg:$0x1]  }
0x3: {  	s17 =	rddreg [dreg:$0x2]  }
0x4: {  	s15 =	rddreg [dreg:$0x3]  }
0x5: {  	s16 =	rddreg [dreg:$0x4]  }
0x6: {  	s18 =	rddreg [dreg:$0x5];
	s1 =	srdreg.scid  }
0x7: {  	s7 =	stileid.u32;
	s20 =	rddreg [dreg:$0x6]  }
0x8: {  	s21 =	rddreg [dreg:$0x7];
	s9 =	simm.s32 $0x0;
	s2 =	smul.u32 $0x14000, s7  }
0x9: {  	s28 =	simm.s32 $0x4;
	s29 =	simm.s32 $0x1F840;
	s22 =	smul.u32 $0x2800, s7  }
0xa: {  	s30 =	simm.s32 $0x1B800;
	s1 =	sand.u32 $0x1, s1;
	s5 =	smul.u32 $0x50000, s7  }
0xb: {  	s31 =	simm.s32 $0x1B850;
	[smem:$0x7FF] =	sst s9;
	s3 =	smul.u32 $0x140000, s1  }
0xc: {  	s10 =	sadd.s32 $0x4E4A00, s0;
	s6 =	sshll.u32 s7, $0x4;
	s4 =	smul.u32 $0x28000, s1  }
0xd: {  	_ =	strace $0x80000047;
	s23 =	sshll.u32 s1, $0x4;
	s13 =	ssub.s32 $0x2, s1  }
0xe: {  	s1 =	sshll.u32 s1, $0x8;
	s24 =	sshrl.u32 s13, $0x1;
	s5 =	sshrl.u32 s5, $0x2  }
0xf: {  	s2 =	sadd.s32 s2, s3;
	s3 =	sadd.s32 s22, s4;
	s4 =	sor.u32 s7, s23  }
0x10: {  	s25 =	ssub.s32 s13, s24;
	s13 =	sadd.s32 s5, s16;
	s16 =	smul.u32 $0xA000, s7  }
0x11: {  	s2 =	sshrl.u32 s2, $0x3;
	s3 =	sshrl.u32 s3, $0x3;
	s11 =	smul.u32 $0x2710, s4  }
0x12: {  	s12 =	smul.u32 $0x27100, s4;
	s22 =	smax.u32 s25, $0x1;
	s2 =	sadd.s32 s2, s0  }
0x13: {  	s3 =	sadd.s32 s3, s0;
	s0 =	sadd.s32 s6, s0;
	[dreg:$0xd] =	wrdreg s22  }
0x14: {  	s23 =	sshrl.u32 s16, $0x2;
	s16 =	simm.s32 $0x1;
	s14 =	sshrl.u32 s11, $0x3  }
0x15: {  	s6 =	sshrl.u32 s12, $0x3;
	s0 =	sadd.s32 s1, s0;
	s20 =	sadd.s32 s23, s20  }
0x16: {  	s21 =	sadd.s32 s23, s21;
	s22 =	sadd.s32 $0x59F000, s2;
	s24 =	sadd.s32 $0x58B000, s3  }
0x17: {  	s25 =	sadd.s32 $0x595000, s3;
	s2 =	simm.s32 $0x2;
	[dreg:$0xe] =	wrdreg s24  }
0x18: {  	s1 =	simm.s32 $0x0;
	s26 =	sadd.s32 s17, s14;
	[dreg:$0xf] =	wrdreg s25  }
0x19: {  	s19 =	sadd.s32 s15, s14;
	s5 =	sadd.s32 s10, s6;
	[dreg:$0x9] =	wrdreg s26  }
0x1a: {  	s0 =	sadd.s32 $0x580E00, s0;
	s6 =	simm.s32 $0x1B8A0;
	[dreg:$0xa] =	wrdreg s19  }
0x1b: {  	s14 =	simm.s32 $0x50;
	s15 =	simm.s32 $0x1BDA0;
	[dreg:$0xb] =	wrdreg s5  }
0x1c: {  	s24 =	simm.s32 $0x1E640;
	s25 =	simm.s32 $0x3;
	[dreg:$0xc] =	wrdreg s0  }
0x1d: {  	s19 =	sadd.s32 s23, s18;
	s26 =	sadd.s32 $0x581000, s3;
	s18 =	simm.s32 $0x1E5A0  }
0x1e: {  	v0 =	vimm.f32 $1.000000000e+00;
	v1 =	vimm.f32 $0.0e+00;
	s23 =	simm.s32 $0x1E5F0;
	[dreg:$0x10] =	wrdreg s26;
	s26 =	simm.s32 $0x1F040  }
.LBB2_1:
0x1f: {  	[dreg:$0x11] =	wrdreg s1;
	s0 =	simm.s32 $0x0  }
.LBB2_2:
0x20: {  	p0 =	sne.s32 s0, $0x13C0  }
.Ltmp0:
0x21: {  	_ = 	snop;
	(pc) =	sbr.rel @p0 .LBB2_2-.Ltmp0, $3  }
0x22: {  	_ =	sdelay $0x1  }
0x23: {  	s1 =	sshra.s32 s0, $0x2  }
0x24: {  	s0 =	sadd.s32 $0x40, s0;
	[tilespmem:s1+$0x1EB40] =	vst v0  }
0x25: {  	s0 =	simm.s32 $0x0;
	s1 =	simm.s32 $0x200  }
.LBB2_4:
0x26: {  	p0 =	sne.s32 s1, $0x1E00;
	[tilespmem:s0+$0x1F0B0] =	vst v1  }
0x27: {  	[tilespmem:s0+$0x1F040] =	vst v1  }
0x28: {  	[tilespmem:s0+$0x1F050] =	vst v1  }
.Ltmp1:
0x29: {  	[tilespmem:s0+$0x1F060] =	vst v1;
	(pc) =	sbr.rel @p0 .LBB2_4-.Ltmp1, $4  }
0x2a: {  	[tilespmem:s0+$0x1F070] =	vst v1  }
0x2b: {  	[tilespmem:s0+$0x1F080] =	vst v1  }
0x2c: {  	[tilespmem:s0+$0x1F090] =	vst v1  }
0x2d: {  	[tilespmem:s0+$0x1F0A0] =	vst v1;
	s0 =	sshra.s32 s1, $0x2;
	s1 =	sadd.s32 $0x200, s1  }
0x2e: {  	[tilespmem:s0+$0x1F0B0] =	vst v1  }
0x2f: {  	[tilespmem:s0+$0x1F040] =	vst v1  }
0x30: {  	[tilespmem:s0+$0x1F050] =	vst v1  }
0x31: {  	[tilespmem:s0+$0x1F060] =	vst v1  }
0x32: {  	[tilespmem:s0+$0x1F070] =	vst v1  }
0x33: {  	[tilespmem:s0+$0x1F080] =	vst v1  }
0x34: {  	[tilespmem:s0+$0x1F090] =	vst v1  }
0x35: {  	[tilespmem:s0+$0x1F0A0] =	vst v1  }
0x36: {  	[tilespmem:$0x1F840] =	vst v1  }
0x37: {  	[tilespmem:$0x1F850] =	vst v1  }
0x38: {  	[tilespmem:$0x1F860] =	vst v1  }
0x39: {  	[tilespmem:$0x1F870] =	vst v1  }
0x3a: {  	[tilespmem:$0x1F880] =	vst v1  }
0x3b: {  	[tilespmem:$0x1F890] =	vst v1  }
0x3c: {  	[tilespmem:$0x1F8A0] =	vst v1  }
0x3d: {  	[tilespmem:$0x1F8B0] =	vst v1  }
0x3e: {  	[tilespmem:$0x1F8C0] =	vst v1  }
0x3f: {  	[tilespmem:$0x1F8D0] =	vst v1  }
0x40: {  	[tilespmem:$0x1F8E0] =	vst v1  }
0x41: {  	[tilespmem:$0x1F8F0] =	vst v1  }
0x42: {  	[tilespmem:$0x1F900] =	vst v1  }
0x43: {  	[tilespmem:$0x1F910] =	vst v1  }
0x44: {  	[tilespmem:$0x1F920] =	vst v1  }
0x45: {  	[tilespmem:$0x1F930] =	vst v1  }
0x46: {  	[tilespmem:$0x1F940] =	vst v1  }
0x47: {  	[tilespmem:$0x1F950] =	vst v1  }
0x48: {  	[tilespmem:$0x1F960] =	vst v1  }
0x49: {  	[tilespmem:$0x1F970] =	vst v1  }
0x4a: {  	[tilespmem:$0x1F980] =	vst v1  }
0x4b: {  	[tilespmem:$0x1F990] =	vst v1  }
0x4c: {  	[tilespmem:$0x1F9A0] =	vst v1  }
0x4d: {  	[tilespmem:$0x1F9B0] =	vst v1  }
0x4e: {  	[tilespmem:$0x1F9C0] =	vst v1  }
0x4f: {  	[tilespmem:$0x1F9D0] =	vst v1  }
0x50: {  	[tilespmem:$0x1F9E0] =	vst v1  }
0x51: {  	[tilespmem:$0x1F9F0] =	vst v1  }
0x52: {  	[tilespmem:$0x1FA00] =	vst v1  }
0x53: {  	[tilespmem:$0x1FA10] =	vst v1  }
0x54: {  	[tilespmem:$0x1FA20] =	vst v1  }
0x55: {  	[tilespmem:$0x1FA30] =	vst v1  }
0x56: {  	[tilespmem:$0x1FA40] =	vst v1  }
0x57: {  	[tilespmem:$0x1FA50] =	vst v1  }
0x58: {  	[tilespmem:$0x1FA60] =	vst v1  }
0x59: {  	[tilespmem:$0x1FA70] =	vst v1  }
0x5a: {  	[tilespmem:$0x1FA80] =	vst v1  }
0x5b: {  	[tilespmem:$0x1FA90] =	vst v1  }
0x5c: {  	[tilespmem:$0x1FAA0] =	vst v1  }
0x5d: {  	s7 =	sadd.s32 $0x0, s13;
	[tilespmem:$0x1FAB0] =	vst v1  }
0x5e: {  	[spmem:s7] =	stream.linear.scatter [tilespmem:s26], [sflag:$0x4], $0x800, $0x38;
	[tilespmem:$0x1FB40] =	vst v63  }
0x5f: {  	s0 =	simm.s32 $0x2000;
	_ =	swait.ge [sflag:s28], $0x800  }
.LBB2_6:
0x60: {  	s1 =	sshra.s32 s0, $0x2;
	[sflag:s28] =	ssyncset.done $0x0;
	p0 =	sne.s32 s0, $0x4E000  }
.Ltmp2:
0x61: {  	s1 =	sadd.s32 s1, s13;
	[sflag:s28] =	ssyncadd.s32 $0xFFFFF800;
	(pc) =	sbr.rel @p0 .LBB2_6-.Ltmp2, $3  }
0x62: {  	[spmem:s1] =	stream.linear.scatter [tilespmem:s26], [sflag:$0x4], $0x800, $0x38;
	[tilespmem:$0x1FB40] =	vst v63  }
0x63: {  	s0 =	sadd.s32 $0x2000, s0;
	_ =	sdelay $0x1  }
0x64: {  	_ =	swait.ge [sflag:s28], $0x800  }
0x65: {  	[sflag:s28] =	ssyncset.done $0x0  }
0x66: {  	s0 =	sadd.s32 $0x0, s19;
	[sflag:s28] =	ssyncadd.s32 $0xFFFFF800  }
0x67: {  	[spmem:s0] =	stream.linear.scatter [tilespmem:s29], [sflag:$0x4], $0x280, $0x38;
	[tilespmem:$0x1FB40] =	vst v63  }
0x68: {  	_ =	swait.ge [sflag:s28], $0x280  }
0x69: {  	[sflag:s28] =	ssyncset.done $0x0  }
0x6a: {  	s5 =	sadd.s32 $0x0, s20;
	[sflag:s28] =	ssyncadd.s32 $0xFFFFFD80  }
0x6b: {  	[spmem:s5] =	stream.linear.scatter [tilespmem:s29], [sflag:$0x4], $0x280, $0x38;
	[tilespmem:$0x1FB40] =	vst v63  }
0x6c: {  	_ =	swait.ge [sflag:s28], $0x280  }
0x6d: {  	[sflag:s28] =	ssyncset.done $0x0  }
0x6e: {  	s7 =	sadd.s32 $0x0, s21;
	[sflag:s28] =	ssyncadd.s32 $0xFFFFFD80  }
0x6f: {  	[spmem:s7] =	stream.linear.scatter [tilespmem:s29], [sflag:$0x4], $0x280, $0x38;
	[tilespmem:$0x1FB40] =	vst v63  }
0x70: {  	_ =	swait.ge [sflag:s28], $0x280  }
0x71: {  	s1 =	simm.s32 $0x1400;
	s0 =	simm.s32 $0x280;
	[sflag:s28] =	ssyncset.done $0x0  }
.LBB2_8:
0x72: {  	s3 =	sadd.s32 s0, s19  }
0x73: {  	[sflag:s28] =	ssyncadd.s32 $0xFFFFFD80;
	s4 =	smov.u32 s1;
	s5 =	sadd.s32 $0xA00, s1  }
0x74: {  	[spmem:s3] =	stream.linear.scatter [tilespmem:s29], [sflag:$0x4], $0x280, $0x38;
	[tilespmem:$0x1FB40] =	vst v63  }
0x75: {  	p0 =	sne.s32 s1, $0x9600;
	_ =	swait.ge [sflag:s28], $0x280  }
0x76: {  	[sflag:s28] =	ssyncset.done $0x0  }
0x77: {  	s1 =	sadd.s32 s0, s20;
	[sflag:s28] =	ssyncadd.s32 $0xFFFFFD80  }
0x78: {  	[spmem:s1] =	stream.linear.scatter [tilespmem:s29], [sflag:$0x4], $0x280, $0x38;
	[tilespmem:$0x1FB40] =	vst v63  }
0x79: {  	_ =	swait.ge [sflag:s28], $0x280  }
.Ltmp3:
0x7a: {  	[sflag:s28] =	ssyncset.done $0x0;
	(pc) =	sbr.rel @p0 .LBB2_8-.Ltmp3, $4  }
0x7b: {  	s0 =	sadd.s32 s0, s21;
	[sflag:s28] =	ssyncadd.s32 $0xFFFFFD80  }
0x7c: {  	[spmem:s0] =	stream.linear.scatter [tilespmem:s29], [sflag:$0x4], $0x280, $0x38;
	[tilespmem:$0x1FB40] =	vst v63  }
0x7d: {  	_ =	swait.ge [sflag:s28], $0x280  }
0x7e: {  	s1 =	smov.u32 s5;
	s0 =	sshra.s32 s4, $0x2;
	[sflag:s28] =	ssyncset.done $0x0  }
0x7f: {  	s1 =	sadd.s32 s0, s19;
	[sflag:s28] =	ssyncadd.s32 $0xFFFFFD80  }
0x80: {  	[spmem:s1] =	stream.linear.scatter [tilespmem:s29], [sflag:$0x4], $0x280, $0x38;
	[tilespmem:$0x1FB40] =	vst v63  }
0x81: {  	_ =	swait.ge [sflag:s28], $0x280  }
0x82: {  	[sflag:s28] =	ssyncset.done $0x0  }
0x83: {  	s7 =	sadd.s32 s0, s20;
	[sflag:s28] =	ssyncadd.s32 $0xFFFFFD80  }
0x84: {  	[spmem:s7] =	stream.linear.scatter [tilespmem:s29], [sflag:$0x4], $0x280, $0x38;
	[tilespmem:$0x1FB40] =	vst v63  }
0x85: {  	_ =	swait.ge [sflag:s28], $0x280  }
0x86: {  	[sflag:s28] =	ssyncset.done $0x0  }
0x87: {  	s3 =	sadd.s32 s0, s21;
	[sflag:s28] =	ssyncadd.s32 $0xFFFFFD80  }
0x88: {  	[spmem:s3] =	stream.linear.scatter [tilespmem:s29], [sflag:$0x4], $0x280, $0x38;
	[tilespmem:$0x1FB40] =	vst v63  }
0x89: {  	_ =	swait.ge [sflag:s28], $0x280  }
0x8a: {  	[sflag:s28] =	ssyncset.done $0x0  }
0x8b: {  	[sflag:s28] =	ssyncadd.s32 $0xFFFFFD80  }
0x8c: {  	[bflag:$0x0] =	sbarrier.arrive $0xFFFF  }
0x8d: {  	s1 =	simm.s32 $0x0;
	s4 =	rddreg [dreg:$0x9]  }
0x8e: {  	[tilespmem:s30], [sflag:$0x2] =	stream.linear.gather [hbm4b:s4+s1], $0x50, $0x38;
	[tilespmem:$0x1FB40] =	vst v63  }
0x8f: {  	s5 =	rddreg [dreg:$0xa]  }
0x90: {  	[tilespmem:s31], [sflag:$0x2] =	stream.linear.gather [hbm4b:s5+s1], $0x50, $0x38;
	[tilespmem:$0x1FB40] =	vst v63  }
0x91: {  	s7 =	rddreg [dreg:$0xb]  }
0x92: {  	[tilespmem:s6], [sflag:$0x2] =	stream.linear.gather [hbm4b:s7+s1], $0x500, $0x38;
	[tilespmem:$0x1FB40] =	vst v63  }
0x93: {  	_ =	swait.ge [sflag:s2], $0x50  }
0x94: {  	[sflag:s2] =	ssyncset.done $0x0  }
0x95: {  	[sflag:s2] =	ssyncadd.s32 $0xFFFFFFB0  }
0x96: {  	_ =	swait.ge [sflag:s2], $0x50  }
0x97: {  	[sflag:s2] =	ssyncset.done $0x0  }
0x98: {  	[sflag:s2] =	ssyncadd.s32 $0xFFFFFFB0  }
0x99: {  	_ =	swait.ge [sflag:s2], $0x500  }
0x9a: {  	v2 =	vimm.f32 $0.0e+00;
	v9 =	vimm.f32 $0.0e+00;
	[sflag:s2] =	ssyncset.done $0x0  }
0x9b: {  	v3 =	vimm.f32 $0.0e+00;
	v4 =	vimm.f32 $0.0e+00;
	v6 =	vimm.f32 $0.0e+00;
	s3 =	simm.s32 $0x0;
	[sflag:s2] =	ssyncadd.s32 $0xFFFFFB00  }
0x9c: {  	v5 =	vimm.f32 $0.0e+00;
	v7 =	vimm.f32 $0.0e+00;
	v8 =	vimm.f32 $0.0e+00;
	[tilespmem:s15], [sflag:$0x1] =	stream.indirect.gather [hbm4b:s8+s14], $0x80, s31, s14, $0xb8;
	[tilespmem:$0x1FB40] =	vst v63  }
.LBB2_10:
0x9d: {  	_ =	swait.ge [sflag:s16], $0x2800  }
0x9e: {  	[sflag:s16] =	ssyncset.done $0x0  }
0x9f: {  	[sflag:s16] =	ssyncadd.s32 $0xFFFFD800  }
0xa0: {  	s0 =	rddreg [dreg:$0x4]  }
0xa1: {  	[spmem:s0] =	stream.indirect.scatter.add.f32 [tilespmem:s15], [sflag:$0x3], $0x80, s30, s14, $0xb8;
	[tilespmem:$0x1FB40] =	vst v63  }
0xa2: {  	s4 =	rddreg [dreg:$0x5];
	s0 =	sshllo.u32 s3, $0x1  }
0xa3: {  	[spmem:s4] =	stream.indirect.scatter.add.f32 [tilespmem:s6], [sflag:$0x3], $0x10, s30, s14, $0xb8;
	[tilespmem:$0x1FB40] =	vst v63  }
0xa4: {  	s5 =	rddreg [dreg:$0x6];
	s4 =	smul.u32 $0x50, s0  }
0xa5: {  	[spmem:s5] =	stream.indirect.scatter.add.f32 [tilespmem:s6], [sflag:$0x3], $0x10, s31, s14, $0xb8;
	[tilespmem:$0x1FB40] =	vst v63  }
0xa6: {  	s4 =	sadd.s32 s11, s4  }
0xa7: {  	s7 =	simm.s32 $0x1EB40;
	s5 =	rddreg [dreg:$0x7];
	s4 =	sshrl.u32 s4, $0x3  }
0xa8: {  	[spmem:s5] =	stream.indirect.scatter.add.f32 [tilespmem:s7], [sflag:$0x3], $0x10, s30, s14, $0xb8;
	[tilespmem:$0x1FB40] =	vst v63  }
0xa9: {  	s0 =	smul.u32 $0x500, s0;
	s7 =	sadd.s32 s17, s4  }
0xaa: {  	[tilespmem:s18], [sflag:$0x2] =	stream.linear.gather [hbm4b:s7+s1], $0x50, $0x38;
	[tilespmem:$0x1FB40] =	vst v63  }
0xab: {  	s0 =	sadd.s32 s12, s0;
	s7 =	rddreg [dreg:$0x3]  }
0xac: {  	s0 =	sshrl.u32 s0, $0x3;
	s4 =	sadd.s32 s7, s4  }
0xad: {  	[tilespmem:s23], [sflag:$0x2] =	stream.linear.gather [hbm4b:s4+s1], $0x50, $0x38;
	[tilespmem:$0x1FB40] =	vst v63  }
0xae: {  	s0 =	sadd.s32 s10, s0;
	s7 =	simm.s32 $0x0  }
0xaf: {  	[tilespmem:s24], [sflag:$0x2] =	stream.linear.gather [hbm4b:s0+s1], $0x500, $0x38;
	[tilespmem:$0x1FB40] =	vst v63  }
0xb0: {  	v11 =	vld [tilespmem:s7+$0x1BE10]  }
0xb1: {  	v14 =	vld [tilespmem:s7+$0x1BDA0]  }
0xb2: {  	v16 =	vld [tilespmem:s7+$0x1BDB0]  }
0xb3: {  	v13 =	vld [tilespmem:s7+$0x1BDC0]  }
0xb4: {  	v12 =	vld [tilespmem:s7+$0x1BDD0]  }
0xb5: {  	v10 =	vld [tilespmem:s7+$0x1BDE0];
	v17 =	vmul.f32 v11, v11  }
0xb6: {  	v11 =	vld [tilespmem:s7+$0x1BDF0];
	v15 =	vmul.f32 v14, v14  }
0xb7: {  	s5 =	simm.s32 $0x400;
	s4 =	simm.s32 $0x80;
	s0 =	sshll.u32 s3, $0x1;
	v16 =	vmul.f32 v16, v16;
	v14 =	vld [tilespmem:s7+$0x1BE00];
	v9 =	vadd.f32 v17, v9  }
.LBB2_11:
0xb8: {  	p0 =	sne.s32 s5, $0x9E00;
	v17 =	vld [tilespmem:s4+$0x1BE10];
	v8 =	vadd.f32 v15, v8;
	v13 =	vmul.f32 v13, v13  }
0xb9: {  	v15 =	vld [tilespmem:s4+$0x1BDA0];
	v7 =	vadd.f32 v16, v7;
	v12 =	vmul.f32 v12, v12  }
0xba: {  	v16 =	vld [tilespmem:s4+$0x1BDB0];
	v5 =	vadd.f32 v13, v5;
	v10 =	vmul.f32 v10, v10  }
.Ltmp4:
0xbb: {  	v13 =	vld [tilespmem:s4+$0x1BDC0];
	v6 =	vadd.f32 v12, v6;
	v11 =	vmul.f32 v11, v11;
	(pc) =	sbr.rel @p0 .LBB2_11-.Ltmp4, $4  }
0xbc: {  	v12 =	vld [tilespmem:s4+$0x1BDD0];
	v4 =	vadd.f32 v10, v4;
	v14 =	vmul.f32 v14, v14  }
0xbd: {  	v10 =	vld [tilespmem:s4+$0x1BDE0];
	v17 =	vmul.f32 v17, v17;
	v3 =	vadd.f32 v11, v3  }
0xbe: {  	v15 =	vmul.f32 v15, v15;
	v11 =	vld [tilespmem:s4+$0x1BDF0];
	v2 =	vadd.f32 v14, v2  }
0xbf: {  	v16 =	vmul.f32 v16, v16;
	v14 =	vld [tilespmem:s4+$0x1BE00];
	s4 =	sshra.s32 s5, $0x2;
	s5 =	sadd.s32 $0x200, s5;
	v9 =	vadd.f32 v17, v9  }
0xc0: {  	v17 =	vld [tilespmem:s4+$0x1BE10]  }
0xc1: {  	v18 =	vld [tilespmem:s4+$0x1BDA0]  }
0xc2: {  	v19 =	vld [tilespmem:s4+$0x1BDB0]  }
0xc3: {  	v20 =	vld [tilespmem:s4+$0x1BDC0]  }
0xc4: {  	v21 =	vld [tilespmem:s4+$0x1BDD0]  }
0xc5: {  	v22 =	vld [tilespmem:s4+$0x1BDE0]  }
0xc6: {  	v23 =	vld [tilespmem:s4+$0x1BDF0]  }
0xc7: {  	v24 =	vld [tilespmem:s4+$0x1BE00];
	_ =	swait.ge [sflag:s25], $0x2800  }
0xc8: {  	[sflag:s25] =	ssyncset.done $0x0  }
0xc9: {  	[sflag:s25] =	ssyncadd.s32 $0xFFFFD800  }
0xca: {  	_ =	swait.ge [sflag:s2], $0x50  }
0xcb: {  	[sflag:s2] =	ssyncset.done $0x0  }
0xcc: {  	[sflag:s2] =	ssyncadd.s32 $0xFFFFFFB0  }
0xcd: {  	_ =	swait.ge [sflag:s2], $0x50  }
0xce: {  	[sflag:s2] =	ssyncset.done $0x0  }
0xcf: {  	[sflag:s2] =	ssyncadd.s32 $0xFFFFFFB0  }
0xd0: {  	_ =	swait.ge [sflag:s2], $0x500  }
0xd1: {  	[sflag:s2] =	ssyncset.done $0x0  }
0xd2: {  	[sflag:s2] =	ssyncadd.s32 $0xFFFFFB00  }
0xd3: {  	[tilespmem:s15], [sflag:$0x1] =	stream.indirect.gather [hbm4b:s8+s14], $0x80, s23, s14, $0xb8;
	[tilespmem:$0x1FB40] =	vst v63  }
0xd4: {  	_ =	swait.ge [sflag:s25], $0x500  }
0xd5: {  	[sflag:s25] =	ssyncset.done $0x0  }
0xd6: {  	[sflag:s25] =	ssyncadd.s32 $0xFFFFFB00  }
0xd7: {  	_ =	swait.ge [sflag:s25], $0x500  }
0xd8: {  	[sflag:s25] =	ssyncset.done $0x0  }
0xd9: {  	[sflag:s25] =	ssyncadd.s32 $0xFFFFFB00  }
0xda: {  	_ =	swait.ge [sflag:s25], $0x500  }
0xdb: {  	[sflag:s25] =	ssyncset.done $0x0  }
0xdc: {  	[sflag:s25] =	ssyncadd.s32 $0xFFFFFB00  }
0xdd: {  	_ =	swait.ge [sflag:s16], $0x2800  }
0xde: {  	[sflag:s16] =	ssyncset.done $0x0  }
0xdf: {  	[sflag:s16] =	ssyncadd.s32 $0xFFFFD800  }
0xe0: {  	s0 =	sadd.s32 $0x2, s0;
	s5 =	rddreg [dreg:$0x4]  }
0xe1: {  	[spmem:s5] =	stream.indirect.scatter.add.f32 [tilespmem:s15], [sflag:$0x3], $0x80, s18, s14, $0xb8;
	[tilespmem:$0x1FB40] =	vst v63  }
0xe2: {  	s4 =	smul.u32 $0x50, s0;
	s7 =	rddreg [dreg:$0x5]  }
0xe3: {  	[spmem:s7] =	stream.indirect.scatter.add.f32 [tilespmem:s24], [sflag:$0x3], $0x10, s18, s14, $0xb8;
	[tilespmem:$0x1FB40] =	vst v63  }
0xe4: {  	s4 =	sadd.s32 s11, s4;
	s5 =	rddreg [dreg:$0x6]  }
0xe5: {  	[spmem:s5] =	stream.indirect.scatter.add.f32 [tilespmem:s24], [sflag:$0x3], $0x10, s23, s14, $0xb8;
	[tilespmem:$0x1FB40] =	vst v63  }
0xe6: {  	s4 =	sshrl.u32 s4, $0x3;
	s7 =	simm.s32 $0x1EB40;
	s5 =	rddreg [dreg:$0x7]  }
0xe7: {  	[spmem:s5] =	stream.indirect.scatter.add.f32 [tilespmem:s7], [sflag:$0x3], $0x10, s18, s14, $0xb8;
	[tilespmem:$0x1FB40] =	vst v63  }
0xe8: {  	s0 =	smul.u32 $0x500, s0;
	s5 =	sadd.s32 s17, s4;
	s7 =	simm.s32 $0x0  }
0xe9: {  	[tilespmem:s30], [sflag:$0x2] =	stream.linear.gather [hbm4b:s5+s7], $0x50, $0x38;
	[tilespmem:$0x1FB40] =	vst v63  }
0xea: {  	s0 =	sadd.s32 s12, s0;
	s5 =	rddreg [dreg:$0x3]  }
0xeb: {  	s0 =	sshrl.u32 s0, $0x3;
	s4 =	sadd.s32 s5, s4  }
0xec: {  	[tilespmem:s31], [sflag:$0x2] =	stream.linear.gather [hbm4b:s4+s7], $0x50, $0x38;
	[tilespmem:$0x1FB40] =	vst v63  }
0xed: {  	v13 =	vmul.f32 v13, v13;
	v12 =	vmul.f32 v12, v12;
	s0 =	sadd.s32 s10, s0  }
0xee: {  	v8 =	vadd.f32 v15, v8;
	v7 =	vadd.f32 v16, v7;
	v10 =	vmul.f32 v10, v10;
	[tilespmem:s6], [sflag:$0x2] =	stream.linear.gather [hbm4b:s0+s7], $0x500, $0x38;
	[tilespmem:$0x1FB40] =	vst v63  }
0xef: {  	v5 =	vadd.f32 v13, v5;
	v6 =	vadd.f32 v12, v6;
	v11 =	vmul.f32 v11, v11;
	s7 =	simm.s32 $0x0  }
0xf0: {  	v12 =	vmul.f32 v14, v14;
	v4 =	vadd.f32 v10, v4;
	v13 =	vmul.f32 v18, v18;
	v14 =	vld [tilespmem:s7+$0x1BE10]  }
0xf1: {  	v10 =	vmul.f32 v17, v17;
	v15 =	vadd.f32 v11, v3;
	v3 =	vmul.f32 v19, v19;
	v17 =	vld [tilespmem:s7+$0x1BDA0]  }
0xf2: {  	v16 =	vadd.f32 v12, v2;
	v2 =	vadd.f32 v13, v8;
	v8 =	vmul.f32 v20, v20;
	v18 =	vld [tilespmem:s7+$0x1BDB0]  }
0xf3: {  	v11 =	vmul.f32 v21, v21;
	v9 =	vadd.f32 v10, v9;
	v3 =	vadd.f32 v3, v7;
	v10 =	vld [tilespmem:s7+$0x1BDC0]  }
0xf4: {  	v13 =	vmul.f32 v22, v22;
	v7 =	vadd.f32 v8, v5;
	v5 =	vmul.f32 v23, v23;
	v12 =	vld [tilespmem:s7+$0x1BDD0]  }
0xf5: {  	v19 =	vmul.f32 v24, v24;
	v8 =	vadd.f32 v11, v6;
	v11 =	vld [tilespmem:s7+$0x1BDE0];
	v63 =	vmul.f32 v14, v14  }
0xf6: {  	v6 =	vadd.f32 v13, v4;
	v4 =	vadd.f32 v5, v15;
	v13 =	vld [tilespmem:s7+$0x1BDF0];
	v15 =	vmul.f32 v17, v17  }
0xf7: {  	v5 =	vadd.f32 v19, v16;
	s4 =	simm.s32 $0x400;
	s0 =	simm.s32 $0x80;
	v16 =	vmul.f32 v18, v18;
	v14 =	vld [tilespmem:s7+$0x1BE00];
	v9 =	vadd.f32 v63, v9  }
.LBB2_13:
0xf8: {  	p0 =	sne.s32 s4, $0x9E00;
	v17 =	vld [tilespmem:s0+$0x1BE10];
	v2 =	vadd.f32 v15, v2;
	v10 =	vmul.f32 v10, v10  }
0xf9: {  	v15 =	vld [tilespmem:s0+$0x1BDA0];
	v3 =	vadd.f32 v16, v3;
	v12 =	vmul.f32 v12, v12  }
0xfa: {  	v16 =	vld [tilespmem:s0+$0x1BDB0];
	v7 =	vadd.f32 v10, v7;
	v11 =	vmul.f32 v11, v11  }
.Ltmp5:
0xfb: {  	v10 =	vld [tilespmem:s0+$0x1BDC0];
	v8 =	vadd.f32 v12, v8;
	v13 =	vmul.f32 v13, v13;
	(pc) =	sbr.rel @p0 .LBB2_13-.Ltmp5, $4  }
0xfc: {  	v12 =	vld [tilespmem:s0+$0x1BDD0];
	v6 =	vadd.f32 v11, v6;
	v14 =	vmul.f32 v14, v14  }
0xfd: {  	v11 =	vld [tilespmem:s0+$0x1BDE0];
	v17 =	vmul.f32 v17, v17;
	v4 =	vadd.f32 v13, v4  }
0xfe: {  	v15 =	vmul.f32 v15, v15;
	v13 =	vld [tilespmem:s0+$0x1BDF0];
	v5 =	vadd.f32 v14, v5  }
0xff: {  	v16 =	vmul.f32 v16, v16;
	v14 =	vld [tilespmem:s0+$0x1BE00];
	s0 =	sshra.s32 s4, $0x2;
	s4 =	sadd.s32 $0x200, s4;
	v9 =	vadd.f32 v17, v9  }
0x100: {  	v17 =	vld [tilespmem:s0+$0x1BE10]  }
0x101: {  	v18 =	vld [tilespmem:s0+$0x1BDA0]  }
0x102: {  	v19 =	vld [tilespmem:s0+$0x1BDB0]  }
0x103: {  	v20 =	vld [tilespmem:s0+$0x1BDC0]  }
0x104: {  	v21 =	vld [tilespmem:s0+$0x1BDD0]  }
0x105: {  	v22 =	vld [tilespmem:s0+$0x1BDE0]  }
0x106: {  	v23 =	vld [tilespmem:s0+$0x1BDF0]  }
0x107: {  	v24 =	vld [tilespmem:s0+$0x1BE00];
	_ =	swait.ge [sflag:s25], $0x2800  }
0x108: {  	[sflag:s25] =	ssyncset.done $0x0  }
0x109: {  	[sflag:s25] =	ssyncadd.s32 $0xFFFFD800  }
0x10a: {  	_ =	swait.ge [sflag:s2], $0x50  }
0x10b: {  	[sflag:s2] =	ssyncset.done $0x0  }
0x10c: {  	[sflag:s2] =	ssyncadd.s32 $0xFFFFFFB0  }
0x10d: {  	_ =	swait.ge [sflag:s2], $0x50  }
0x10e: {  	[sflag:s2] =	ssyncset.done $0x0  }
0x10f: {  	[sflag:s2] =	ssyncadd.s32 $0xFFFFFFB0  }
0x110: {  	_ =	swait.ge [sflag:s2], $0x500  }
0x111: {  	[sflag:s2] =	ssyncset.done $0x0  }
0x112: {  	v10 =	vmul.f32 v10, v10;
	[sflag:s2] =	ssyncadd.s32 $0xFFFFFB00  }
0x113: {  	v2 =	vadd.f32 v15, v2;
	v12 =	vmul.f32 v12, v12;
	[tilespmem:s15], [sflag:$0x1] =	stream.indirect.gather [hbm4b:s8+s14], $0x80, s31, s14, $0xb8;
	[tilespmem:$0x1FB40] =	vst v63  }
0x114: {  	v3 =	vadd.f32 v16, v3;
	v10 =	vadd.f32 v10, v7;
	v7 =	vmul.f32 v11, v11;
	_ =	swait.ge [sflag:s25], $0x500  }
0x115: {  	v11 =	vadd.f32 v12, v8;
	v8 =	vmul.f32 v13, v13;
	v61 =	vmul.f32 v14, v14;
	[sflag:s25] =	ssyncset.done $0x0  }
0x116: {  	s3 =	sadd.s32 $0x1, s3;
	v62 =	vadd.f32 v7, v6;
	v6 =	vmul.f32 v17, v17;
	v7 =	vmul.f32 v18, v18;
	[sflag:s25] =	ssyncadd.s32 $0xFFFFFB00  }
0x117: {  	p0 =	sne.s32 s3, $0x3E;
	v63 =	vadd.f32 v8, v4;
	v4 =	vmul.f32 v19, v19;
	v12 =	vadd.f32 v61, v5;
	_ =	swait.ge [sflag:s25], $0x500  }
.Ltmp6:
0x118: {  	v9 =	vadd.f32 v6, v9;
	v8 =	vadd.f32 v7, v2;
	v2 =	vmul.f32 v20, v20;
	[sflag:s25] =	ssyncset.done $0x0;
	(pc) =	sbr.rel @p0 .LBB2_10-.Ltmp6, $4  }
0x119: {  	v7 =	vadd.f32 v4, v3;
	v3 =	vmul.f32 v21, v21;
	v4 =	vmul.f32 v22, v22;
	[sflag:s25] =	ssyncadd.s32 $0xFFFFFB00  }
0x11a: {  	v5 =	vadd.f32 v2, v10;
	v2 =	vmul.f32 v23, v23;
	v10 =	vmul.f32 v24, v24;
	_ =	swait.ge [sflag:s25], $0x500  }
0x11b: {  	v6 =	vadd.f32 v3, v11;
	v4 =	vadd.f32 v4, v62;
	[sflag:s25] =	ssyncset.done $0x0  }
0x11c: {  	v3 =	vadd.f32 v2, v63;
	v2 =	vadd.f32 v10, v12;
	[sflag:s25] =	ssyncadd.s32 $0xFFFFFB00  }
0x11d: {  	_ =	swait.ge [sflag:s16], $0x2800  }
0x11e: {  	[sflag:s16] =	ssyncset.done $0x0  }
0x11f: {  	[sflag:s16] =	ssyncadd.s32 $0xFFFFD800  }
0x120: {  	s0 =	rddreg [dreg:$0x4]  }
0x121: {  	[spmem:s0] =	stream.indirect.scatter.add.f32 [tilespmem:s15], [sflag:$0x3], $0x80, s30, s14, $0xb8;
	[tilespmem:$0x1FB40] =	vst v63  }
0x122: {  	s7 =	rddreg [dreg:$0x5]  }
0x123: {  	[spmem:s7] =	stream.indirect.scatter.add.f32 [tilespmem:s6], [sflag:$0x3], $0x10, s30, s14, $0xb8;
	[tilespmem:$0x1FB40] =	vst v63  }
0x124: {  	s8 =	rddreg [dreg:$0x6]  }
0x125: {  	[spmem:s8] =	stream.indirect.scatter.add.f32 [tilespmem:s6], [sflag:$0x3], $0x10, s31, s14, $0xb8;
	[tilespmem:$0x1FB40] =	vst v63  }
0x126: {  	s1 =	simm.s32 $0x1EB40;
	s3 =	simm.s32 $0x0;
	s17 =	rddreg [dreg:$0x7]  }
0x127: {  	[spmem:s17] =	stream.indirect.scatter.add.f32 [tilespmem:s1], [sflag:$0x3], $0x10, s30, s14, $0xb8;
	[tilespmem:$0x1FB40] =	vst v63  }
0x128: {  	v10 =	vld [tilespmem:s3+$0x1BE10]  }
0x129: {  	v11 =	vld [tilespmem:s3+$0x1BDA0]  }
0x12a: {  	v15 =	vld [tilespmem:s3+$0x1BDB0]  }
0x12b: {  	v13 =	vld [tilespmem:s3+$0x1BDC0]  }
0x12c: {  	v14 =	vld [tilespmem:s3+$0x1BDD0]  }
0x12d: {  	v12 =	vld [tilespmem:s3+$0x1BDE0];
	v17 =	vmul.f32 v10, v10  }
0x12e: {  	v10 =	vld [tilespmem:s3+$0x1BDF0];
	v16 =	vmul.f32 v11, v11  }
0x12f: {  	s0 =	simm.s32 $0x80;
	s1 =	simm.s32 $0x400;
	v15 =	vmul.f32 v15, v15;
	v11 =	vld [tilespmem:s3+$0x1BE00];
	v9 =	vadd.f32 v17, v9  }
.LBB2_16:
0x130: {  	p0 =	sne.s32 s1, $0x9E00;
	v17 =	vld [tilespmem:s0+$0x1BE10];
	v8 =	vadd.f32 v16, v8;
	v13 =	vmul.f32 v13, v13  }
0x131: {  	v16 =	vld [tilespmem:s0+$0x1BDA0];
	v7 =	vadd.f32 v15, v7;
	v14 =	vmul.f32 v14, v14  }
0x132: {  	v15 =	vld [tilespmem:s0+$0x1BDB0];
	v5 =	vadd.f32 v13, v5;
	v12 =	vmul.f32 v12, v12  }
.Ltmp7:
0x133: {  	v13 =	vld [tilespmem:s0+$0x1BDC0];
	v6 =	vadd.f32 v14, v6;
	v10 =	vmul.f32 v10, v10;
	(pc) =	sbr.rel @p0 .LBB2_16-.Ltmp7, $4  }
0x134: {  	v14 =	vld [tilespmem:s0+$0x1BDD0];
	v4 =	vadd.f32 v12, v4;
	v11 =	vmul.f32 v11, v11  }
0x135: {  	v12 =	vld [tilespmem:s0+$0x1BDE0];
	v17 =	vmul.f32 v17, v17;
	v3 =	vadd.f32 v10, v3  }
0x136: {  	v16 =	vmul.f32 v16, v16;
	v10 =	vld [tilespmem:s0+$0x1BDF0];
	v2 =	vadd.f32 v11, v2  }
0x137: {  	v15 =	vmul.f32 v15, v15;
	v11 =	vld [tilespmem:s0+$0x1BE00];
	s0 =	sshra.s32 s1, $0x2;
	s1 =	sadd.s32 $0x200, s1;
	v9 =	vadd.f32 v17, v9  }
0x138: {  	v17 =	vld [tilespmem:s0+$0x1BE10]  }
0x139: {  	v18 =	vld [tilespmem:s0+$0x1BDA0]  }
0x13a: {  	v19 =	vld [tilespmem:s0+$0x1BDB0]  }
0x13b: {  	v20 =	vld [tilespmem:s0+$0x1BDC0]  }
0x13c: {  	v21 =	vld [tilespmem:s0+$0x1BDD0]  }
0x13d: {  	v22 =	vld [tilespmem:s0+$0x1BDE0]  }
0x13e: {  	v23 =	vld [tilespmem:s0+$0x1BDF0]  }
0x13f: {  	v24 =	vld [tilespmem:s0+$0x1BE00];
	_ =	swait.ge [sflag:s25], $0x2800  }
0x140: {  	[sflag:s25] =	ssyncset.done $0x0  }
0x141: {  	[sflag:s25] =	ssyncadd.s32 $0xFFFFD800  }
0x142: {  	_ =	swait.ge [sflag:s25], $0x500  }
0x143: {  	[sflag:s25] =	ssyncset.done $0x0  }
0x144: {  	[sflag:s25] =	ssyncadd.s32 $0xFFFFFB00  }
0x145: {  	_ =	swait.ge [sflag:s25], $0x500  }
0x146: {  	v8 =	vadd.f32 v16, v8;
	v13 =	vmul.f32 v13, v13;
	v14 =	vmul.f32 v14, v14;
	[sflag:s25] =	ssyncset.done $0x0  }
0x147: {  	v7 =	vadd.f32 v15, v7;
	v12 =	vmul.f32 v12, v12;
	v55 =	vmul.f32 v18, v18;
	[sflag:s25] =	ssyncadd.s32 $0xFFFFFB00  }
0x148: {  	v5 =	vadd.f32 v13, v5;
	v6 =	vadd.f32 v14, v6;
	v56 =	vmul.f32 v19, v19;
	_ =	swait.ge [sflag:s25], $0x500  }
0x149: {  	v10 =	vmul.f32 v10, v10;
	v57 =	vmul.f32 v20, v20;
	v8 =	vadd.f32 v55, v8;
	[sflag:s25] =	ssyncset.done $0x0  }
0x14a: {  	v4 =	vadd.f32 v12, v4;
	v58 =	vmul.f32 v21, v21;
	v7 =	vadd.f32 v56, v7;
	[sflag:s25] =	ssyncadd.s32 $0xFFFFFB00  }
0x14b: {  	v11 =	vmul.f32 v11, v11;
	v59 =	vmul.f32 v22, v22;
	v5 =	vadd.f32 v57, v5;
	[tilespmem:$0x1FAC0] =	vst v8  }
0x14c: {  	v3 =	vadd.f32 v10, v3;
	v60 =	vmul.f32 v23, v23;
	v6 =	vadd.f32 v58, v6;
	[tilespmem:$0x1FAD0] =	vst v7  }
0x14d: {  	v61 =	vmul.f32 v24, v24;
	v2 =	vadd.f32 v11, v2;
	v4 =	vadd.f32 v59, v4;
	[tilespmem:$0x1FAE0] =	vst v5  }
0x14e: {  	v62 =	vmul.f32 v17, v17;
	v3 =	vadd.f32 v60, v3;
	[tilespmem:$0x1FAF0] =	vst v6  }
0x14f: {  	v2 =	vadd.f32 v61, v2;
	[tilespmem:$0x1FB00] =	vst v4  }
0x150: {  	v63 =	vadd.f32 v62, v9;
	[tilespmem:$0x1FB10] =	vst v3  }
0x151: {  	[tilespmem:$0x1FB20] =	vst v2  }
0x152: {  	s0 =	simm.s32 $0x0;
	s3 =	simm.s32 $0x1FAC0;
	s1 =	rddreg [dreg:$0xc];
	[tilespmem:$0x1FB30] =	vst v63  }
0x153: {  	[hbm4b:s1+s0] =	stream.linear.scatter [tilespmem:s3], [sflag:$0x4], $0x80, $0x38;
	[tilespmem:$0x1FB40] =	vst v63  }
0x154: {  	_ =	swait.ge [sflag:s28], $0x80  }
0x155: {  	[sflag:s28] =	ssyncset.done $0x0  }
0x156: {  	[sflag:s28] =	ssyncadd.s32 $0xFFFFFF80  }
0x157: {  	[bflag:$0x0] =	sbarrier.arrive $0xFFFF  }
0x158: {  	[tilespmem:s26], [sflag:$0x4] =	stream.linear.gather [spmem:s13], $0x800, $0x38;
	[tilespmem:$0x1FB40] =	vst v63  }
0x159: {  	_ =	swait.ge [sflag:s28], $0x800  }
0x15a: {  	[sflag:s28] =	ssyncset.done $0x0  }
0x15b: {  	s17 =	sadd.s32 $0x0, s22;
	[sflag:s28] =	ssyncadd.s32 $0xFFFFF800  }
0x15c: {  	[hbm4b:s17+s0] =	stream.linear.scatter [tilespmem:s26], [sflag:$0x4], $0x800, $0x38;
	[tilespmem:$0x1FB40] =	vst v63  }
0x15d: {  	_ =	swait.ge [sflag:s28], $0x800  }
0x15e: {  	s1 =	simm.s32 $0x100;
	s3 =	smov.u32 s13;
	[sflag:s28] =	ssyncset.done $0x0  }
.LBB2_18:
0x15f: {  	p0 =	sne.s32 s1, $0x2700;
	[sflag:s28] =	ssyncadd.s32 $0xFFFFF800;
	s3 =	sadd.s32 $0x800, s3  }
0x160: {  	[tilespmem:s26], [sflag:$0x4] =	stream.linear.gather [spmem:s3], $0x800, $0x38;
	[tilespmem:$0x1FB40] =	vst v63  }
0x161: {  	s4 =	smov.u32 s1;
	s1 =	sadd.s32 $0x100, s1;
	_ =	swait.ge [sflag:s28], $0x800  }
.Ltmp8:
0x162: {  	[sflag:s28] =	ssyncset.done $0x0;
	(pc) =	sbr.rel @p0 .LBB2_18-.Ltmp8, $4  }
0x163: {  	s4 =	sadd.s32 s4, s22;
	[sflag:s28] =	ssyncadd.s32 $0xFFFFF800  }
0x164: {  	[hbm4b:s4+s0] =	stream.linear.scatter [tilespmem:s26], [sflag:$0x4], $0x800, $0x38;
	[tilespmem:$0x1FB40] =	vst v63  }
0x165: {  	_ =	swait.ge [sflag:s28], $0x800  }
0x166: {  	[sflag:s28] =	ssyncset.done $0x0  }
0x167: {  	[sflag:s28] =	ssyncadd.s32 $0xFFFFF800;
	s0 =	sadd.s32 $0x0, s19  }
0x168: {  	[tilespmem:s29], [sflag:$0x4] =	stream.linear.gather [spmem:s0], $0x280, $0x38;
	[tilespmem:$0x1FB40] =	vst v63  }
0x169: {  	_ =	swait.ge [sflag:s28], $0x280  }
0x16a: {  	[sflag:s28] =	ssyncset.done $0x0  }
0x16b: {  	s4 =	rddreg [dreg:$0x10];
	[sflag:s28] =	ssyncadd.s32 $0xFFFFFD80  }
0x16c: {  	[hbm4b:s4+s9] =	stream.linear.scatter [tilespmem:s29], [sflag:$0x4], $0x280, $0x38;
	[tilespmem:$0x1FB40] =	vst v63  }
0x16d: {  	_ =	swait.ge [sflag:s28], $0x280  }
0x16e: {  	[sflag:s28] =	ssyncset.done $0x0  }
0x16f: {  	s8 =	sadd.s32 $0x0, s20;
	[sflag:s28] =	ssyncadd.s32 $0xFFFFFD80  }
0x170: {  	[tilespmem:s29], [sflag:$0x4] =	stream.linear.gather [spmem:s8], $0x280, $0x38;
	[tilespmem:$0x1FB40] =	vst v63  }
0x171: {  	_ =	swait.ge [sflag:s28], $0x280  }
0x172: {  	[sflag:s28] =	ssyncset.done $0x0  }
0x173: {  	s3 =	rddreg [dreg:$0xf];
	[sflag:s28] =	ssyncadd.s32 $0xFFFFFD80  }
0x174: {  	[hbm4b:s3+s9] =	stream.linear.scatter [tilespmem:s29], [sflag:$0x4], $0x280, $0x38;
	[tilespmem:$0x1FB40] =	vst v63  }
0x175: {  	_ =	swait.ge [sflag:s28], $0x280  }
0x176: {  	[sflag:s28] =	ssyncset.done $0x0  }
0x177: {  	s17 =	sadd.s32 $0x0, s21;
	[sflag:s28] =	ssyncadd.s32 $0xFFFFFD80  }
0x178: {  	[tilespmem:s29], [sflag:$0x4] =	stream.linear.gather [spmem:s17], $0x280, $0x38;
	[tilespmem:$0x1FB40] =	vst v63  }
0x179: {  	_ =	swait.ge [sflag:s28], $0x280  }
0x17a: {  	[sflag:s28] =	ssyncset.done $0x0  }
0x17b: {  	s5 =	simm.s32 $0x1400;
	s1 =	rddreg [dreg:$0xe];
	[sflag:s28] =	ssyncadd.s32 $0xFFFFFD80  }
0x17c: {  	[hbm4b:s1+s9] =	stream.linear.scatter [tilespmem:s29], [sflag:$0x4], $0x280, $0x38;
	[tilespmem:$0x1FB40] =	vst v63  }
0x17d: {  	s0 =	sadd.s32 $0x50, s4;
	s4 =	simm.s32 $0x280;
	_ =	swait.ge [sflag:s28], $0x280  }
0x17e: {  	s3 =	sadd.s32 $0x50, s3;
	s1 =	sadd.s32 $0x50, s1;
	[sflag:s28] =	ssyncset.done $0x0  }
.LBB2_20:
0x17f: {  	s7 =	sadd.s32 s4, s19  }
0x180: {  	[sflag:s28] =	ssyncadd.s32 $0xFFFFFD80;
	s8 =	smov.u32 s5;
	s17 =	sadd.s32 $0xA00, s5  }
0x181: {  	[tilespmem:s29], [sflag:$0x4] =	stream.linear.gather [spmem:s7], $0x280, $0x38;
	[tilespmem:$0x1FB40] =	vst v63  }
0x182: {  	p0 =	sne.s32 s5, $0x9600;
	_ =	swait.ge [sflag:s28], $0x280  }
0x183: {  	[sflag:s28] =	ssyncset.done $0x0  }
0x184: {  	[sflag:s28] =	ssyncadd.s32 $0xFFFFFD80  }
0x185: {  	[hbm4b:s0+s9] =	stream.linear.scatter [tilespmem:s29], [sflag:$0x4], $0x280, $0x38;
	[tilespmem:$0x1FB40] =	vst v63  }
0x186: {  	_ =	swait.ge [sflag:s28], $0x280  }
0x187: {  	[sflag:s28] =	ssyncset.done $0x0  }
0x188: {  	s5 =	sadd.s32 s4, s20;
	[sflag:s28] =	ssyncadd.s32 $0xFFFFFD80  }
0x189: {  	[tilespmem:s29], [sflag:$0x4] =	stream.linear.gather [spmem:s5], $0x280, $0x38;
	[tilespmem:$0x1FB40] =	vst v63  }
0x18a: {  	_ =	swait.ge [sflag:s28], $0x280  }
0x18b: {  	[sflag:s28] =	ssyncset.done $0x0  }
0x18c: {  	[sflag:s28] =	ssyncadd.s32 $0xFFFFFD80  }
0x18d: {  	[hbm4b:s3+s9] =	stream.linear.scatter [tilespmem:s29], [sflag:$0x4], $0x280, $0x38;
	[tilespmem:$0x1FB40] =	vst v63  }
0x18e: {  	_ =	swait.ge [sflag:s28], $0x280  }
0x18f: {  	[sflag:s28] =	ssyncset.done $0x0  }
0x190: {  	s4 =	sadd.s32 s4, s21;
	[sflag:s28] =	ssyncadd.s32 $0xFFFFFD80  }
0x191: {  	[tilespmem:s29], [sflag:$0x4] =	stream.linear.gather [spmem:s4], $0x280, $0x38;
	[tilespmem:$0x1FB40] =	vst v63  }
0x192: {  	_ =	swait.ge [sflag:s28], $0x280  }
.Ltmp9:
0x193: {  	[sflag:s28] =	ssyncset.done $0x0;
	(pc) =	sbr.rel @p0 .LBB2_20-.Ltmp9, $4  }
0x194: {  	s0 =	sadd.s32 $0x50, s0;
	[sflag:s28] =	ssyncadd.s32 $0xFFFFFD80  }
0x195: {  	[hbm4b:s1+s9] =	stream.linear.scatter [tilespmem:s29], [sflag:$0x4], $0x280, $0x38;
	[tilespmem:$0x1FB40] =	vst v63  }
0x196: {  	s5 =	smov.u32 s17;
	s3 =	sadd.s32 $0x50, s3;
	_ =	swait.ge [sflag:s28], $0x280  }
0x197: {  	s4 =	sshra.s32 s8, $0x2;
	s1 =	sadd.s32 $0x50, s1;
	[sflag:s28] =	ssyncset.done $0x0  }
0x198: {  	s5 =	sadd.s32 s4, s19;
	[sflag:s28] =	ssyncadd.s32 $0xFFFFFD80  }
0x199: {  	[tilespmem:s29], [sflag:$0x4] =	stream.linear.gather [spmem:s5], $0x280, $0x38;
	[tilespmem:$0x1FB40] =	vst v63  }
0x19a: {  	_ =	swait.ge [sflag:s28], $0x280  }
0x19b: {  	[sflag:s28] =	ssyncset.done $0x0  }
0x19c: {  	[sflag:s28] =	ssyncadd.s32 $0xFFFFFD80  }
0x19d: {  	[hbm4b:s0+s9] =	stream.linear.scatter [tilespmem:s29], [sflag:$0x4], $0x280, $0x38;
	[tilespmem:$0x1FB40] =	vst v63  }
0x19e: {  	_ =	swait.ge [sflag:s28], $0x280  }
0x19f: {  	[sflag:s28] =	ssyncset.done $0x0  }
0x1a0: {  	s5 =	sadd.s32 s4, s20;
	[sflag:s28] =	ssyncadd.s32 $0xFFFFFD80  }
0x1a1: {  	[tilespmem:s29], [sflag:$0x4] =	stream.linear.gather [spmem:s5], $0x280, $0x38;
	[tilespmem:$0x1FB40] =	vst v63  }
0x1a2: {  	_ =	swait.ge [sflag:s28], $0x280  }
0x1a3: {  	[sflag:s28] =	ssyncset.done $0x0  }
0x1a4: {  	[sflag:s28] =	ssyncadd.s32 $0xFFFFFD80  }
0x1a5: {  	[hbm4b:s3+s9] =	stream.linear.scatter [tilespmem:s29], [sflag:$0x4], $0x280, $0x38;
	[tilespmem:$0x1FB40] =	vst v63  }
0x1a6: {  	_ =	swait.ge [sflag:s28], $0x280  }
0x1a7: {  	[sflag:s28] =	ssyncset.done $0x0  }
0x1a8: {  	s7 =	sadd.s32 s4, s21;
	[sflag:s28] =	ssyncadd.s32 $0xFFFFFD80  }
0x1a9: {  	[tilespmem:s29], [sflag:$0x4] =	stream.linear.gather [spmem:s7], $0x280, $0x38;
	[tilespmem:$0x1FB40] =	vst v63  }
0x1aa: {  	_ =	swait.ge [sflag:s28], $0x280  }
0x1ab: {  	[sflag:s28] =	ssyncset.done $0x0  }
0x1ac: {  	[sflag:s28] =	ssyncadd.s32 $0xFFFFFD80  }
0x1ad: {  	[hbm4b:s1+s9] =	stream.linear.scatter [tilespmem:s29], [sflag:$0x4], $0x280, $0x38;
	[tilespmem:$0x1FB40] =	vst v63  }
0x1ae: {  	_ =	swait.ge [sflag:s28], $0x280  }
0x1af: {  	s8 =	rddreg [dreg:$0x11]  }
0x1b0: {  	s17 =	rddreg [dreg:$0xd];
	s1 =	sadd.s32 $0x1, s8  }
0x1b1: {  	p0 =	sne.s32 s1, s17  }
.Ltmp10:
0x1b2: {  	_ = 	snop;
	(pc) =	sbr.rel @p0 .LBB2_1-.Ltmp10, $4  }
0x1b3: {  	[sflag:s28] =	ssyncset.done $0x0  }
0x1b4: {  	[sflag:s28] =	ssyncadd.s32 $0xFFFFFD80  }
0x1b5: {  	s8 =	rddreg [dreg:$0x0]  }
0x1b6: {  	s17 =	rddreg [dreg:$0x2]  }
0x1b7: {  	_ =	sfence.sel $0x180000  }
0x1b8: {  	[bflag:$0x0] =	sbarrier.arrive $0xFFFF  }
0x1b9: {  	_ =	strace $0x90000047  }
0x1ba: {  	s0 =	stileid.u32;
	[bflag:$0x2] =	sbarrier.arrive $0xFFFF  }
0x1bb: {  	p0 =	sne.s32 s0, $0x0;
	s0 =	rddreg [dreg:$0x8]  }
0x1bc: {  	s0 =	sadd.s32 @!p0 $0x100000, s0  }
0x1bd: {  	[sflag:s0] =	ssyncadd.tile.s32 @!p0 $0x1;
	_ =	shalt  }
.Lfunc_end2:
_tile_overlayer_lowered:
.L_overlay_start_2:
0x1be: {  	(tag) =	ssettag $0x2  }
0x1bf: {  	s0 =	rddreg [dreg:$0x0];
	s2 =	stileid.u32  }
0x1c0: {  	s1 =	rddreg [dreg:$0x1];
	p0 =	sne.s32 s2, $0x0  }
0x1c1: {  	s3 =	rddreg [dreg:$0x2];
	[bflag:$0x3] =	sbarrier.arrive $0xFFFF;
	s2 =	simm.s32 @!p0 $0x1C04  }
0x1c2: {  	[timem:s3], [sflag:s2] =	dma.local @!p0 [hbm:s0], s1  }
0x1c3: {  	s0 =	simm.s32 @!p0 $0x4  }
0x1c4: {  	_ =	swait.ge @!p0 [sflag:s0], s1  }
0x1c5: {  	s1 =	ssub.s32 @!p0 $0x0, s1;
	[sflag:s0] =	ssyncset.done @!p0 $0x0  }
0x1c6: {  	[sflag:s0] =	ssyncadd.s32 @!p0 s1  }
0x1c7: {  	[bflag:$0x3] =	sbarrier.arrive $0xFFFF  }
0x1c8: {  	_ =	shalt  }

</sc_bundles>
